<compile_context>
chip_gen: v7x
topology: tpu7x:2x2x1
jax: 0.10.2.dev20260603
libtpu: 0.0.44.dev20260713+nightly
codegen_flags: <defaults>
</compile_context>

<pallas_src>
import functools

import jax
import jax.numpy as jnp
from jax import lax
from jax.experimental import pallas as pl
from jax.experimental.pallas import tpu as pltpu
from jax.experimental.pallas import tpu_sc as plsc

_N = 10000
_E = 160000
_F = 256
_H = 512
_C = 128

_NS = 16
_NC = 2
_CH = 128
_E_PAD = 163840
_ACC = 10240
_ZR = _ACC // _NS
_OFF = 11000
_DUMMY = _N

_f32 = jnp.float32
_i32 = jnp.int32

_mesh = plsc.VectorSubcoreMesh(core_axis_name="c", subcore_axis_name="s")


@functools.partial(
    pl.kernel,
    out_type=jax.ShapeDtypeStruct((_OFF + _ACC, 128), _f32),
    mesh=_mesh,
    scratch_types=[
        pltpu.VMEM((_CH, 128), _f32),
        pltpu.VMEM((_E_PAD // (2 * _NS) // _CH, _CH), _i32),
        pltpu.VMEM_SHARED((_ACC, 128), _f32),
    ],
)
def _deg_k(colp, ones_in, zer, pp, ones_v, idxc, acc):
    c = lax.axis_index("c")
    s = lax.axis_index("s")
    nch = _E_PAD // (2 * _NS) // _CH
    pltpu.sync_copy(zer, acc.at[pl.ds(s * _ZR, _ZR)])
    pltpu.sync_copy(ones_in, ones_v)
    pltpu.sync_copy(colp.at[pl.ds((c * _NS + s) * nch, nch)], idxc)
    plsc.subcore_barrier()

    def chunk(k, carry):
        pltpu.sync_copy(ones_v, acc.at[idxc.at[k]], add=True)
        return carry

    lax.fori_loop(0, nch, chunk, 0)
    plsc.subcore_barrier()
    pltpu.sync_copy(acc.at[pl.ds(s * _ZR, _ZR)],
                    pp.at[pl.ds(c * _OFF + s * _ZR, _ZR)])


@functools.partial(
    pl.kernel,
    out_type=jax.ShapeDtypeStruct((_OFF + _ACC, 128), _f32),
    mesh=_mesh,
    scratch_types=[
        pltpu.VMEM((_E_PAD // (2 * _NS) // _CH, _CH), _i32),
        pltpu.VMEM((_E_PAD // (2 * _NS) // _CH, _CH), _i32),
        pltpu.VMEM((_CH, 128), _f32),
        pltpu.VMEM((_CH, 128), _f32),
        pltpu.VMEM_SHARED((_ACC, 128), _f32),
        pltpu.SemaphoreType.DMA,
        pltpu.SemaphoreType.DMA,
    ],
)
def _agg1_k(ya, yb, rowp, colp, zer, out, idxr, idxc, r0, r1, acc, s0, s1):
    c = lax.axis_index("c")
    s = lax.axis_index("s")
    nch = _E_PAD // _NS // _CH
    nh = nch // 2
    pltpu.sync_copy(zer, acc.at[pl.ds(s * _ZR, _ZR)])
    plsc.subcore_barrier()

    def run(y_ref):
        for p in range(2):
            pltpu.sync_copy(rowp.at[pl.ds(s * nch + p * nh, nh)], idxr)
            pltpu.sync_copy(colp.at[pl.ds(s * nch + p * nh, nh)], idxc)
            pltpu.async_copy(y_ref.at[idxr.at[0]], r0, s0)
            pltpu.async_copy(y_ref.at[idxr.at[1]], r1, s1)

            def group(g, carry):
                k = 2 * g
                pltpu.make_async_copy(y_ref.at[idxr.at[k]], r0, s0).wait()
                pltpu.sync_copy(r0, acc.at[idxc.at[k]], add=True)
                pltpu.async_copy(y_ref.at[idxr.at[k + 2]], r0, s0)
                pltpu.make_async_copy(y_ref.at[idxr.at[k + 1]], r1, s1).wait()
                pltpu.sync_copy(r1, acc.at[idxc.at[k + 1]], add=True)
                pltpu.async_copy(y_ref.at[idxr.at[k + 3]], r1, s1)
                return carry

            lax.fori_loop(0, nh // 2 - 1, group, 0)
            pltpu.make_async_copy(y_ref.at[idxr.at[nh - 2]], r0, s0).wait()
            pltpu.sync_copy(r0, acc.at[idxc.at[nh - 2]], add=True)
            pltpu.make_async_copy(y_ref.at[idxr.at[nh - 1]], r1, s1).wait()
            pltpu.sync_copy(r1, acc.at[idxc.at[nh - 1]], add=True)

    @pl.when(c == 0)
    def _():
        run(ya)

    @pl.when(c == 1)
    def _():
        run(yb)

    plsc.subcore_barrier()
    pltpu.sync_copy(acc.at[pl.ds(s * _ZR, _ZR)],
                    out.at[pl.ds(c * _OFF + s * _ZR, _ZR)])


@functools.partial(
    pl.kernel,
    out_type=jax.ShapeDtypeStruct((_OFF + _ACC, 128), _f32),
    mesh=_mesh,
    scratch_types=[
        pltpu.VMEM((_E_PAD // (2 * _NS) // _CH, _CH), _i32),
        pltpu.VMEM((_E_PAD // (2 * _NS) // _CH, _CH), _i32),
        pltpu.VMEM((_CH, 128), _f32),
        pltpu.VMEM((_CH, 128), _f32),
        pltpu.VMEM_SHARED((_ACC, 128), _f32),
        pltpu.SemaphoreType.DMA,
        pltpu.SemaphoreType.DMA,
    ],
)
def _agg2_k(y2, rowp, colp, zer, qq, idxr, idxc, r0, r1, acc, s0, s1):
    c = lax.axis_index("c")
    s = lax.axis_index("s")
    nch = _E_PAD // (2 * _NS) // _CH
    pltpu.sync_copy(zer, acc.at[pl.ds(s * _ZR, _ZR)])
    tbase = (c * _NS + s) * nch
    pltpu.sync_copy(rowp.at[pl.ds(tbase, nch)], idxr)
    pltpu.sync_copy(colp.at[pl.ds(tbase, nch)], idxc)
    plsc.subcore_barrier()

    pltpu.async_copy(y2.at[idxr.at[0]], r0, s0)
    pltpu.async_copy(y2.at[idxr.at[1]], r1, s1)

    def group(g, carry):
        k = 2 * g
        pltpu.make_async_copy(y2.at[idxr.at[k]], r0, s0).wait()
        pltpu.sync_copy(r0, acc.at[idxc.at[k]], add=True)
        pltpu.async_copy(y2.at[idxr.at[k + 2]], r0, s0)
        pltpu.make_async_copy(y2.at[idxr.at[k + 1]], r1, s1).wait()
        pltpu.sync_copy(r1, acc.at[idxc.at[k + 1]], add=True)
        pltpu.async_copy(y2.at[idxr.at[k + 3]], r1, s1)
        return carry

    lax.fori_loop(0, nch // 2 - 1, group, 0)
    pltpu.make_async_copy(y2.at[idxr.at[nch - 2]], r0, s0).wait()
    pltpu.sync_copy(r0, acc.at[idxc.at[nch - 2]], add=True)
    pltpu.make_async_copy(y2.at[idxr.at[nch - 1]], r1, s1).wait()
    pltpu.sync_copy(r1, acc.at[idxc.at[nch - 1]], add=True)

    plsc.subcore_barrier()
    pltpu.sync_copy(acc.at[pl.ds(s * _ZR, _ZR)],
                    qq.at[pl.ds(c * _OFF + s * _ZR, _ZR)])


def _edgeprep_body(row_ref, col_ref, rowp_ref, colp_ref):
    rv = row_ref[...]
    cv = col_ref[...]
    cp = jnp.where(rv == cv, _DUMMY, cv)
    nprow = (_E_PAD - _E) // 128
    j = (lax.broadcasted_iota(_i32, (nprow, 128), 0) * 128 +
         lax.broadcasted_iota(_i32, (nprow, 128), 1))
    rowp_ref[...] = jnp.concatenate([rv, j % _N], axis=0)
    colp_ref[...] = jnp.concatenate([cp, _N + 1 + j % (_ACC - _N - 1)], axis=0)


def _pairnorm_body(x_ref, h_ref):
    xv = x_ref[...]
    m = jnp.mean(xv, axis=0, keepdims=True)
    xc = xv - m
    ms = jnp.sum(xc * xc) / _N
    h_ref[...] = xc / jnp.sqrt(1e-5 + ms)


def _scale_body(h_ref, pp_ref, ya_ref, yb_ref, dis_ref, invd_ref):
    pv = pp_ref[...]
    cnt = pv[:_N, 0:1] + pv[_OFF:_OFF + _N, 0:1]
    deg = cnt + 1.0
    dis = lax.rsqrt(deg)
    invd = 1.0 / deg
    y = h_ref[...] * dis
    ya_ref[...] = y[:, :128]
    yb_ref[...] = y[:, 128:]
    dis_ref[...] = dis
    invd_ref[...] = invd


def _mlp_body(a_ref, b_ref, h_ref, dis_ref, invd_ref, W1_ref, b1_ref, W2_ref,
              b2_ref, y2_ref, s2_ref):
    agg1 = jnp.concatenate([a_ref[...], b_ref[...]], axis=1)
    fa = dis_ref[...] * agg1 + invd_ref[...] * h_ref[...]
    t = jnp.dot(fa, W1_ref[...], preferred_element_type=_f32) + b1_ref[...]
    t = jnp.where(t > 0, t, 0.01 * t)
    xw2 = jnp.dot(t, W2_ref[...], preferred_element_type=_f32)
    y2_ref[...] = dis_ref[...] * xw2
    s2_ref[...] = invd_ref[...] * xw2 + b2_ref[...]


def _final_body(q0_ref, q1_ref, dis_ref, s2_ref, o_ref):
    o_ref[...] = dis_ref[...] * (q0_ref[...] + q1_ref[...]) + s2_ref[...]


_BR = 1000


def _mlp_call(oa, ob, h, dis, invd, W1, b1, W2, b2):
    grid = (_N // _BR,)
    return pl.pallas_call(
        _mlp_body,
        grid=grid,
        in_specs=[
            pl.BlockSpec((_BR, 128), lambda i: (i, 0)),
            pl.BlockSpec((_BR, 128), lambda i: (_OFF // _BR + i, 0)),
            pl.BlockSpec((_BR, _F), lambda i: (i, 0)),
            pl.BlockSpec((_BR, 1), lambda i: (i, 0)),
            pl.BlockSpec((_BR, 1), lambda i: (i, 0)),
            pl.BlockSpec((_F, _H), lambda i: (0, 0)),
            pl.BlockSpec((1, _H), lambda i: (0, 0)),
            pl.BlockSpec((_H, _C), lambda i: (0, 0)),
            pl.BlockSpec((1, _C), lambda i: (0, 0)),
        ],
        out_specs=[
            pl.BlockSpec((_BR, _C), lambda i: (i, 0)),
            pl.BlockSpec((_BR, _C), lambda i: (i, 0)),
        ],
        out_shape=[
            jax.ShapeDtypeStruct((_N, _C), _f32),
            jax.ShapeDtypeStruct((_N, _C), _f32),
        ],
    )(oa, ob, h, dis, invd, W1, b1, W2, b2)


def _final_call(q0, q1, dis, s2):
    grid = (_N // _BR,)
    return pl.pallas_call(
        _final_body,
        grid=grid,
        in_specs=[
            pl.BlockSpec((_BR, _C), lambda i: (i, 0)),
            pl.BlockSpec((_BR, _C), lambda i: (_OFF // _BR + i, 0)),
            pl.BlockSpec((_BR, 1), lambda i: (i, 0)),
            pl.BlockSpec((_BR, _C), lambda i: (i, 0)),
        ],
        out_specs=pl.BlockSpec((_BR, _C), lambda i: (i, 0)),
        out_shape=jax.ShapeDtypeStruct((_N, _C), _f32),
    )(q0, q1, dis, s2)


def kernel(x, edge_index, W1, b1, W2, b2):
    row2 = edge_index[0].reshape(_E // 128, 128)
    col2 = edge_index[1].reshape(_E // 128, 128)
    rowp2, colp2 = pl.pallas_call(
        _edgeprep_body,
        out_shape=[
            jax.ShapeDtypeStruct((_E_PAD // 128, 128), _i32),
            jax.ShapeDtypeStruct((_E_PAD // 128, 128), _i32),
        ],
    )(row2, col2)

    ones128 = jnp.ones((_CH, 128), _f32)
    zer128 = jnp.zeros((_ZR, 128), _f32)

    pp = _deg_k(colp2, ones128, zer128)

    h = pl.pallas_call(
        _pairnorm_body,
        out_shape=jax.ShapeDtypeStruct((_N, _F), _f32),
    )(x)

    ya, yb, dis, invd = pl.pallas_call(
        _scale_body,
        out_shape=[
            jax.ShapeDtypeStruct((_N, 128), _f32),
            jax.ShapeDtypeStruct((_N, 128), _f32),
            jax.ShapeDtypeStruct((_N, 1), _f32),
            jax.ShapeDtypeStruct((_N, 1), _f32),
        ],
    )(h, pp)

    oo = _agg1_k(ya, yb, rowp2, colp2, zer128)

    y2, s2 = _mlp_call(oo, oo, h, dis, invd, W1, b1.reshape(1, _H), W2,
                       b2.reshape(1, _C))

    qq = _agg2_k(y2, rowp2, colp2, zer128)

    return _final_call(qq, qq, dis, s2)

# --- scband reference (transcript-rebuilt; emitter-appended) ---
"""Pipeline reference for scband-gcn-6622839570840 (READ-ONLY COPY).

The authoritative reference and input builder live on the scoring server;
editing this copy changes nothing except your own understanding.
"""

import jax, jax.numpy as jnp
import numpy as np

N = 10000
E = 160000
F_IN = 256
H = 512
C = 128


def _glorot(key, fan_in, fan_out):
    limit = np.sqrt(6.0 / (fan_in + fan_out))
    return jax.random.uniform(key, (fan_in, fan_out), jnp.float32, -limit, limit)


def setup_inputs(seed: int = 0) -> dict:
    key = jax.random.key(seed)
    k1, k2, k3, k4 = jax.random.split(key, 4)
    x = jax.random.normal(k1, (N, F_IN), dtype=jnp.float32)
    edge_index = jax.random.randint(k2, (2, E), 0, N, dtype=jnp.int32)
    W1 = _glorot(k3, F_IN, H)
    b1 = jnp.zeros((H,), jnp.float32)
    W2 = _glorot(k4, H, C)
    b2 = jnp.zeros((C,), jnp.float32)
    return {"x": x, "edge_index": edge_index, "W1": W1, "b1": b1, "W2": W2, "b2": b2}


def gcn_norm(edge_index, num_nodes):
    # add_remaining_self_loops: drop existing self loops, add one per node
    row, col = edge_index[0], edge_index[1]
    keep = jnp.where(row != col, 1.0, 0.0).astype(jnp.float32)
    loop = jnp.arange(num_nodes, dtype=row.dtype)
    row = jnp.concatenate([row, loop])
    col = jnp.concatenate([col, loop])
    ew = jnp.concatenate([keep, jnp.ones((num_nodes,), jnp.float32)])
    deg = jnp.zeros((num_nodes,), jnp.float32).at[col].add(ew)
    deg_inv_sqrt = jnp.where(deg > 0, deg ** -0.5, 0.0)
    w = deg_inv_sqrt[row] * ew * deg_inv_sqrt[col]
    return row, col, w


def pair_norm(x, eps=1e-5, scale=1.0):
    x = x - jnp.mean(x, axis=0, keepdims=True)
    return scale * x / jnp.sqrt(eps + jnp.mean(jnp.sum(x * x, axis=-1)))


def gcn_conv(x, row, col, w, W, b):
    xw = x @ W
    msg = w[:, None] * xw[row]
    out = jnp.zeros((x.shape[0], W.shape[1]), xw.dtype).at[col].add(msg)
    return out + b


def reference(x, edge_index, W1, b1, W2, b2):
    row, col, w = gcn_norm(edge_index, x.shape[0])
    h = pair_norm(x)
    # dropout layers are identity in eval mode
    h = gcn_conv(h, row, col, w, W1, b1)
    h = jnp.where(h > 0, h, 0.01 * h)  # LeakyReLU
    h = gcn_conv(h, row, col, w, W2, b2)
    return h

if __name__ == "__main__":
    import jax
    _d = setup_inputs()
    print(jax.jit(kernel)(*tuple(_d.values())))

</pallas_src>

<mosaic_0001>
#map = affine_map<(d0, d1) -> (0, 0)>
module attributes {stable_mosaic.version = 14 : i64} {
  func.func @_deg_k(%arg0: i32, %arg1: i32, %arg2: memref<1280x128xi32, #tpu.memory_space<hbm>>, %arg3: memref<128x128xf32, #tpu.memory_space<hbm>>, %arg4: memref<640x128xf32, #tpu.memory_space<hbm>>, %arg5: memref<21240x128xf32, #tpu.memory_space<hbm>>, %arg6: memref<128x128xf32, #tpu.memory_space<vmem>>, %arg7: memref<40x128xi32, #tpu.memory_space<vmem>>, %arg8: memref<10240x128xf32, #tpu.memory_space<vmem_shared>>) attributes {dimension_semantics = [#tpu.dimension_semantics<core_parallel>, #tpu.dimension_semantics<subcore_parallel>], iteration_bounds = array<i64: 2, 16>, scalar_prefetch = 0 : i64, scratch_operands = 3 : i64, tpu.core_type = #tpu.core_type<sc_vector_subcore>, window_params = [{transform_indices = #map}, {transform_indices = #map}, {transform_indices = #map}, {transform_indices = #map}]} {
    %mul3A = arith.constant 640 : i32
    %mul3A_0 = arith.muli %arg1, %mul3A : i32
    "tpu.region"() ({
      %run_scoped3A = tpu.sem_alloc : memref<!tpu.dma_semaphore, #tpu.memory_space<semaphore_mem>>
      %dma_start3A = arith.constant 0 : i32
      %dma_start3A_18 = tpu.memref_slice %arg8[%mul3A_0, %dma_start3A] : memref<10240x128xf32, #tpu.memory_space<vmem_shared>> -> memref<640x128xf32, #tpu.memory_space<vmem_shared>>
      tpu.enqueue_dma source(%arg4 : memref<640x128xf32, #tpu.memory_space<hbm>>) target(%dma_start3A_18 : memref<640x128xf32, #tpu.memory_space<vmem_shared>>) target_semaphore(%run_scoped3A : memref<!tpu.dma_semaphore, #tpu.memory_space<semaphore_mem>>)
      %dma_wait3A = arith.constant 0 : i32
      %dma_wait3A_19 = tpu.memref_slice %arg8[%mul3A_0, %dma_wait3A] : memref<10240x128xf32, #tpu.memory_space<vmem_shared>> -> memref<640x128xf32, #tpu.memory_space<vmem_shared>>
      tpu.wait_dma2 semaphore(%run_scoped3A : memref<!tpu.dma_semaphore, #tpu.memory_space<semaphore_mem>>) src(%arg4 : memref<640x128xf32, #tpu.memory_space<hbm>>) dst(%dma_wait3A_19 : memref<640x128xf32, #tpu.memory_space<vmem_shared>>)
      tpu.yield
    }) : () -> ()
    "tpu.region"() ({
      %run_scoped3A = tpu.sem_alloc : memref<!tpu.dma_semaphore, #tpu.memory_space<semaphore_mem>>
      tpu.enqueue_dma source(%arg3 : memref<128x128xf32, #tpu.memory_space<hbm>>) target(%arg6 : memref<128x128xf32, #tpu.memory_space<vmem>>) target_semaphore(%run_scoped3A : memref<!tpu.dma_semaphore, #tpu.memory_space<semaphore_mem>>)
      tpu.wait_dma2 semaphore(%run_scoped3A : memref<!tpu.dma_semaphore, #tpu.memory_space<semaphore_mem>>) src(%arg3 : memref<128x128xf32, #tpu.memory_space<hbm>>) dst(%arg6 : memref<128x128xf32, #tpu.memory_space<vmem>>)
      tpu.yield
    }) : () -> ()
    %mul3A_1 = arith.constant 16 : i32
    %mul3A_2 = arith.muli %arg0, %mul3A_1 : i32
    %add3A = arith.addi %mul3A_2, %arg1 : i32
    %mul3A_3 = arith.constant 40 : i32
    %mul3A_4 = arith.muli %add3A, %mul3A_3 : i32
    "tpu.region"() ({
      %run_scoped3A = tpu.sem_alloc : memref<!tpu.dma_semaphore, #tpu.memory_space<semaphore_mem>>
      %dma_start3A = arith.constant 0 : i32
      %dma_start3A_18 = tpu.memref_slice %arg2[%mul3A_4, %dma_start3A] : memref<1280x128xi32, #tpu.memory_space<hbm>> -> memref<40x128xi32, #tpu.memory_space<hbm>>
      %dma_start3A_19 = arith.constant 0 : i32
      %dma_start3A_20 = tpu.memref_slice %arg2[%mul3A_4, %dma_start3A_19] : memref<1280x128xi32, #tpu.memory_space<hbm>> -> memref<40x128xi32, #tpu.memory_space<hbm>>
      tpu.enqueue_dma source(%dma_start3A_20 : memref<40x128xi32, #tpu.memory_space<hbm>>) target(%arg7 : memref<40x128xi32, #tpu.memory_space<vmem>>) target_semaphore(%run_scoped3A : memref<!tpu.dma_semaphore, #tpu.memory_space<semaphore_mem>>)
      %dma_wait3A = arith.constant 0 : i32
      %dma_wait3A_21 = tpu.memref_slice %arg2[%mul3A_4, %dma_wait3A] : memref<1280x128xi32, #tpu.memory_space<hbm>> -> memref<40x128xi32, #tpu.memory_space<hbm>>
      %dma_wait3A_22 = arith.constant 0 : i32
      %dma_wait3A_23 = tpu.memref_slice %arg2[%mul3A_4, %dma_wait3A_22] : memref<1280x128xi32, #tpu.memory_space<hbm>> -> memref<40x128xi32, #tpu.memory_space<hbm>>
      tpu.wait_dma2 semaphore(%run_scoped3A : memref<!tpu.dma_semaphore, #tpu.memory_space<semaphore_mem>>) src(%dma_wait3A_23 : memref<40x128xi32, #tpu.memory_space<hbm>>) dst(%arg7 : memref<40x128xi32, #tpu.memory_space<vmem>>)
      tpu.yield
    }) : () -> ()
    %barrier3A = arith.constant 0 : index
    tpu.barrier barrier_id(%barrier3A)
    %scan3A = arith.constant 0 : i32
    %scan3A_5 = arith.constant 0 : i32
    %scan3A_6 = arith.constant 40 : i32
    %scan3A_7 = arith.addi %scan3A_5, %scan3A_6 : i32
    %scan3A_8 = arith.constant 1 : i32
    scf.for %scan3A_18 = %scan3A_5 to %scan3A_7 step %scan3A_8  : i32 {
      "tpu.region"() ({
        %run_scoped3A = tpu.sem_alloc : memref<!tpu.dma_semaphore, #tpu.memory_space<semaphore_mem>>
        %dma_start3A = arith.constant 0 : i32
        %dma_start3A_19 = tpu.memref_slice %arg7[%scan3A_18, %dma_start3A] : memref<40x128xi32, #tpu.memory_space<vmem>> -> memref<1x128xi32, #tpu.memory_space<vmem>>
        %dma_start3A_20 = tpu.memref_squeeze %dma_start3A_19 : memref<1x128xi32, #tpu.memory_space<vmem>> -> memref<128xi32, #tpu.memory_space<vmem>>
        %dma_start3A_21 = arith.constant 0 : i32
        %dma_start3A_22 = arith.constant 0 : i32
        %dma_start3A_23 = tpu.memref_slice %arg8[%dma_start3A_21, %dma_start3A_22] : memref<10240x128xf32, #tpu.memory_space<vmem_shared>> -> memref<10240x128xf32, #tpu.memory_space<vmem_shared>>
        tpu.enqueue_indirect_dma source(%arg6 : memref<128x128xf32, #tpu.memory_space<vmem>>) target(%dma_start3A_23 : memref<10240x128xf32, #tpu.memory_space<vmem_shared>>) offsets(%dma_start3A_20 : memref<128xi32, #tpu.memory_space<vmem>>) semaphore(%run_scoped3A : memref<!tpu.dma_semaphore, #tpu.memory_space<semaphore_mem>>) {add = true}
        %dma_wait3A = arith.constant 0 : i32
        %dma_wait3A_24 = tpu.memref_slice %arg7[%scan3A_18, %dma_wait3A] : memref<40x128xi32, #tpu.memory_space<vmem>> -> memref<1x128xi32, #tpu.memory_space<vmem>>
        %dma_wait3A_25 = tpu.memref_squeeze %dma_wait3A_24 : memref<1x128xi32, #tpu.memory_space<vmem>> -> memref<128xi32, #tpu.memory_space<vmem>>
        %dma_wait3A_26 = arith.constant 0 : i32
        %dma_wait3A_27 = arith.constant 0 : i32
        %dma_wait3A_28 = tpu.memref_slice %arg8[%dma_wait3A_26, %dma_wait3A_27] : memref<10240x128xf32, #tpu.memory_space<vmem_shared>> -> memref<10240x128xf32, #tpu.memory_space<vmem_shared>>
        tpu.wait_indirect_dma semaphore(%run_scoped3A : memref<!tpu.dma_semaphore, #tpu.memory_space<semaphore_mem>>) src(%arg6 : memref<128x128xf32, #tpu.memory_space<vmem>>) dst(%dma_wait3A_28 : memref<10240x128xf32, #tpu.memory_space<vmem_shared>>)
        tpu.yield
      }) : () -> ()
    }
    %scan3A_9 = arith.constant 40 : i32
    %barrier3A_10 = arith.constant 0 : index
    tpu.barrier barrier_id(%barrier3A_10)
    %mul3A_11 = arith.constant 640 : i32
    %mul3A_12 = arith.muli %arg1, %mul3A_11 : i32
    %mul3A_13 = arith.constant 11000 : i32
    %mul3A_14 = arith.muli %arg0, %mul3A_13 : i32
    %mul3A_15 = arith.constant 640 : i32
    %mul3A_16 = arith.muli %arg1, %mul3A_15 : i32
    %add3A_17 = arith.addi %mul3A_14, %mul3A_16 : i32
    "tpu.region"() ({
      %run_scoped3A = tpu.sem_alloc : memref<!tpu.dma_semaphore, #tpu.memory_space<semaphore_mem>>
      %dma_start3A = arith.constant 0 : i32
      %dma_start3A_18 = tpu.memref_slice %arg5[%add3A_17, %dma_start3A] : memref<21240x128xf32, #tpu.memory_space<hbm>> -> memref<640x128xf32, #tpu.memory_space<hbm>>
      %dma_start3A_19 = arith.constant 0 : i32
      %dma_start3A_20 = tpu.memref_slice %arg8[%mul3A_12, %dma_start3A_19] : memref<10240x128xf32, #tpu.memory_space<vmem_shared>> -> memref<640x128xf32, #tpu.memory_space<vmem_shared>>
      tpu.enqueue_dma source(%dma_start3A_20 : memref<640x128xf32, #tpu.memory_space<vmem_shared>>) target(%dma_start3A_18 : memref<640x128xf32, #tpu.memory_space<hbm>>) target_semaphore(%run_scoped3A : memref<!tpu.dma_semaphore, #tpu.memory_space<semaphore_mem>>)
      %dma_wait3A = arith.constant 0 : i32
      %dma_wait3A_21 = tpu.memref_slice %arg5[%add3A_17, %dma_wait3A] : memref<21240x128xf32, #tpu.memory_space<hbm>> -> memref<640x128xf32, #tpu.memory_space<hbm>>
      %dma_wait3A_22 = arith.constant 0 : i32
      %dma_wait3A_23 = tpu.memref_slice %arg8[%mul3A_12, %dma_wait3A_22] : memref<10240x128xf32, #tpu.memory_space<vmem_shared>> -> memref<640x128xf32, #tpu.memory_space<vmem_shared>>
      tpu.wait_dma2 semaphore(%run_scoped3A : memref<!tpu.dma_semaphore, #tpu.memory_space<semaphore_mem>>) src(%dma_wait3A_23 : memref<640x128xf32, #tpu.memory_space<vmem_shared>>) dst(%dma_wait3A_21 : memref<640x128xf32, #tpu.memory_space<hbm>>)
      tpu.yield
    }) : () -> ()
    return
  }
}

#map = affine_map<(d0, d1) -> (0, 0)>
module attributes {stable_mosaic.version = 14 : i64} {
  func.func @_agg1_k(%arg0: i32, %arg1: i32, %arg2: memref<10000x128xf32, #tpu.memory_space<hbm>>, %arg3: memref<10000x128xf32, #tpu.memory_space<hbm>>, %arg4: memref<1280x128xi32, #tpu.memory_space<hbm>>, %arg5: memref<1280x128xi32, #tpu.memory_space<hbm>>, %arg6: memref<640x128xf32, #tpu.memory_space<hbm>>, %arg7: memref<21240x128xf32, #tpu.memory_space<hbm>>, %arg8: memref<40x128xi32, #tpu.memory_space<vmem>>, %arg9: memref<40x128xi32, #tpu.memory_space<vmem>>, %arg10: memref<128x128xf32, #tpu.memory_space<vmem>>, %arg11: memref<128x128xf32, #tpu.memory_space<vmem>>, %arg12: memref<10240x128xf32, #tpu.memory_space<vmem_shared>>, %arg13: memref<!tpu.dma_semaphore, #tpu.memory_space<semaphore_mem>>, %arg14: memref<!tpu.dma_semaphore, #tpu.memory_space<semaphore_mem>>) attributes {dimension_semantics = [#tpu.dimension_semantics<core_parallel>, #tpu.dimension_semantics<subcore_parallel>], iteration_bounds = array<i64: 2, 16>, scalar_prefetch = 0 : i64, scratch_operands = 7 : i64, tpu.core_type = #tpu.core_type<sc_vector_subcore>, window_params = [{transform_indices = #map}, {transform_indices = #map}, {transform_indices = #map}, {transform_indices = #map}, {transform_indices = #map}, {transform_indices = #map}]} {
    %mul3A = arith.constant 640 : i32
    %mul3A_0 = arith.muli %arg1, %mul3A : i32
    "tpu.region"() ({
      %run_scoped3A = tpu.sem_alloc : memref<!tpu.dma_semaphore, #tpu.memory_space<semaphore_mem>>
      %dma_start3A = arith.constant 0 : i32
      %dma_start3A_15 = tpu.memref_slice %arg12[%mul3A_0, %dma_start3A] : memref<10240x128xf32, #tpu.memory_space<vmem_shared>> -> memref<640x128xf32, #tpu.memory_space<vmem_shared>>
      tpu.enqueue_dma source(%arg6 : memref<640x128xf32, #tpu.memory_space<hbm>>) target(%dma_start3A_15 : memref<640x128xf32, #tpu.memory_space<vmem_shared>>) target_semaphore(%run_scoped3A : memref<!tpu.dma_semaphore, #tpu.memory_space<semaphore_mem>>)
      %dma_wait3A = arith.constant 0 : i32
      %dma_wait3A_16 = tpu.memref_slice %arg12[%mul3A_0, %dma_wait3A] : memref<10240x128xf32, #tpu.memory_space<vmem_shared>> -> memref<640x128xf32, #tpu.memory_space<vmem_shared>>
      tpu.wait_dma2 semaphore(%run_scoped3A : memref<!tpu.dma_semaphore, #tpu.memory_space<semaphore_mem>>) src(%arg6 : memref<640x128xf32, #tpu.memory_space<hbm>>) dst(%dma_wait3A_16 : memref<640x128xf32, #tpu.memory_space<vmem_shared>>)
      tpu.yield
    }) : () -> ()
    %barrier3A = arith.constant 0 : index
    tpu.barrier barrier_id(%barrier3A)
    %eq3A = arith.constant 0 : i32
    %eq3A_1 = arith.cmpi eq, %arg0, %eq3A : i32
    %convert_element_type3A = arith.extui %eq3A_1 : i1 to i32
    %cond3A = arith.constant 0 : i32
    %cond3A_2 = arith.cmpi ne, %convert_element_type3A, %cond3A : i32
    scf.if %cond3A_2 {
      %mul3A_15 = arith.constant 80 : i32
      %mul3A_16 = arith.muli %arg1, %mul3A_15 : i32
      %add3A_17 = arith.constant 0 : i32
      %add3A_18 = arith.addi %mul3A_16, %add3A_17 : i32
      "tpu.region"() ({
        %run_scoped3A_99 = tpu.sem_alloc : memref<!tpu.dma_semaphore, #tpu.memory_space<semaphore_mem>>
        %dma_start3A_100 = arith.constant 0 : i32
        %dma_start3A_101 = tpu.memref_slice %arg4[%add3A_18, %dma_start3A_100] : memref<1280x128xi32, #tpu.memory_space<hbm>> -> memref<40x128xi32, #tpu.memory_space<hbm>>
        %dma_start3A_102 = arith.constant 0 : i32
        %dma_start3A_103 = tpu.memref_slice %arg4[%add3A_18, %dma_start3A_102] : memref<1280x128xi32, #tpu.memory_space<hbm>> -> memref<40x128xi32, #tpu.memory_space<hbm>>
        tpu.enqueue_dma source(%dma_start3A_103 : memref<40x128xi32, #tpu.memory_space<hbm>>) target(%arg8 : memref<40x128xi32, #tpu.memory_space<vmem>>) target_semaphore(%run_scoped3A_99 : memref<!tpu.dma_semaphore, #tpu.memory_space<semaphore_mem>>)
        %dma_wait3A_104 = arith.constant 0 : i32
        %dma_wait3A_105 = tpu.memref_slice %arg4[%add3A_18, %dma_wait3A_104] : memref<1280x128xi32, #tpu.memory_space<hbm>> -> memref<40x128xi32, #tpu.memory_space<hbm>>
        %dma_wait3A_106 = arith.constant 0 : i32
        %dma_wait3A_107 = tpu.memref_slice %arg4[%add3A_18, %dma_wait3A_106] : memref<1280x128xi32, #tpu.memory_space<hbm>> -> memref<40x128xi32, #tpu.memory_space<hbm>>
        tpu.wait_dma2 semaphore(%run_scoped3A_99 : memref<!tpu.dma_semaphore, #tpu.memory_space<semaphore_mem>>) src(%dma_wait3A_107 : memref<40x128xi32, #tpu.memory_space<hbm>>) dst(%arg8 : memref<40x128xi32, #tpu.memory_space<vmem>>)
        tpu.yield
      }) : () -> ()
      %mul3A_19 = arith.constant 80 : i32
      %mul3A_20 = arith.muli %arg1, %mul3A_19 : i32
      %add3A_21 = arith.constant 0 : i32
      %add3A_22 = arith.addi %mul3A_20, %add3A_21 : i32
      "tpu.region"() ({
        %run_scoped3A_99 = tpu.sem_alloc : memref<!tpu.dma_semaphore, #tpu.memory_space<semaphore_mem>>
        %dma_start3A_100 = arith.constant 0 : i32
        %dma_start3A_101 = tpu.memref_slice %arg5[%add3A_22, %dma_start3A_100] : memref<1280x128xi32, #tpu.memory_space<hbm>> -> memref<40x128xi32, #tpu.memory_space<hbm>>
        %dma_start3A_102 = arith.constant 0 : i32
        %dma_start3A_103 = tpu.memref_slice %arg5[%add3A_22, %dma_start3A_102] : memref<1280x128xi32, #tpu.memory_space<hbm>> -> memref<40x128xi32, #tpu.memory_space<hbm>>
        tpu.enqueue_dma source(%dma_start3A_103 : memref<40x128xi32, #tpu.memory_space<hbm>>) target(%arg9 : memref<40x128xi32, #tpu.memory_space<vmem>>) target_semaphore(%run_scoped3A_99 : memref<!tpu.dma_semaphore, #tpu.memory_space<semaphore_mem>>)
        %dma_wait3A_104 = arith.constant 0 : i32
        %dma_wait3A_105 = tpu.memref_slice %arg5[%add3A_22, %dma_wait3A_104] : memref<1280x128xi32, #tpu.memory_space<hbm>> -> memref<40x128xi32, #tpu.memory_space<hbm>>
        %dma_wait3A_106 = arith.constant 0 : i32
        %dma_wait3A_107 = tpu.memref_slice %arg5[%add3A_22, %dma_wait3A_106] : memref<1280x128xi32, #tpu.memory_space<hbm>> -> memref<40x128xi32, #tpu.memory_space<hbm>>
        tpu.wait_dma2 semaphore(%run_scoped3A_99 : memref<!tpu.dma_semaphore, #tpu.memory_space<semaphore_mem>>) src(%dma_wait3A_107 : memref<40x128xi32, #tpu.memory_space<hbm>>) dst(%arg9 : memref<40x128xi32, #tpu.memory_space<vmem>>)
        tpu.yield
      }) : () -> ()
      %dma_start3A = arith.constant 0 : i32
      %dma_start3A_23 = arith.constant 0 : i32
      %dma_start3A_24 = tpu.memref_slice %arg8[%dma_start3A, %dma_start3A_23] : memref<40x128xi32, #tpu.memory_space<vmem>> -> memref<1x128xi32, #tpu.memory_space<vmem>>
      %dma_start3A_25 = tpu.memref_squeeze %dma_start3A_24 : memref<1x128xi32, #tpu.memory_space<vmem>> -> memref<128xi32, #tpu.memory_space<vmem>>
      %dma_start3A_26 = arith.constant 0 : i32
      %dma_start3A_27 = arith.constant 0 : i32
      %dma_start3A_28 = tpu.memref_slice %arg2[%dma_start3A_26, %dma_start3A_27] : memref<10000x128xf32, #tpu.memory_space<hbm>> -> memref<10000x128xf32, #tpu.memory_space<hbm>>
      tpu.enqueue_indirect_dma source(%dma_start3A_28 : memref<10000x128xf32, #tpu.memory_space<hbm>>) target(%arg10 : memref<128x128xf32, #tpu.memory_space<vmem>>) offsets(%dma_start3A_25 : memref<128xi32, #tpu.memory_space<vmem>>) semaphore(%arg13 : memref<!tpu.dma_semaphore, #tpu.memory_space<semaphore_mem>>)
      %dma_start3A_29 = arith.constant 1 : i32
      %dma_start3A_30 = arith.constant 0 : i32
      %dma_start3A_31 = tpu.memref_slice %arg8[%dma_start3A_29, %dma_start3A_30] : memref<40x128xi32, #tpu.memory_space<vmem>> -> memref<1x128xi32, #tpu.memory_space<vmem>>
      %dma_start3A_32 = tpu.memref_squeeze %dma_start3A_31 : memref<1x128xi32, #tpu.memory_space<vmem>> -> memref<128xi32, #tpu.memory_space<vmem>>
      %dma_start3A_33 = arith.constant 0 : i32
      %dma_start3A_34 = arith.constant 0 : i32
      %dma_start3A_35 = tpu.memref_slice %arg2[%dma_start3A_33, %dma_start3A_34] : memref<10000x128xf32, #tpu.memory_space<hbm>> -> memref<10000x128xf32, #tpu.memory_space<hbm>>
      tpu.enqueue_indirect_dma source(%dma_start3A_35 : memref<10000x128xf32, #tpu.memory_space<hbm>>) target(%arg11 : memref<128x128xf32, #tpu.memory_space<vmem>>) offsets(%dma_start3A_32 : memref<128xi32, #tpu.memory_space<vmem>>) semaphore(%arg14 : memref<!tpu.dma_semaphore, #tpu.memory_space<semaphore_mem>>)
      %scan3A = arith.constant 0 : i32
      %scan3A_36 = arith.constant 0 : i32
      %scan3A_37 = arith.constant 19 : i32
      %scan3A_38 = arith.addi %scan3A_36, %scan3A_37 : i32
      %scan3A_39 = arith.constant 1 : i32
      scf.for %scan3A_99 = %scan3A_36 to %scan3A_38 step %scan3A_39  : i32 {
        %mul3A_100 = arith.constant 2 : i32
        %mul3A_101 = arith.muli %mul3A_100, %scan3A_99 : i32
        %dma_wait3A_102 = arith.constant 0 : i32
        %dma_wait3A_103 = tpu.memref_slice %arg8[%mul3A_101, %dma_wait3A_102] : memref<40x128xi32, #tpu.memory_space<vmem>> -> memref<1x128xi32, #tpu.memory_space<vmem>>
        %dma_wait3A_104 = tpu.memref_squeeze %dma_wait3A_103 : memref<1x128xi32, #tpu.memory_space<vmem>> -> memref<128xi32, #tpu.memory_space<vmem>>
        %dma_wait3A_105 = arith.constant 0 : i32
        %dma_wait3A_106 = arith.constant 0 : i32
        %dma_wait3A_107 = tpu.memref_slice %arg2[%dma_wait3A_105, %dma_wait3A_106] : memref<10000x128xf32, #tpu.memory_space<hbm>> -> memref<10000x128xf32, #tpu.memory_space<hbm>>
        tpu.wait_indirect_dma semaphore(%arg13 : memref<!tpu.dma_semaphore, #tpu.memory_space<semaphore_mem>>) src(%dma_wait3A_107 : memref<10000x128xf32, #tpu.memory_space<hbm>>) dst(%arg10 : memref<128x128xf32, #tpu.memory_space<vmem>>)
        "tpu.region"() ({
          %run_scoped3A_134 = tpu.sem_alloc : memref<!tpu.dma_semaphore, #tpu.memory_space<semaphore_mem>>
          %dma_start3A_135 = arith.constant 0 : i32
          %dma_start3A_136 = tpu.memref_slice %arg9[%mul3A_101, %dma_start3A_135] : memref<40x128xi32, #tpu.memory_space<vmem>> -> memref<1x128xi32, #tpu.memory_space<vmem>>
          %dma_start3A_137 = tpu.memref_squeeze %dma_start3A_136 : memref<1x128xi32, #tpu.memory_space<vmem>> -> memref<128xi32, #tpu.memory_space<vmem>>
          %dma_start3A_138 = arith.constant 0 : i32
          %dma_start3A_139 = arith.constant 0 : i32
          %dma_start3A_140 = tpu.memref_slice %arg12[%dma_start3A_138, %dma_start3A_139] : memref<10240x128xf32, #tpu.memory_space<vmem_shared>> -> memref<10240x128xf32, #tpu.memory_space<vmem_shared>>
          tpu.enqueue_indirect_dma source(%arg10 : memref<128x128xf32, #tpu.memory_space<vmem>>) target(%dma_start3A_140 : memref<10240x128xf32, #tpu.memory_space<vmem_shared>>) offsets(%dma_start3A_137 : memref<128xi32, #tpu.memory_space<vmem>>) semaphore(%run_scoped3A_134 : memref<!tpu.dma_semaphore, #tpu.memory_space<semaphore_mem>>) {add = true}
          %dma_wait3A_141 = arith.constant 0 : i32
          %dma_wait3A_142 = tpu.memref_slice %arg9[%mul3A_101, %dma_wait3A_141] : memref<40x128xi32, #tpu.memory_space<vmem>> -> memref<1x128xi32, #tpu.memory_space<vmem>>
          %dma_wait3A_143 = tpu.memref_squeeze %dma_wait3A_142 : memref<1x128xi32, #tpu.memory_space<vmem>> -> memref<128xi32, #tpu.memory_space<vmem>>
          %dma_wait3A_144 = arith.constant 0 : i32
          %dma_wait3A_145 = arith.constant 0 : i32
          %dma_wait3A_146 = tpu.memref_slice %arg12[%dma_wait3A_144, %dma_wait3A_145] : memref<10240x128xf32, #tpu.memory_space<vmem_shared>> -> memref<10240x128xf32, #tpu.memory_space<vmem_shared>>
          tpu.wait_indirect_dma semaphore(%run_scoped3A_134 : memref<!tpu.dma_semaphore, #tpu.memory_space<semaphore_mem>>) src(%arg10 : memref<128x128xf32, #tpu.memory_space<vmem>>) dst(%dma_wait3A_146 : memref<10240x128xf32, #tpu.memory_space<vmem_shared>>)
          tpu.yield
        }) : () -> ()
        %add3A_108 = arith.constant 2 : i32
        %add3A_109 = arith.addi %mul3A_101, %add3A_108 : i32
        %dma_start3A_110 = arith.constant 0 : i32
        %dma_start3A_111 = tpu.memref_slice %arg8[%add3A_109, %dma_start3A_110] : memref<40x128xi32, #tpu.memory_space<vmem>> -> memref<1x128xi32, #tpu.memory_space<vmem>>
        %dma_start3A_112 = tpu.memref_squeeze %dma_start3A_111 : memref<1x128xi32, #tpu.memory_space<vmem>> -> memref<128xi32, #tpu.memory_space<vmem>>
        %dma_start3A_113 = arith.constant 0 : i32
        %dma_start3A_114 = arith.constant 0 : i32
        %dma_start3A_115 = tpu.memref_slice %arg2[%dma_start3A_113, %dma_start3A_114] : memref<10000x128xf32, #tpu.memory_space<hbm>> -> memref<10000x128xf32, #tpu.memory_space<hbm>>
        tpu.enqueue_indirect_dma source(%dma_start3A_115 : memref<10000x128xf32, #tpu.memory_space<hbm>>) target(%arg10 : memref<128x128xf32, #tpu.memory_space<vmem>>) offsets(%dma_start3A_112 : memref<128xi32, #tpu.memory_space<vmem>>) semaphore(%arg13 : memref<!tpu.dma_semaphore, #tpu.memory_space<semaphore_mem>>)
        %add3A_116 = arith.constant 1 : i32
        %add3A_117 = arith.addi %mul3A_101, %add3A_116 : i32
        %dma_wait3A_118 = arith.constant 0 : i32
        %dma_wait3A_119 = tpu.memref_slice %arg8[%add3A_117, %dma_wait3A_118] : memref<40x128xi32, #tpu.memory_space<vmem>> -> memref<1x128xi32, #tpu.memory_space<vmem>>
        %dma_wait3A_120 = tpu.memref_squeeze %dma_wait3A_119 : memref<1x128xi32, #tpu.memory_space<vmem>> -> memref<128xi32, #tpu.memory_space<vmem>>
        %dma_wait3A_121 = arith.constant 0 : i32
        %dma_wait3A_122 = arith.constant 0 : i32
        %dma_wait3A_123 = tpu.memref_slice %arg2[%dma_wait3A_121, %dma_wait3A_122] : memref<10000x128xf32, #tpu.memory_space<hbm>> -> memref<10000x128xf32, #tpu.memory_space<hbm>>
        tpu.wait_indirect_dma semaphore(%arg14 : memref<!tpu.dma_semaphore, #tpu.memory_space<semaphore_mem>>) src(%dma_wait3A_123 : memref<10000x128xf32, #tpu.memory_space<hbm>>) dst(%arg11 : memref<128x128xf32, #tpu.memory_space<vmem>>)
        %add3A_124 = arith.constant 1 : i32
        %add3A_125 = arith.addi %mul3A_101, %add3A_124 : i32
        "tpu.region"() ({
          %run_scoped3A_134 = tpu.sem_alloc : memref<!tpu.dma_semaphore, #tpu.memory_space<semaphore_mem>>
          %dma_start3A_135 = arith.constant 0 : i32
          %dma_start3A_136 = tpu.memref_slice %arg9[%add3A_125, %dma_start3A_135] : memref<40x128xi32, #tpu.memory_space<vmem>> -> memref<1x128xi32, #tpu.memory_space<vmem>>
          %dma_start3A_137 = tpu.memref_squeeze %dma_start3A_136 : memref<1x128xi32, #tpu.memory_space<vmem>> -> memref<128xi32, #tpu.memory_space<vmem>>
          %dma_start3A_138 = arith.constant 0 : i32
          %dma_start3A_139 = arith.constant 0 : i32
          %dma_start3A_140 = tpu.memref_slice %arg12[%dma_start3A_138, %dma_start3A_139] : memref<10240x128xf32, #tpu.memory_space<vmem_shared>> -> memref<10240x128xf32, #tpu.memory_space<vmem_shared>>
          tpu.enqueue_indirect_dma source(%arg11 : memref<128x128xf32, #tpu.memory_space<vmem>>) target(%dma_start3A_140 : memref<10240x128xf32, #tpu.memory_space<vmem_shared>>) offsets(%dma_start3A_137 : memref<128xi32, #tpu.memory_space<vmem>>) semaphore(%run_scoped3A_134 : memref<!tpu.dma_semaphore, #tpu.memory_space<semaphore_mem>>) {add = true}
          %dma_wait3A_141 = arith.constant 0 : i32
          %dma_wait3A_142 = tpu.memref_slice %arg9[%add3A_125, %dma_wait3A_141] : memref<40x128xi32, #tpu.memory_space<vmem>> -> memref<1x128xi32, #tpu.memory_space<vmem>>
          %dma_wait3A_143 = tpu.memref_squeeze %dma_wait3A_142 : memref<1x128xi32, #tpu.memory_space<vmem>> -> memref<128xi32, #tpu.memory_space<vmem>>
          %dma_wait3A_144 = arith.constant 0 : i32
          %dma_wait3A_145 = arith.constant 0 : i32
          %dma_wait3A_146 = tpu.memref_slice %arg12[%dma_wait3A_144, %dma_wait3A_145] : memref<10240x128xf32, #tpu.memory_space<vmem_shared>> -> memref<10240x128xf32, #tpu.memory_space<vmem_shared>>
          tpu.wait_indirect_dma semaphore(%run_scoped3A_134 : memref<!tpu.dma_semaphore, #tpu.memory_space<semaphore_mem>>) src(%arg11 : memref<128x128xf32, #tpu.memory_space<vmem>>) dst(%dma_wait3A_146 : memref<10240x128xf32, #tpu.memory_space<vmem_shared>>)
          tpu.yield
        }) : () -> ()
        %add3A_126 = arith.constant 3 : i32
        %add3A_127 = arith.addi %mul3A_101, %add3A_126 : i32
        %dma_start3A_128 = arith.constant 0 : i32
        %dma_start3A_129 = tpu.memref_slice %arg8[%add3A_127, %dma_start3A_128] : memref<40x128xi32, #tpu.memory_space<vmem>> -> memref<1x128xi32, #tpu.memory_space<vmem>>
        %dma_start3A_130 = tpu.memref_squeeze %dma_start3A_129 : memref<1x128xi32, #tpu.memory_space<vmem>> -> memref<128xi32, #tpu.memory_space<vmem>>
        %dma_start3A_131 = arith.constant 0 : i32
        %dma_start3A_132 = arith.constant 0 : i32
        %dma_start3A_133 = tpu.memref_slice %arg2[%dma_start3A_131, %dma_start3A_132] : memref<10000x128xf32, #tpu.memory_space<hbm>> -> memref<10000x128xf32, #tpu.memory_space<hbm>>
        tpu.enqueue_indirect_dma source(%dma_start3A_133 : memref<10000x128xf32, #tpu.memory_space<hbm>>) target(%arg11 : memref<128x128xf32, #tpu.memory_space<vmem>>) offsets(%dma_start3A_130 : memref<128xi32, #tpu.memory_space<vmem>>) semaphore(%arg14 : memref<!tpu.dma_semaphore, #tpu.memory_space<semaphore_mem>>)
      }
      %scan3A_40 = arith.constant 19 : i32
      %dma_wait3A = arith.constant 38 : i32
      %dma_wait3A_41 = arith.constant 0 : i32
      %dma_wait3A_42 = tpu.memref_slice %arg8[%dma_wait3A, %dma_wait3A_41] : memref<40x128xi32, #tpu.memory_space<vmem>> -> memref<1x128xi32, #tpu.memory_space<vmem>>
      %dma_wait3A_43 = tpu.memref_squeeze %dma_wait3A_42 : memref<1x128xi32, #tpu.memory_space<vmem>> -> memref<128xi32, #tpu.memory_space<vmem>>
      %dma_wait3A_44 = arith.constant 0 : i32
      %dma_wait3A_45 = arith.constant 0 : i32
      %dma_wait3A_46 = tpu.memref_slice %arg2[%dma_wait3A_44, %dma_wait3A_45] : memref<10000x128xf32, #tpu.memory_space<hbm>> -> memref<10000x128xf32, #tpu.memory_space<hbm>>
      tpu.wait_indirect_dma semaphore(%arg13 : memref<!tpu.dma_semaphore, #tpu.memory_space<semaphore_mem>>) src(%dma_wait3A_46 : memref<10000x128xf32, #tpu.memory_space<hbm>>) dst(%arg10 : memref<128x128xf32, #tpu.memory_space<vmem>>)
      %run_scoped3A = arith.constant 38 : i32
      "tpu.region"() ({
        %run_scoped3A_99 = tpu.sem_alloc : memref<!tpu.dma_semaphore, #tpu.memory_space<semaphore_mem>>
        %dma_start3A_100 = arith.constant 0 : i32
        %dma_start3A_101 = tpu.memref_slice %arg9[%run_scoped3A, %dma_start3A_100] : memref<40x128xi32, #tpu.memory_space<vmem>> -> memref<1x128xi32, #tpu.memory_space<vmem>>
        %dma_start3A_102 = tpu.memref_squeeze %dma_start3A_101 : memref<1x128xi32, #tpu.memory_space<vmem>> -> memref<128xi32, #tpu.memory_space<vmem>>
        %dma_start3A_103 = arith.constant 0 : i32
        %dma_start3A_104 = arith.constant 0 : i32
        %dma_start3A_105 = tpu.memref_slice %arg12[%dma_start3A_103, %dma_start3A_104] : memref<10240x128xf32, #tpu.memory_space<vmem_shared>> -> memref<10240x128xf32, #tpu.memory_space<vmem_shared>>
        tpu.enqueue_indirect_dma source(%arg10 : memref<128x128xf32, #tpu.memory_space<vmem>>) target(%dma_start3A_105 : memref<10240x128xf32, #tpu.memory_space<vmem_shared>>) offsets(%dma_start3A_102 : memref<128xi32, #tpu.memory_space<vmem>>) semaphore(%run_scoped3A_99 : memref<!tpu.dma_semaphore, #tpu.memory_space<semaphore_mem>>) {add = true}
        %dma_wait3A_106 = arith.constant 0 : i32
        %dma_wait3A_107 = tpu.memref_slice %arg9[%run_scoped3A, %dma_wait3A_106] : memref<40x128xi32, #tpu.memory_space<vmem>> -> memref<1x128xi32, #tpu.memory_space<vmem>>
        %dma_wait3A_108 = tpu.memref_squeeze %dma_wait3A_107 : memref<1x128xi32, #tpu.memory_space<vmem>> -> memref<128xi32, #tpu.memory_space<vmem>>
        %dma_wait3A_109 = arith.constant 0 : i32
        %dma_wait3A_110 = arith.constant 0 : i32
        %dma_wait3A_111 = tpu.memref_slice %arg12[%dma_wait3A_109, %dma_wait3A_110] : memref<10240x128xf32, #tpu.memory_space<vmem_shared>> -> memref<10240x128xf32, #tpu.memory_space<vmem_shared>>
        tpu.wait_indirect_dma semaphore(%run_scoped3A_99 : memref<!tpu.dma_semaphore, #tpu.memory_space<semaphore_mem>>) src(%arg10 : memref<128x128xf32, #tpu.memory_space<vmem>>) dst(%dma_wait3A_111 : memref<10240x128xf32, #tpu.memory_space<vmem_shared>>)
        tpu.yield
      }) : () -> ()
      %dma_wait3A_47 = arith.constant 39 : i32
      %dma_wait3A_48 = arith.constant 0 : i32
      %dma_wait3A_49 = tpu.memref_slice %arg8[%dma_wait3A_47, %dma_wait3A_48] : memref<40x128xi32, #tpu.memory_space<vmem>> -> memref<1x128xi32, #tpu.memory_space<vmem>>
      %dma_wait3A_50 = tpu.memref_squeeze %dma_wait3A_49 : memref<1x128xi32, #tpu.memory_space<vmem>> -> memref<128xi32, #tpu.memory_space<vmem>>
      %dma_wait3A_51 = arith.constant 0 : i32
      %dma_wait3A_52 = arith.constant 0 : i32
      %dma_wait3A_53 = tpu.memref_slice %arg2[%dma_wait3A_51, %dma_wait3A_52] : memref<10000x128xf32, #tpu.memory_space<hbm>> -> memref<10000x128xf32, #tpu.memory_space<hbm>>
      tpu.wait_indirect_dma semaphore(%arg14 : memref<!tpu.dma_semaphore, #tpu.memory_space<semaphore_mem>>) src(%dma_wait3A_53 : memref<10000x128xf32, #tpu.memory_space<hbm>>) dst(%arg11 : memref<128x128xf32, #tpu.memory_space<vmem>>)
      %run_scoped3A_54 = arith.constant 39 : i32
      "tpu.region"() ({
        %run_scoped3A_99 = tpu.sem_alloc : memref<!tpu.dma_semaphore, #tpu.memory_space<semaphore_mem>>
        %dma_start3A_100 = arith.constant 0 : i32
        %dma_start3A_101 = tpu.memref_slice %arg9[%run_scoped3A_54, %dma_start3A_100] : memref<40x128xi32, #tpu.memory_space<vmem>> -> memref<1x128xi32, #tpu.memory_space<vmem>>
        %dma_start3A_102 = tpu.memref_squeeze %dma_start3A_101 : memref<1x128xi32, #tpu.memory_space<vmem>> -> memref<128xi32, #tpu.memory_space<vmem>>
        %dma_start3A_103 = arith.constant 0 : i32
        %dma_start3A_104 = arith.constant 0 : i32
        %dma_start3A_105 = tpu.memref_slice %arg12[%dma_start3A_103, %dma_start3A_104] : memref<10240x128xf32, #tpu.memory_space<vmem_shared>> -> memref<10240x128xf32, #tpu.memory_space<vmem_shared>>
        tpu.enqueue_indirect_dma source(%arg11 : memref<128x128xf32, #tpu.memory_space<vmem>>) target(%dma_start3A_105 : memref<10240x128xf32, #tpu.memory_space<vmem_shared>>) offsets(%dma_start3A_102 : memref<128xi32, #tpu.memory_space<vmem>>) semaphore(%run_scoped3A_99 : memref<!tpu.dma_semaphore, #tpu.memory_space<semaphore_mem>>) {add = true}
        %dma_wait3A_106 = arith.constant 0 : i32
        %dma_wait3A_107 = tpu.memref_slice %arg9[%run_scoped3A_54, %dma_wait3A_106] : memref<40x128xi32, #tpu.memory_space<vmem>> -> memref<1x128xi32, #tpu.memory_space<vmem>>
        %dma_wait3A_108 = tpu.memref_squeeze %dma_wait3A_107 : memref<1x128xi32, #tpu.memory_space<vmem>> -> memref<128xi32, #tpu.memory_space<vmem>>
        %dma_wait3A_109 = arith.constant 0 : i32
        %dma_wait3A_110 = arith.constant 0 : i32
        %dma_wait3A_111 = tpu.memref_slice %arg12[%dma_wait3A_109, %dma_wait3A_110] : memref<10240x128xf32, #tpu.memory_space<vmem_shared>> -> memref<10240x128xf32, #tpu.memory_space<vmem_shared>>
        tpu.wait_indirect_dma semaphore(%run_scoped3A_99 : memref<!tpu.dma_semaphore, #tpu.memory_space<semaphore_mem>>) src(%arg11 : memref<128x128xf32, #tpu.memory_space<vmem>>) dst(%dma_wait3A_111 : memref<10240x128xf32, #tpu.memory_space<vmem_shared>>)
        tpu.yield
      }) : () -> ()
      %mul3A_55 = arith.constant 80 : i32
      %mul3A_56 = arith.muli %arg1, %mul3A_55 : i32
      %add3A_57 = arith.constant 40 : i32
      %add3A_58 = arith.addi %mul3A_56, %add3A_57 : i32
      "tpu.region"() ({
        %run_scoped3A_99 = tpu.sem_alloc : memref<!tpu.dma_semaphore, #tpu.memory_space<semaphore_mem>>
        %dma_start3A_100 = arith.constant 0 : i32
        %dma_start3A_101 = tpu.memref_slice %arg4[%add3A_58, %dma_start3A_100] : memref<1280x128xi32, #tpu.memory_space<hbm>> -> memref<40x128xi32, #tpu.memory_space<hbm>>
        %dma_start3A_102 = arith.constant 0 : i32
        %dma_start3A_103 = tpu.memref_slice %arg4[%add3A_58, %dma_start3A_102] : memref<1280x128xi32, #tpu.memory_space<hbm>> -> memref<40x128xi32, #tpu.memory_space<hbm>>
        tpu.enqueue_dma source(%dma_start3A_103 : memref<40x128xi32, #tpu.memory_space<hbm>>) target(%arg8 : memref<40x128xi32, #tpu.memory_space<vmem>>) target_semaphore(%run_scoped3A_99 : memref<!tpu.dma_semaphore, #tpu.memory_space<semaphore_mem>>)
        %dma_wait3A_104 = arith.constant 0 : i32
        %dma_wait3A_105 = tpu.memref_slice %arg4[%add3A_58, %dma_wait3A_104] : memref<1280x128xi32, #tpu.memory_space<hbm>> -> memref<40x128xi32, #tpu.memory_space<hbm>>
        %dma_wait3A_106 = arith.constant 0 : i32
        %dma_wait3A_107 = tpu.memref_slice %arg4[%add3A_58, %dma_wait3A_106] : memref<1280x128xi32, #tpu.memory_space<hbm>> -> memref<40x128xi32, #tpu.memory_space<hbm>>
        tpu.wait_dma2 semaphore(%run_scoped3A_99 : memref<!tpu.dma_semaphore, #tpu.memory_space<semaphore_mem>>) src(%dma_wait3A_107 : memref<40x128xi32, #tpu.memory_space<hbm>>) dst(%arg8 : memref<40x128xi32, #tpu.memory_space<vmem>>)
        tpu.yield
      }) : () -> ()
      %mul3A_59 = arith.constant 80 : i32
      %mul3A_60 = arith.muli %arg1, %mul3A_59 : i32
      %add3A_61 = arith.constant 40 : i32
      %add3A_62 = arith.addi %mul3A_60, %add3A_61 : i32
      "tpu.region"() ({
        %run_scoped3A_99 = tpu.sem_alloc : memref<!tpu.dma_semaphore, #tpu.memory_space<semaphore_mem>>
        %dma_start3A_100 = arith.constant 0 : i32
        %dma_start3A_101 = tpu.memref_slice %arg5[%add3A_62, %dma_start3A_100] : memref<1280x128xi32, #tpu.memory_space<hbm>> -> memref<40x128xi32, #tpu.memory_space<hbm>>
        %dma_start3A_102 = arith.constant 0 : i32
        %dma_start3A_103 = tpu.memref_slice %arg5[%add3A_62, %dma_start3A_102] : memref<1280x128xi32, #tpu.memory_space<hbm>> -> memref<40x128xi32, #tpu.memory_space<hbm>>
        tpu.enqueue_dma source(%dma_start3A_103 : memref<40x128xi32, #tpu.memory_space<hbm>>) target(%arg9 : memref<40x128xi32, #tpu.memory_space<vmem>>) target_semaphore(%run_scoped3A_99 : memref<!tpu.dma_semaphore, #tpu.memory_space<semaphore_mem>>)
        %dma_wait3A_104 = arith.constant 0 : i32
        %dma_wait3A_105 = tpu.memref_slice %arg5[%add3A_62, %dma_wait3A_104] : memref<1280x128xi32, #tpu.memory_space<hbm>> -> memref<40x128xi32, #tpu.memory_space<hbm>>
        %dma_wait3A_106 = arith.constant 0 : i32
        %dma_wait3A_107 = tpu.memref_slice %arg5[%add3A_62, %dma_wait3A_106] : memref<1280x128xi32, #tpu.memory_space<hbm>> -> memref<40x128xi32, #tpu.memory_space<hbm>>
        tpu.wait_dma2 semaphore(%run_scoped3A_99 : memref<!tpu.dma_semaphore, #tpu.memory_space<semaphore_mem>>) src(%dma_wait3A_107 : memref<40x128xi32, #tpu.memory_space<hbm>>) dst(%arg9 : memref<40x128xi32, #tpu.memory_space<vmem>>)
        tpu.yield
      }) : () -> ()
      %dma_start3A_63 = arith.constant 0 : i32
      %dma_start3A_64 = arith.constant 0 : i32
      %dma_start3A_65 = tpu.memref_slice %arg8[%dma_start3A_63, %dma_start3A_64] : memref<40x128xi32, #tpu.memory_space<vmem>> -> memref<1x128xi32, #tpu.memory_space<vmem>>
      %dma_start3A_66 = tpu.memref_squeeze %dma_start3A_65 : memref<1x128xi32, #tpu.memory_space<vmem>> -> memref<128xi32, #tpu.memory_space<vmem>>
      %dma_start3A_67 = arith.constant 0 : i32
      %dma_start3A_68 = arith.constant 0 : i32
      %dma_start3A_69 = tpu.memref_slice %arg2[%dma_start3A_67, %dma_start3A_68] : memref<10000x128xf32, #tpu.memory_space<hbm>> -> memref<10000x128xf32, #tpu.memory_space<hbm>>
      tpu.enqueue_indirect_dma source(%dma_start3A_69 : memref<10000x128xf32, #tpu.memory_space<hbm>>) target(%arg10 : memref<128x128xf32, #tpu.memory_space<vmem>>) offsets(%dma_start3A_66 : memref<128xi32, #tpu.memory_space<vmem>>) semaphore(%arg13 : memref<!tpu.dma_semaphore, #tpu.memory_space<semaphore_mem>>)
      %dma_start3A_70 = arith.constant 1 : i32
      %dma_start3A_71 = arith.constant 0 : i32
      %dma_start3A_72 = tpu.memref_slice %arg8[%dma_start3A_70, %dma_start3A_71] : memref<40x128xi32, #tpu.memory_space<vmem>> -> memref<1x128xi32, #tpu.memory_space<vmem>>
      %dma_start3A_73 = tpu.memref_squeeze %dma_start3A_72 : memref<1x128xi32, #tpu.memory_space<vmem>> -> memref<128xi32, #tpu.memory_space<vmem>>
      %dma_start3A_74 = arith.constant 0 : i32
      %dma_start3A_75 = arith.constant 0 : i32
      %dma_start3A_76 = tpu.memref_slice %arg2[%dma_start3A_74, %dma_start3A_75] : memref<10000x128xf32, #tpu.memory_space<hbm>> -> memref<10000x128xf32, #tpu.memory_space<hbm>>
      tpu.enqueue_indirect_dma source(%dma_start3A_76 : memref<10000x128xf32, #tpu.memory_space<hbm>>) target(%arg11 : memref<128x128xf32, #tpu.memory_space<vmem>>) offsets(%dma_start3A_73 : memref<128xi32, #tpu.memory_space<vmem>>) semaphore(%arg14 : memref<!tpu.dma_semaphore, #tpu.memory_space<semaphore_mem>>)
      %scan3A_77 = arith.constant 0 : i32
      %scan3A_78 = arith.constant 0 : i32
      %scan3A_79 = arith.constant 19 : i32
      %scan3A_80 = arith.addi %scan3A_78, %scan3A_79 : i32
      %scan3A_81 = arith.constant 1 : i32
      scf.for %scan3A_99 = %scan3A_78 to %scan3A_80 step %scan3A_81  : i32 {
        %mul3A_100 = arith.constant 2 : i32
        %mul3A_101 = arith.muli %mul3A_100, %scan3A_99 : i32
        %dma_wait3A_102 = arith.constant 0 : i32
        %dma_wait3A_103 = tpu.memref_slice %arg8[%mul3A_101, %dma_wait3A_102] : memref<40x128xi32, #tpu.memory_space<vmem>> -> memref<1x128xi32, #tpu.memory_space<vmem>>
        %dma_wait3A_104 = tpu.memref_squeeze %dma_wait3A_103 : memref<1x128xi32, #tpu.memory_space<vmem>> -> memref<128xi32, #tpu.memory_space<vmem>>
        %dma_wait3A_105 = arith.constant 0 : i32
        %dma_wait3A_106 = arith.constant 0 : i32
        %dma_wait3A_107 = tpu.memref_slice %arg2[%dma_wait3A_105, %dma_wait3A_106] : memref<10000x128xf32, #tpu.memory_space<hbm>> -> memref<10000x128xf32, #tpu.memory_space<hbm>>
        tpu.wait_indirect_dma semaphore(%arg13 : memref<!tpu.dma_semaphore, #tpu.memory_space<semaphore_mem>>) src(%dma_wait3A_107 : memref<10000x128xf32, #tpu.memory_space<hbm>>) dst(%arg10 : memref<128x128xf32, #tpu.memory_space<vmem>>)
        "tpu.region"() ({
          %run_scoped3A_134 = tpu.sem_alloc : memref<!tpu.dma_semaphore, #tpu.memory_space<semaphore_mem>>
          %dma_start3A_135 = arith.constant 0 : i32
          %dma_start3A_136 = tpu.memref_slice %arg9[%mul3A_101, %dma_start3A_135] : memref<40x128xi32, #tpu.memory_space<vmem>> -> memref<1x128xi32, #tpu.memory_space<vmem>>
          %dma_start3A_137 = tpu.memref_squeeze %dma_start3A_136 : memref<1x128xi32, #tpu.memory_space<vmem>> -> memref<128xi32, #tpu.memory_space<vmem>>
          %dma_start3A_138 = arith.constant 0 : i32
          %dma_start3A_139 = arith.constant 0 : i32
          %dma_start3A_140 = tpu.memref_slice %arg12[%dma_start3A_138, %dma_start3A_139] : memref<10240x128xf32, #tpu.memory_space<vmem_shared>> -> memref<10240x128xf32, #tpu.memory_space<vmem_shared>>
          tpu.enqueue_indirect_dma source(%arg10 : memref<128x128xf32, #tpu.memory_space<vmem>>) target(%dma_start3A_140 : memref<10240x128xf32, #tpu.memory_space<vmem_shared>>) offsets(%dma_start3A_137 : memref<128xi32, #tpu.memory_space<vmem>>) semaphore(%run_scoped3A_134 : memref<!tpu.dma_semaphore, #tpu.memory_space<semaphore_mem>>) {add = true}
          %dma_wait3A_141 = arith.constant 0 : i32
          %dma_wait3A_142 = tpu.memref_slice %arg9[%mul3A_101, %dma_wait3A_141] : memref<40x128xi32, #tpu.memory_space<vmem>> -> memref<1x128xi32, #tpu.memory_space<vmem>>
          %dma_wait3A_143 = tpu.memref_squeeze %dma_wait3A_142 : memref<1x128xi32, #tpu.memory_space<vmem>> -> memref<128xi32, #tpu.memory_space<vmem>>
          %dma_wait3A_144 = arith.constant 0 : i32
          %dma_wait3A_145 = arith.constant 0 : i32
          %dma_wait3A_146 = tpu.memref_slice %arg12[%dma_wait3A_144, %dma_wait3A_145] : memref<10240x128xf32, #tpu.memory_space<vmem_shared>> -> memref<10240x128xf32, #tpu.memory_space<vmem_shared>>
          tpu.wait_indirect_dma semaphore(%run_scoped3A_134 : memref<!tpu.dma_semaphore, #tpu.memory_space<semaphore_mem>>) src(%arg10 : memref<128x128xf32, #tpu.memory_space<vmem>>) dst(%dma_wait3A_146 : memref<10240x128xf32, #tpu.memory_space<vmem_shared>>)
          tpu.yield
        }) : () -> ()
        %add3A_108 = arith.constant 2 : i32
        %add3A_109 = arith.addi %mul3A_101, %add3A_108 : i32
        %dma_start3A_110 = arith.constant 0 : i32
        %dma_start3A_111 = tpu.memref_slice %arg8[%add3A_109, %dma_start3A_110] : memref<40x128xi32, #tpu.memory_space<vmem>> -> memref<1x128xi32, #tpu.memory_space<vmem>>
        %dma_start3A_112 = tpu.memref_squeeze %dma_start3A_111 : memref<1x128xi32, #tpu.memory_space<vmem>> -> memref<128xi32, #tpu.memory_space<vmem>>
        %dma_start3A_113 = arith.constant 0 : i32
        %dma_start3A_114 = arith.constant 0 : i32
        %dma_start3A_115 = tpu.memref_slice %arg2[%dma_start3A_113, %dma_start3A_114] : memref<10000x128xf32, #tpu.memory_space<hbm>> -> memref<10000x128xf32, #tpu.memory_space<hbm>>
        tpu.enqueue_indirect_dma source(%dma_start3A_115 : memref<10000x128xf32, #tpu.memory_space<hbm>>) target(%arg10 : memref<128x128xf32, #tpu.memory_space<vmem>>) offsets(%dma_start3A_112 : memref<128xi32, #tpu.memory_space<vmem>>) semaphore(%arg13 : memref<!tpu.dma_semaphore, #tpu.memory_space<semaphore_mem>>)
        %add3A_116 = arith.constant 1 : i32
        %add3A_117 = arith.addi %mul3A_101, %add3A_116 : i32
        %dma_wait3A_118 = arith.constant 0 : i32
        %dma_wait3A_119 = tpu.memref_slice %arg8[%add3A_117, %dma_wait3A_118] : memref<40x128xi32, #tpu.memory_space<vmem>> -> memref<1x128xi32, #tpu.memory_space<vmem>>
        %dma_wait3A_120 = tpu.memref_squeeze %dma_wait3A_119 : memref<1x128xi32, #tpu.memory_space<vmem>> -> memref<128xi32, #tpu.memory_space<vmem>>
        %dma_wait3A_121 = arith.constant 0 : i32
        %dma_wait3A_122 = arith.constant 0 : i32
        %dma_wait3A_123 = tpu.memref_slice %arg2[%dma_wait3A_121, %dma_wait3A_122] : memref<10000x128xf32, #tpu.memory_space<hbm>> -> memref<10000x128xf32, #tpu.memory_space<hbm>>
        tpu.wait_indirect_dma semaphore(%arg14 : memref<!tpu.dma_semaphore, #tpu.memory_space<semaphore_mem>>) src(%dma_wait3A_123 : memref<10000x128xf32, #tpu.memory_space<hbm>>) dst(%arg11 : memref<128x128xf32, #tpu.memory_space<vmem>>)
        %add3A_124 = arith.constant 1 : i32
        %add3A_125 = arith.addi %mul3A_101, %add3A_124 : i32
        "tpu.region"() ({
          %run_scoped3A_134 = tpu.sem_alloc : memref<!tpu.dma_semaphore, #tpu.memory_space<semaphore_mem>>
          %dma_start3A_135 = arith.constant 0 : i32
          %dma_start3A_136 = tpu.memref_slice %arg9[%add3A_125, %dma_start3A_135] : memref<40x128xi32, #tpu.memory_space<vmem>> -> memref<1x128xi32, #tpu.memory_space<vmem>>
          %dma_start3A_137 = tpu.memref_squeeze %dma_start3A_136 : memref<1x128xi32, #tpu.memory_space<vmem>> -> memref<128xi32, #tpu.memory_space<vmem>>
          %dma_start3A_138 = arith.constant 0 : i32
          %dma_start3A_139 = arith.constant 0 : i32
          %dma_start3A_140 = tpu.memref_slice %arg12[%dma_start3A_138, %dma_start3A_139] : memref<10240x128xf32, #tpu.memory_space<vmem_shared>> -> memref<10240x128xf32, #tpu.memory_space<vmem_shared>>
          tpu.enqueue_indirect_dma source(%arg11 : memref<128x128xf32, #tpu.memory_space<vmem>>) target(%dma_start3A_140 : memref<10240x128xf32, #tpu.memory_space<vmem_shared>>) offsets(%dma_start3A_137 : memref<128xi32, #tpu.memory_space<vmem>>) semaphore(%run_scoped3A_134 : memref<!tpu.dma_semaphore, #tpu.memory_space<semaphore_mem>>) {add = true}
          %dma_wait3A_141 = arith.constant 0 : i32
          %dma_wait3A_142 = tpu.memref_slice %arg9[%add3A_125, %dma_wait3A_141] : memref<40x128xi32, #tpu.memory_space<vmem>> -> memref<1x128xi32, #tpu.memory_space<vmem>>
          %dma_wait3A_143 = tpu.memref_squeeze %dma_wait3A_142 : memref<1x128xi32, #tpu.memory_space<vmem>> -> memref<128xi32, #tpu.memory_space<vmem>>
          %dma_wait3A_144 = arith.constant 0 : i32
          %dma_wait3A_145 = arith.constant 0 : i32
          %dma_wait3A_146 = tpu.memref_slice %arg12[%dma_wait3A_144, %dma_wait3A_145] : memref<10240x128xf32, #tpu.memory_space<vmem_shared>> -> memref<10240x128xf32, #tpu.memory_space<vmem_shared>>
          tpu.wait_indirect_dma semaphore(%run_scoped3A_134 : memref<!tpu.dma_semaphore, #tpu.memory_space<semaphore_mem>>) src(%arg11 : memref<128x128xf32, #tpu.memory_space<vmem>>) dst(%dma_wait3A_146 : memref<10240x128xf32, #tpu.memory_space<vmem_shared>>)
          tpu.yield
        }) : () -> ()
        %add3A_126 = arith.constant 3 : i32
        %add3A_127 = arith.addi %mul3A_101, %add3A_126 : i32
        %dma_start3A_128 = arith.constant 0 : i32
        %dma_start3A_129 = tpu.memref_slice %arg8[%add3A_127, %dma_start3A_128] : memref<40x128xi32, #tpu.memory_space<vmem>> -> memref<1x128xi32, #tpu.memory_space<vmem>>
        %dma_start3A_130 = tpu.memref_squeeze %dma_start3A_129 : memref<1x128xi32, #tpu.memory_space<vmem>> -> memref<128xi32, #tpu.memory_space<vmem>>
        %dma_start3A_131 = arith.constant 0 : i32
        %dma_start3A_132 = arith.constant 0 : i32
        %dma_start3A_133 = tpu.memref_slice %arg2[%dma_start3A_131, %dma_start3A_132] : memref<10000x128xf32, #tpu.memory_space<hbm>> -> memref<10000x128xf32, #tpu.memory_space<hbm>>
        tpu.enqueue_indirect_dma source(%dma_start3A_133 : memref<10000x128xf32, #tpu.memory_space<hbm>>) target(%arg11 : memref<128x128xf32, #tpu.memory_space<vmem>>) offsets(%dma_start3A_130 : memref<128xi32, #tpu.memory_space<vmem>>) semaphore(%arg14 : memref<!tpu.dma_semaphore, #tpu.memory_space<semaphore_mem>>)
      }
      %scan3A_82 = arith.constant 19 : i32
      %dma_wait3A_83 = arith.constant 38 : i32
      %dma_wait3A_84 = arith.constant 0 : i32
      %dma_wait3A_85 = tpu.memref_slice %arg8[%dma_wait3A_83, %dma_wait3A_84] : memref<40x128xi32, #tpu.memory_space<vmem>> -> memref<1x128xi32, #tpu.memory_space<vmem>>
      %dma_wait3A_86 = tpu.memref_squeeze %dma_wait3A_85 : memref<1x128xi32, #tpu.memory_space<vmem>> -> memref<128xi32, #tpu.memory_space<vmem>>
      %dma_wait3A_87 = arith.constant 0 : i32
      %dma_wait3A_88 = arith.constant 0 : i32
      %dma_wait3A_89 = tpu.memref_slice %arg2[%dma_wait3A_87, %dma_wait3A_88] : memref<10000x128xf32, #tpu.memory_space<hbm>> -> memref<10000x128xf32, #tpu.memory_space<hbm>>
      tpu.wait_indirect_dma semaphore(%arg13 : memref<!tpu.dma_semaphore, #tpu.memory_space<semaphore_mem>>) src(%dma_wait3A_89 : memref<10000x128xf32, #tpu.memory_space<hbm>>) dst(%arg10 : memref<128x128xf32, #tpu.memory_space<vmem>>)
      %run_scoped3A_90 = arith.constant 38 : i32
      "tpu.region"() ({
        %run_scoped3A_99 = tpu.sem_alloc : memref<!tpu.dma_semaphore, #tpu.memory_space<semaphore_mem>>
        %dma_start3A_100 = arith.constant 0 : i32
        %dma_start3A_101 = tpu.memref_slice %arg9[%run_scoped3A_90, %dma_start3A_100] : memref<40x128xi32, #tpu.memory_space<vmem>> -> memref<1x128xi32, #tpu.memory_space<vmem>>
        %dma_start3A_102 = tpu.memref_squeeze %dma_start3A_101 : memref<1x128xi32, #tpu.memory_space<vmem>> -> memref<128xi32, #tpu.memory_space<vmem>>
        %dma_start3A_103 = arith.constant 0 : i32
        %dma_start3A_104 = arith.constant 0 : i32
        %dma_start3A_105 = tpu.memref_slice %arg12[%dma_start3A_103, %dma_start3A_104] : memref<10240x128xf32, #tpu.memory_space<vmem_shared>> -> memref<10240x128xf32, #tpu.memory_space<vmem_shared>>
        tpu.enqueue_indirect_dma source(%arg10 : memref<128x128xf32, #tpu.memory_space<vmem>>) target(%dma_start3A_105 : memref<10240x128xf32, #tpu.memory_space<vmem_shared>>) offsets(%dma_start3A_102 : memref<128xi32, #tpu.memory_space<vmem>>) semaphore(%run_scoped3A_99 : memref<!tpu.dma_semaphore, #tpu.memory_space<semaphore_mem>>) {add = true}
        %dma_wait3A_106 = arith.constant 0 : i32
        %dma_wait3A_107 = tpu.memref_slice %arg9[%run_scoped3A_90, %dma_wait3A_106] : memref<40x128xi32, #tpu.memory_space<vmem>> -> memref<1x128xi32, #tpu.memory_space<vmem>>
        %dma_wait3A_108 = tpu.memref_squeeze %dma_wait3A_107 : memref<1x128xi32, #tpu.memory_space<vmem>> -> memref<128xi32, #tpu.memory_space<vmem>>
        %dma_wait3A_109 = arith.constant 0 : i32
        %dma_wait3A_110 = arith.constant 0 : i32
        %dma_wait3A_111 = tpu.memref_slice %arg12[%dma_wait3A_109, %dma_wait3A_110] : memref<10240x128xf32, #tpu.memory_space<vmem_shared>> -> memref<10240x128xf32, #tpu.memory_space<vmem_shared>>
        tpu.wait_indirect_dma semaphore(%run_scoped3A_99 : memref<!tpu.dma_semaphore, #tpu.memory_space<semaphore_mem>>) src(%arg10 : memref<128x128xf32, #tpu.memory_space<vmem>>) dst(%dma_wait3A_111 : memref<10240x128xf32, #tpu.memory_space<vmem_shared>>)
        tpu.yield
      }) : () -> ()
      %dma_wait3A_91 = arith.constant 39 : i32
      %dma_wait3A_92 = arith.constant 0 : i32
      %dma_wait3A_93 = tpu.memref_slice %arg8[%dma_wait3A_91, %dma_wait3A_92] : memref<40x128xi32, #tpu.memory_space<vmem>> -> memref<1x128xi32, #tpu.memory_space<vmem>>
      %dma_wait3A_94 = tpu.memref_squeeze %dma_wait3A_93 : memref<1x128xi32, #tpu.memory_space<vmem>> -> memref<128xi32, #tpu.memory_space<vmem>>
      %dma_wait3A_95 = arith.constant 0 : i32
      %dma_wait3A_96 = arith.constant 0 : i32
      %dma_wait3A_97 = tpu.memref_slice %arg2[%dma_wait3A_95, %dma_wait3A_96] : memref<10000x128xf32, #tpu.memory_space<hbm>> -> memref<10000x128xf32, #tpu.memory_space<hbm>>
      tpu.wait_indirect_dma semaphore(%arg14 : memref<!tpu.dma_semaphore, #tpu.memory_space<semaphore_mem>>) src(%dma_wait3A_97 : memref<10000x128xf32, #tpu.memory_space<hbm>>) dst(%arg11 : memref<128x128xf32, #tpu.memory_space<vmem>>)
      %run_scoped3A_98 = arith.constant 39 : i32
      "tpu.region"() ({
        %run_scoped3A_99 = tpu.sem_alloc : memref<!tpu.dma_semaphore, #tpu.memory_space<semaphore_mem>>
        %dma_start3A_100 = arith.constant 0 : i32
        %dma_start3A_101 = tpu.memref_slice %arg9[%run_scoped3A_98, %dma_start3A_100] : memref<40x128xi32, #tpu.memory_space<vmem>> -> memref<1x128xi32, #tpu.memory_space<vmem>>
        %dma_start3A_102 = tpu.memref_squeeze %dma_start3A_101 : memref<1x128xi32, #tpu.memory_space<vmem>> -> memref<128xi32, #tpu.memory_space<vmem>>
        %dma_start3A_103 = arith.constant 0 : i32
        %dma_start3A_104 = arith.constant 0 : i32
        %dma_start3A_105 = tpu.memref_slice %arg12[%dma_start3A_103, %dma_start3A_104] : memref<10240x128xf32, #tpu.memory_space<vmem_shared>> -> memref<10240x128xf32, #tpu.memory_space<vmem_shared>>
        tpu.enqueue_indirect_dma source(%arg11 : memref<128x128xf32, #tpu.memory_space<vmem>>) target(%dma_start3A_105 : memref<10240x128xf32, #tpu.memory_space<vmem_shared>>) offsets(%dma_start3A_102 : memref<128xi32, #tpu.memory_space<vmem>>) semaphore(%run_scoped3A_99 : memref<!tpu.dma_semaphore, #tpu.memory_space<semaphore_mem>>) {add = true}
        %dma_wait3A_106 = arith.constant 0 : i32
        %dma_wait3A_107 = tpu.memref_slice %arg9[%run_scoped3A_98, %dma_wait3A_106] : memref<40x128xi32, #tpu.memory_space<vmem>> -> memref<1x128xi32, #tpu.memory_space<vmem>>
        %dma_wait3A_108 = tpu.memref_squeeze %dma_wait3A_107 : memref<1x128xi32, #tpu.memory_space<vmem>> -> memref<128xi32, #tpu.memory_space<vmem>>
        %dma_wait3A_109 = arith.constant 0 : i32
        %dma_wait3A_110 = arith.constant 0 : i32
        %dma_wait3A_111 = tpu.memref_slice %arg12[%dma_wait3A_109, %dma_wait3A_110] : memref<10240x128xf32, #tpu.memory_space<vmem_shared>> -> memref<10240x128xf32, #tpu.memory_space<vmem_shared>>
        tpu.wait_indirect_dma semaphore(%run_scoped3A_99 : memref<!tpu.dma_semaphore, #tpu.memory_space<semaphore_mem>>) src(%arg11 : memref<128x128xf32, #tpu.memory_space<vmem>>) dst(%dma_wait3A_111 : memref<10240x128xf32, #tpu.memory_space<vmem_shared>>)
        tpu.yield
      }) : () -> ()
    } else {
    }
    %eq3A_3 = arith.constant 1 : i32
    %eq3A_4 = arith.cmpi eq, %arg0, %eq3A_3 : i32
    %convert_element_type3A_5 = arith.extui %eq3A_4 : i1 to i32
    %cond3A_6 = arith.constant 0 : i32
    %cond3A_7 = arith.cmpi ne, %convert_element_type3A_5, %cond3A_6 : i32
    scf.if %cond3A_7 {
      %mul3A_15 = arith.constant 80 : i32
      %mul3A_16 = arith.muli %arg1, %mul3A_15 : i32
      %add3A_17 = arith.constant 0 : i32
      %add3A_18 = arith.addi %mul3A_16, %add3A_17 : i32
      "tpu.region"() ({
        %run_scoped3A_99 = tpu.sem_alloc : memref<!tpu.dma_semaphore, #tpu.memory_space<semaphore_mem>>
        %dma_start3A_100 = arith.constant 0 : i32
        %dma_start3A_101 = tpu.memref_slice %arg4[%add3A_18, %dma_start3A_100] : memref<1280x128xi32, #tpu.memory_space<hbm>> -> memref<40x128xi32, #tpu.memory_space<hbm>>
        %dma_start3A_102 = arith.constant 0 : i32
        %dma_start3A_103 = tpu.memref_slice %arg4[%add3A_18, %dma_start3A_102] : memref<1280x128xi32, #tpu.memory_space<hbm>> -> memref<40x128xi32, #tpu.memory_space<hbm>>
        tpu.enqueue_dma source(%dma_start3A_103 : memref<40x128xi32, #tpu.memory_space<hbm>>) target(%arg8 : memref<40x128xi32, #tpu.memory_space<vmem>>) target_semaphore(%run_scoped3A_99 : memref<!tpu.dma_semaphore, #tpu.memory_space<semaphore_mem>>)
        %dma_wait3A_104 = arith.constant 0 : i32
        %dma_wait3A_105 = tpu.memref_slice %arg4[%add3A_18, %dma_wait3A_104] : memref<1280x128xi32, #tpu.memory_space<hbm>> -> memref<40x128xi32, #tpu.memory_space<hbm>>
        %dma_wait3A_106 = arith.constant 0 : i32
        %dma_wait3A_107 = tpu.memref_slice %arg4[%add3A_18, %dma_wait3A_106] : memref<1280x128xi32, #tpu.memory_space<hbm>> -> memref<40x128xi32, #tpu.memory_space<hbm>>
        tpu.wait_dma2 semaphore(%run_scoped3A_99 : memref<!tpu.dma_semaphore, #tpu.memory_space<semaphore_mem>>) src(%dma_wait3A_107 : memref<40x128xi32, #tpu.memory_space<hbm>>) dst(%arg8 : memref<40x128xi32, #tpu.memory_space<vmem>>)
        tpu.yield
      }) : () -> ()
      %mul3A_19 = arith.constant 80 : i32
      %mul3A_20 = arith.muli %arg1, %mul3A_19 : i32
      %add3A_21 = arith.constant 0 : i32
      %add3A_22 = arith.addi %mul3A_20, %add3A_21 : i32
      "tpu.region"() ({
        %run_scoped3A_99 = tpu.sem_alloc : memref<!tpu.dma_semaphore, #tpu.memory_space<semaphore_mem>>
        %dma_start3A_100 = arith.constant 0 : i32
        %dma_start3A_101 = tpu.memref_slice %arg5[%add3A_22, %dma_start3A_100] : memref<1280x128xi32, #tpu.memory_space<hbm>> -> memref<40x128xi32, #tpu.memory_space<hbm>>
        %dma_start3A_102 = arith.constant 0 : i32
        %dma_start3A_103 = tpu.memref_slice %arg5[%add3A_22, %dma_start3A_102] : memref<1280x128xi32, #tpu.memory_space<hbm>> -> memref<40x128xi32, #tpu.memory_space<hbm>>
        tpu.enqueue_dma source(%dma_start3A_103 : memref<40x128xi32, #tpu.memory_space<hbm>>) target(%arg9 : memref<40x128xi32, #tpu.memory_space<vmem>>) target_semaphore(%run_scoped3A_99 : memref<!tpu.dma_semaphore, #tpu.memory_space<semaphore_mem>>)
        %dma_wait3A_104 = arith.constant 0 : i32
        %dma_wait3A_105 = tpu.memref_slice %arg5[%add3A_22, %dma_wait3A_104] : memref<1280x128xi32, #tpu.memory_space<hbm>> -> memref<40x128xi32, #tpu.memory_space<hbm>>
        %dma_wait3A_106 = arith.constant 0 : i32
        %dma_wait3A_107 = tpu.memref_slice %arg5[%add3A_22, %dma_wait3A_106] : memref<1280x128xi32, #tpu.memory_space<hbm>> -> memref<40x128xi32, #tpu.memory_space<hbm>>
        tpu.wait_dma2 semaphore(%run_scoped3A_99 : memref<!tpu.dma_semaphore, #tpu.memory_space<semaphore_mem>>) src(%dma_wait3A_107 : memref<40x128xi32, #tpu.memory_space<hbm>>) dst(%arg9 : memref<40x128xi32, #tpu.memory_space<vmem>>)
        tpu.yield
      }) : () -> ()
      %dma_start3A = arith.constant 0 : i32
      %dma_start3A_23 = arith.constant 0 : i32
      %dma_start3A_24 = tpu.memref_slice %arg8[%dma_start3A, %dma_start3A_23] : memref<40x128xi32, #tpu.memory_space<vmem>> -> memref<1x128xi32, #tpu.memory_space<vmem>>
      %dma_start3A_25 = tpu.memref_squeeze %dma_start3A_24 : memref<1x128xi32, #tpu.memory_space<vmem>> -> memref<128xi32, #tpu.memory_space<vmem>>
      %dma_start3A_26 = arith.constant 0 : i32
      %dma_start3A_27 = arith.constant 0 : i32
      %dma_start3A_28 = tpu.memref_slice %arg3[%dma_start3A_26, %dma_start3A_27] : memref<10000x128xf32, #tpu.memory_space<hbm>> -> memref<10000x128xf32, #tpu.memory_space<hbm>>
      tpu.enqueue_indirect_dma source(%dma_start3A_28 : memref<10000x128xf32, #tpu.memory_space<hbm>>) target(%arg10 : memref<128x128xf32, #tpu.memory_space<vmem>>) offsets(%dma_start3A_25 : memref<128xi32, #tpu.memory_space<vmem>>) semaphore(%arg13 : memref<!tpu.dma_semaphore, #tpu.memory_space<semaphore_mem>>)
      %dma_start3A_29 = arith.constant 1 : i32
      %dma_start3A_30 = arith.constant 0 : i32
      %dma_start3A_31 = tpu.memref_slice %arg8[%dma_start3A_29, %dma_start3A_30] : memref<40x128xi32, #tpu.memory_space<vmem>> -> memref<1x128xi32, #tpu.memory_space<vmem>>
      %dma_start3A_32 = tpu.memref_squeeze %dma_start3A_31 : memref<1x128xi32, #tpu.memory_space<vmem>> -> memref<128xi32, #tpu.memory_space<vmem>>
      %dma_start3A_33 = arith.constant 0 : i32
      %dma_start3A_34 = arith.constant 0 : i32
      %dma_start3A_35 = tpu.memref_slice %arg3[%dma_start3A_33, %dma_start3A_34] : memref<10000x128xf32, #tpu.memory_space<hbm>> -> memref<10000x128xf32, #tpu.memory_space<hbm>>
      tpu.enqueue_indirect_dma source(%dma_start3A_35 : memref<10000x128xf32, #tpu.memory_space<hbm>>) target(%arg11 : memref<128x128xf32, #tpu.memory_space<vmem>>) offsets(%dma_start3A_32 : memref<128xi32, #tpu.memory_space<vmem>>) semaphore(%arg14 : memref<!tpu.dma_semaphore, #tpu.memory_space<semaphore_mem>>)
      %scan3A = arith.constant 0 : i32
      %scan3A_36 = arith.constant 0 : i32
      %scan3A_37 = arith.constant 19 : i32
      %scan3A_38 = arith.addi %scan3A_36, %scan3A_37 : i32
      %scan3A_39 = arith.constant 1 : i32
      scf.for %scan3A_99 = %scan3A_36 to %scan3A_38 step %scan3A_39  : i32 {
        %mul3A_100 = arith.constant 2 : i32
        %mul3A_101 = arith.muli %mul3A_100, %scan3A_99 : i32
        %dma_wait3A_102 = arith.constant 0 : i32
        %dma_wait3A_103 = tpu.memref_slice %arg8[%mul3A_101, %dma_wait3A_102] : memref<40x128xi32, #tpu.memory_space<vmem>> -> memref<1x128xi32, #tpu.memory_space<vmem>>
        %dma_wait3A_104 = tpu.memref_squeeze %dma_wait3A_103 : memref<1x128xi32, #tpu.memory_space<vmem>> -> memref<128xi32, #tpu.memory_space<vmem>>
        %dma_wait3A_105 = arith.constant 0 : i32
        %dma_wait3A_106 = arith.constant 0 : i32
        %dma_wait3A_107 = tpu.memref_slice %arg3[%dma_wait3A_105, %dma_wait3A_106] : memref<10000x128xf32, #tpu.memory_space<hbm>> -> memref<10000x128xf32, #tpu.memory_space<hbm>>
        tpu.wait_indirect_dma semaphore(%arg13 : memref<!tpu.dma_semaphore, #tpu.memory_space<semaphore_mem>>) src(%dma_wait3A_107 : memref<10000x128xf32, #tpu.memory_space<hbm>>) dst(%arg10 : memref<128x128xf32, #tpu.memory_space<vmem>>)
        "tpu.region"() ({
          %run_scoped3A_134 = tpu.sem_alloc : memref<!tpu.dma_semaphore, #tpu.memory_space<semaphore_mem>>
          %dma_start3A_135 = arith.constant 0 : i32
          %dma_start3A_136 = tpu.memref_slice %arg9[%mul3A_101, %dma_start3A_135] : memref<40x128xi32, #tpu.memory_space<vmem>> -> memref<1x128xi32, #tpu.memory_space<vmem>>
          %dma_start3A_137 = tpu.memref_squeeze %dma_start3A_136 : memref<1x128xi32, #tpu.memory_space<vmem>> -> memref<128xi32, #tpu.memory_space<vmem>>
          %dma_start3A_138 = arith.constant 0 : i32
          %dma_start3A_139 = arith.constant 0 : i32
          %dma_start3A_140 = tpu.memref_slice %arg12[%dma_start3A_138, %dma_start3A_139] : memref<10240x128xf32, #tpu.memory_space<vmem_shared>> -> memref<10240x128xf32, #tpu.memory_space<vmem_shared>>
          tpu.enqueue_indirect_dma source(%arg10 : memref<128x128xf32, #tpu.memory_space<vmem>>) target(%dma_start3A_140 : memref<10240x128xf32, #tpu.memory_space<vmem_shared>>) offsets(%dma_start3A_137 : memref<128xi32, #tpu.memory_space<vmem>>) semaphore(%run_scoped3A_134 : memref<!tpu.dma_semaphore, #tpu.memory_space<semaphore_mem>>) {add = true}
          %dma_wait3A_141 = arith.constant 0 : i32
          %dma_wait3A_142 = tpu.memref_slice %arg9[%mul3A_101, %dma_wait3A_141] : memref<40x128xi32, #tpu.memory_space<vmem>> -> memref<1x128xi32, #tpu.memory_space<vmem>>
          %dma_wait3A_143 = tpu.memref_squeeze %dma_wait3A_142 : memref<1x128xi32, #tpu.memory_space<vmem>> -> memref<128xi32, #tpu.memory_space<vmem>>
          %dma_wait3A_144 = arith.constant 0 : i32
          %dma_wait3A_145 = arith.constant 0 : i32
          %dma_wait3A_146 = tpu.memref_slice %arg12[%dma_wait3A_144, %dma_wait3A_145] : memref<10240x128xf32, #tpu.memory_space<vmem_shared>> -> memref<10240x128xf32, #tpu.memory_space<vmem_shared>>
          tpu.wait_indirect_dma semaphore(%run_scoped3A_134 : memref<!tpu.dma_semaphore, #tpu.memory_space<semaphore_mem>>) src(%arg10 : memref<128x128xf32, #tpu.memory_space<vmem>>) dst(%dma_wait3A_146 : memref<10240x128xf32, #tpu.memory_space<vmem_shared>>)
          tpu.yield
        }) : () -> ()
        %add3A_108 = arith.constant 2 : i32
        %add3A_109 = arith.addi %mul3A_101, %add3A_108 : i32
        %dma_start3A_110 = arith.constant 0 : i32
        %dma_start3A_111 = tpu.memref_slice %arg8[%add3A_109, %dma_start3A_110] : memref<40x128xi32, #tpu.memory_space<vmem>> -> memref<1x128xi32, #tpu.memory_space<vmem>>
        %dma_start3A_112 = tpu.memref_squeeze %dma_start3A_111 : memref<1x128xi32, #tpu.memory_space<vmem>> -> memref<128xi32, #tpu.memory_space<vmem>>
        %dma_start3A_113 = arith.constant 0 : i32
        %dma_start3A_114 = arith.constant 0 : i32
        %dma_start3A_115 = tpu.memref_slice %arg3[%dma_start3A_113, %dma_start3A_114] : memref<10000x128xf32, #tpu.memory_space<hbm>> -> memref<10000x128xf32, #tpu.memory_space<hbm>>
        tpu.enqueue_indirect_dma source(%dma_start3A_115 : memref<10000x128xf32, #tpu.memory_space<hbm>>) target(%arg10 : memref<128x128xf32, #tpu.memory_space<vmem>>) offsets(%dma_start3A_112 : memref<128xi32, #tpu.memory_space<vmem>>) semaphore(%arg13 : memref<!tpu.dma_semaphore, #tpu.memory_space<semaphore_mem>>)
        %add3A_116 = arith.constant 1 : i32
        %add3A_117 = arith.addi %mul3A_101, %add3A_116 : i32
        %dma_wait3A_118 = arith.constant 0 : i32
        %dma_wait3A_119 = tpu.memref_slice %arg8[%add3A_117, %dma_wait3A_118] : memref<40x128xi32, #tpu.memory_space<vmem>> -> memref<1x128xi32, #tpu.memory_space<vmem>>
        %dma_wait3A_120 = tpu.memref_squeeze %dma_wait3A_119 : memref<1x128xi32, #tpu.memory_space<vmem>> -> memref<128xi32, #tpu.memory_space<vmem>>
        %dma_wait3A_121 = arith.constant 0 : i32
        %dma_wait3A_122 = arith.constant 0 : i32
        %dma_wait3A_123 = tpu.memref_slice %arg3[%dma_wait3A_121, %dma_wait3A_122] : memref<10000x128xf32, #tpu.memory_space<hbm>> -> memref<10000x128xf32, #tpu.memory_space<hbm>>
        tpu.wait_indirect_dma semaphore(%arg14 : memref<!tpu.dma_semaphore, #tpu.memory_space<semaphore_mem>>) src(%dma_wait3A_123 : memref<10000x128xf32, #tpu.memory_space<hbm>>) dst(%arg11 : memref<128x128xf32, #tpu.memory_space<vmem>>)
        %add3A_124 = arith.constant 1 : i32
        %add3A_125 = arith.addi %mul3A_101, %add3A_124 : i32
        "tpu.region"() ({
          %run_scoped3A_134 = tpu.sem_alloc : memref<!tpu.dma_semaphore, #tpu.memory_space<semaphore_mem>>
          %dma_start3A_135 = arith.constant 0 : i32
          %dma_start3A_136 = tpu.memref_slice %arg9[%add3A_125, %dma_start3A_135] : memref<40x128xi32, #tpu.memory_space<vmem>> -> memref<1x128xi32, #tpu.memory_space<vmem>>
          %dma_start3A_137 = tpu.memref_squeeze %dma_start3A_136 : memref<1x128xi32, #tpu.memory_space<vmem>> -> memref<128xi32, #tpu.memory_space<vmem>>
          %dma_start3A_138 = arith.constant 0 : i32
          %dma_start3A_139 = arith.constant 0 : i32
          %dma_start3A_140 = tpu.memref_slice %arg12[%dma_start3A_138, %dma_start3A_139] : memref<10240x128xf32, #tpu.memory_space<vmem_shared>> -> memref<10240x128xf32, #tpu.memory_space<vmem_shared>>
          tpu.enqueue_indirect_dma source(%arg11 : memref<128x128xf32, #tpu.memory_space<vmem>>) target(%dma_start3A_140 : memref<10240x128xf32, #tpu.memory_space<vmem_shared>>) offsets(%dma_start3A_137 : memref<128xi32, #tpu.memory_space<vmem>>) semaphore(%run_scoped3A_134 : memref<!tpu.dma_semaphore, #tpu.memory_space<semaphore_mem>>) {add = true}
          %dma_wait3A_141 = arith.constant 0 : i32
          %dma_wait3A_142 = tpu.memref_slice %arg9[%add3A_125, %dma_wait3A_141] : memref<40x128xi32, #tpu.memory_space<vmem>> -> memref<1x128xi32, #tpu.memory_space<vmem>>
          %dma_wait3A_143 = tpu.memref_squeeze %dma_wait3A_142 : memref<1x128xi32, #tpu.memory_space<vmem>> -> memref<128xi32, #tpu.memory_space<vmem>>
          %dma_wait3A_144 = arith.constant 0 : i32
          %dma_wait3A_145 = arith.constant 0 : i32
          %dma_wait3A_146 = tpu.memref_slice %arg12[%dma_wait3A_144, %dma_wait3A_145] : memref<10240x128xf32, #tpu.memory_space<vmem_shared>> -> memref<10240x128xf32, #tpu.memory_space<vmem_shared>>
          tpu.wait_indirect_dma semaphore(%run_scoped3A_134 : memref<!tpu.dma_semaphore, #tpu.memory_space<semaphore_mem>>) src(%arg11 : memref<128x128xf32, #tpu.memory_space<vmem>>) dst(%dma_wait3A_146 : memref<10240x128xf32, #tpu.memory_space<vmem_shared>>)
          tpu.yield
        }) : () -> ()
        %add3A_126 = arith.constant 3 : i32
        %add3A_127 = arith.addi %mul3A_101, %add3A_126 : i32
        %dma_start3A_128 = arith.constant 0 : i32
        %dma_start3A_129 = tpu.memref_slice %arg8[%add3A_127, %dma_start3A_128] : memref<40x128xi32, #tpu.memory_space<vmem>> -> memref<1x128xi32, #tpu.memory_space<vmem>>
        %dma_start3A_130 = tpu.memref_squeeze %dma_start3A_129 : memref<1x128xi32, #tpu.memory_space<vmem>> -> memref<128xi32, #tpu.memory_space<vmem>>
        %dma_start3A_131 = arith.constant 0 : i32
        %dma_start3A_132 = arith.constant 0 : i32
        %dma_start3A_133 = tpu.memref_slice %arg3[%dma_start3A_131, %dma_start3A_132] : memref<10000x128xf32, #tpu.memory_space<hbm>> -> memref<10000x128xf32, #tpu.memory_space<hbm>>
        tpu.enqueue_indirect_dma source(%dma_start3A_133 : memref<10000x128xf32, #tpu.memory_space<hbm>>) target(%arg11 : memref<128x128xf32, #tpu.memory_space<vmem>>) offsets(%dma_start3A_130 : memref<128xi32, #tpu.memory_space<vmem>>) semaphore(%arg14 : memref<!tpu.dma_semaphore, #tpu.memory_space<semaphore_mem>>)
      }
      %scan3A_40 = arith.constant 19 : i32
      %dma_wait3A = arith.constant 38 : i32
      %dma_wait3A_41 = arith.constant 0 : i32
      %dma_wait3A_42 = tpu.memref_slice %arg8[%dma_wait3A, %dma_wait3A_41] : memref<40x128xi32, #tpu.memory_space<vmem>> -> memref<1x128xi32, #tpu.memory_space<vmem>>
      %dma_wait3A_43 = tpu.memref_squeeze %dma_wait3A_42 : memref<1x128xi32, #tpu.memory_space<vmem>> -> memref<128xi32, #tpu.memory_space<vmem>>
      %dma_wait3A_44 = arith.constant 0 : i32
      %dma_wait3A_45 = arith.constant 0 : i32
      %dma_wait3A_46 = tpu.memref_slice %arg3[%dma_wait3A_44, %dma_wait3A_45] : memref<10000x128xf32, #tpu.memory_space<hbm>> -> memref<10000x128xf32, #tpu.memory_space<hbm>>
      tpu.wait_indirect_dma semaphore(%arg13 : memref<!tpu.dma_semaphore, #tpu.memory_space<semaphore_mem>>) src(%dma_wait3A_46 : memref<10000x128xf32, #tpu.memory_space<hbm>>) dst(%arg10 : memref<128x128xf32, #tpu.memory_space<vmem>>)
      %run_scoped3A = arith.constant 38 : i32
      "tpu.region"() ({
        %run_scoped3A_99 = tpu.sem_alloc : memref<!tpu.dma_semaphore, #tpu.memory_space<semaphore_mem>>
        %dma_start3A_100 = arith.constant 0 : i32
        %dma_start3A_101 = tpu.memref_slice %arg9[%run_scoped3A, %dma_start3A_100] : memref<40x128xi32, #tpu.memory_space<vmem>> -> memref<1x128xi32, #tpu.memory_space<vmem>>
        %dma_start3A_102 = tpu.memref_squeeze %dma_start3A_101 : memref<1x128xi32, #tpu.memory_space<vmem>> -> memref<128xi32, #tpu.memory_space<vmem>>
        %dma_start3A_103 = arith.constant 0 : i32
        %dma_start3A_104 = arith.constant 0 : i32
        %dma_start3A_105 = tpu.memref_slice %arg12[%dma_start3A_103, %dma_start3A_104] : memref<10240x128xf32, #tpu.memory_space<vmem_shared>> -> memref<10240x128xf32, #tpu.memory_space<vmem_shared>>
        tpu.enqueue_indirect_dma source(%arg10 : memref<128x128xf32, #tpu.memory_space<vmem>>) target(%dma_start3A_105 : memref<10240x128xf32, #tpu.memory_space<vmem_shared>>) offsets(%dma_start3A_102 : memref<128xi32, #tpu.memory_space<vmem>>) semaphore(%run_scoped3A_99 : memref<!tpu.dma_semaphore, #tpu.memory_space<semaphore_mem>>) {add = true}
        %dma_wait3A_106 = arith.constant 0 : i32
        %dma_wait3A_107 = tpu.memref_slice %arg9[%run_scoped3A, %dma_wait3A_106] : memref<40x128xi32, #tpu.memory_space<vmem>> -> memref<1x128xi32, #tpu.memory_space<vmem>>
        %dma_wait3A_108 = tpu.memref_squeeze %dma_wait3A_107 : memref<1x128xi32, #tpu.memory_space<vmem>> -> memref<128xi32, #tpu.memory_space<vmem>>
        %dma_wait3A_109 = arith.constant 0 : i32
        %dma_wait3A_110 = arith.constant 0 : i32
        %dma_wait3A_111 = tpu.memref_slice %arg12[%dma_wait3A_109, %dma_wait3A_110] : memref<10240x128xf32, #tpu.memory_space<vmem_shared>> -> memref<10240x128xf32, #tpu.memory_space<vmem_shared>>
        tpu.wait_indirect_dma semaphore(%run_scoped3A_99 : memref<!tpu.dma_semaphore, #tpu.memory_space<semaphore_mem>>) src(%arg10 : memref<128x128xf32, #tpu.memory_space<vmem>>) dst(%dma_wait3A_111 : memref<10240x128xf32, #tpu.memory_space<vmem_shared>>)
        tpu.yield
      }) : () -> ()
      %dma_wait3A_47 = arith.constant 39 : i32
      %dma_wait3A_48 = arith.constant 0 : i32
      %dma_wait3A_49 = tpu.memref_slice %arg8[%dma_wait3A_47, %dma_wait3A_48] : memref<40x128xi32, #tpu.memory_space<vmem>> -> memref<1x128xi32, #tpu.memory_space<vmem>>
      %dma_wait3A_50 = tpu.memref_squeeze %dma_wait3A_49 : memref<1x128xi32, #tpu.memory_space<vmem>> -> memref<128xi32, #tpu.memory_space<vmem>>
      %dma_wait3A_51 = arith.constant 0 : i32
      %dma_wait3A_52 = arith.constant 0 : i32
      %dma_wait3A_53 = tpu.memref_slice %arg3[%dma_wait3A_51, %dma_wait3A_52] : memref<10000x128xf32, #tpu.memory_space<hbm>> -> memref<10000x128xf32, #tpu.memory_space<hbm>>
      tpu.wait_indirect_dma semaphore(%arg14 : memref<!tpu.dma_semaphore, #tpu.memory_space<semaphore_mem>>) src(%dma_wait3A_53 : memref<10000x128xf32, #tpu.memory_space<hbm>>) dst(%arg11 : memref<128x128xf32, #tpu.memory_space<vmem>>)
      %run_scoped3A_54 = arith.constant 39 : i32
      "tpu.region"() ({
        %run_scoped3A_99 = tpu.sem_alloc : memref<!tpu.dma_semaphore, #tpu.memory_space<semaphore_mem>>
        %dma_start3A_100 = arith.constant 0 : i32
        %dma_start3A_101 = tpu.memref_slice %arg9[%run_scoped3A_54, %dma_start3A_100] : memref<40x128xi32, #tpu.memory_space<vmem>> -> memref<1x128xi32, #tpu.memory_space<vmem>>
        %dma_start3A_102 = tpu.memref_squeeze %dma_start3A_101 : memref<1x128xi32, #tpu.memory_space<vmem>> -> memref<128xi32, #tpu.memory_space<vmem>>
        %dma_start3A_103 = arith.constant 0 : i32
        %dma_start3A_104 = arith.constant 0 : i32
        %dma_start3A_105 = tpu.memref_slice %arg12[%dma_start3A_103, %dma_start3A_104] : memref<10240x128xf32, #tpu.memory_space<vmem_shared>> -> memref<10240x128xf32, #tpu.memory_space<vmem_shared>>
        tpu.enqueue_indirect_dma source(%arg11 : memref<128x128xf32, #tpu.memory_space<vmem>>) target(%dma_start3A_105 : memref<10240x128xf32, #tpu.memory_space<vmem_shared>>) offsets(%dma_start3A_102 : memref<128xi32, #tpu.memory_space<vmem>>) semaphore(%run_scoped3A_99 : memref<!tpu.dma_semaphore, #tpu.memory_space<semaphore_mem>>) {add = true}
        %dma_wait3A_106 = arith.constant 0 : i32
        %dma_wait3A_107 = tpu.memref_slice %arg9[%run_scoped3A_54, %dma_wait3A_106] : memref<40x128xi32, #tpu.memory_space<vmem>> -> memref<1x128xi32, #tpu.memory_space<vmem>>
        %dma_wait3A_108 = tpu.memref_squeeze %dma_wait3A_107 : memref<1x128xi32, #tpu.memory_space<vmem>> -> memref<128xi32, #tpu.memory_space<vmem>>
        %dma_wait3A_109 = arith.constant 0 : i32
        %dma_wait3A_110 = arith.constant 0 : i32
        %dma_wait3A_111 = tpu.memref_slice %arg12[%dma_wait3A_109, %dma_wait3A_110] : memref<10240x128xf32, #tpu.memory_space<vmem_shared>> -> memref<10240x128xf32, #tpu.memory_space<vmem_shared>>
        tpu.wait_indirect_dma semaphore(%run_scoped3A_99 : memref<!tpu.dma_semaphore, #tpu.memory_space<semaphore_mem>>) src(%arg11 : memref<128x128xf32, #tpu.memory_space<vmem>>) dst(%dma_wait3A_111 : memref<10240x128xf32, #tpu.memory_space<vmem_shared>>)
        tpu.yield
      }) : () -> ()
      %mul3A_55 = arith.constant 80 : i32
      %mul3A_56 = arith.muli %arg1, %mul3A_55 : i32
      %add3A_57 = arith.constant 40 : i32
      %add3A_58 = arith.addi %mul3A_56, %add3A_57 : i32
      "tpu.region"() ({
        %run_scoped3A_99 = tpu.sem_alloc : memref<!tpu.dma_semaphore, #tpu.memory_space<semaphore_mem>>
        %dma_start3A_100 = arith.constant 0 : i32
        %dma_start3A_101 = tpu.memref_slice %arg4[%add3A_58, %dma_start3A_100] : memref<1280x128xi32, #tpu.memory_space<hbm>> -> memref<40x128xi32, #tpu.memory_space<hbm>>
        %dma_start3A_102 = arith.constant 0 : i32
        %dma_start3A_103 = tpu.memref_slice %arg4[%add3A_58, %dma_start3A_102] : memref<1280x128xi32, #tpu.memory_space<hbm>> -> memref<40x128xi32, #tpu.memory_space<hbm>>
        tpu.enqueue_dma source(%dma_start3A_103 : memref<40x128xi32, #tpu.memory_space<hbm>>) target(%arg8 : memref<40x128xi32, #tpu.memory_space<vmem>>) target_semaphore(%run_scoped3A_99 : memref<!tpu.dma_semaphore, #tpu.memory_space<semaphore_mem>>)
        %dma_wait3A_104 = arith.constant 0 : i32
        %dma_wait3A_105 = tpu.memref_slice %arg4[%add3A_58, %dma_wait3A_104] : memref<1280x128xi32, #tpu.memory_space<hbm>> -> memref<40x128xi32, #tpu.memory_space<hbm>>
        %dma_wait3A_106 = arith.constant 0 : i32
        %dma_wait3A_107 = tpu.memref_slice %arg4[%add3A_58, %dma_wait3A_106] : memref<1280x128xi32, #tpu.memory_space<hbm>> -> memref<40x128xi32, #tpu.memory_space<hbm>>
        tpu.wait_dma2 semaphore(%run_scoped3A_99 : memref<!tpu.dma_semaphore, #tpu.memory_space<semaphore_mem>>) src(%dma_wait3A_107 : memref<40x128xi32, #tpu.memory_space<hbm>>) dst(%arg8 : memref<40x128xi32, #tpu.memory_space<vmem>>)
        tpu.yield
      }) : () -> ()
      %mul3A_59 = arith.constant 80 : i32
      %mul3A_60 = arith.muli %arg1, %mul3A_59 : i32
      %add3A_61 = arith.constant 40 : i32
      %add3A_62 = arith.addi %mul3A_60, %add3A_61 : i32
      "tpu.region"() ({
        %run_scoped3A_99 = tpu.sem_alloc : memref<!tpu.dma_semaphore, #tpu.memory_space<semaphore_mem>>
        %dma_start3A_100 = arith.constant 0 : i32
        %dma_start3A_101 = tpu.memref_slice %arg5[%add3A_62, %dma_start3A_100] : memref<1280x128xi32, #tpu.memory_space<hbm>> -> memref<40x128xi32, #tpu.memory_space<hbm>>
        %dma_start3A_102 = arith.constant 0 : i32
        %dma_start3A_103 = tpu.memref_slice %arg5[%add3A_62, %dma_start3A_102] : memref<1280x128xi32, #tpu.memory_space<hbm>> -> memref<40x128xi32, #tpu.memory_space<hbm>>
        tpu.enqueue_dma source(%dma_start3A_103 : memref<40x128xi32, #tpu.memory_space<hbm>>) target(%arg9 : memref<40x128xi32, #tpu.memory_space<vmem>>) target_semaphore(%run_scoped3A_99 : memref<!tpu.dma_semaphore, #tpu.memory_space<semaphore_mem>>)
        %dma_wait3A_104 = arith.constant 0 : i32
        %dma_wait3A_105 = tpu.memref_slice %arg5[%add3A_62, %dma_wait3A_104] : memref<1280x128xi32, #tpu.memory_space<hbm>> -> memref<40x128xi32, #tpu.memory_space<hbm>>
        %dma_wait3A_106 = arith.constant 0 : i32
        %dma_wait3A_107 = tpu.memref_slice %arg5[%add3A_62, %dma_wait3A_106] : memref<1280x128xi32, #tpu.memory_space<hbm>> -> memref<40x128xi32, #tpu.memory_space<hbm>>
        tpu.wait_dma2 semaphore(%run_scoped3A_99 : memref<!tpu.dma_semaphore, #tpu.memory_space<semaphore_mem>>) src(%dma_wait3A_107 : memref<40x128xi32, #tpu.memory_space<hbm>>) dst(%arg9 : memref<40x128xi32, #tpu.memory_space<vmem>>)
        tpu.yield
      }) : () -> ()
      %dma_start3A_63 = arith.constant 0 : i32
      %dma_start3A_64 = arith.constant 0 : i32
      %dma_start3A_65 = tpu.memref_slice %arg8[%dma_start3A_63, %dma_start3A_64] : memref<40x128xi32, #tpu.memory_space<vmem>> -> memref<1x128xi32, #tpu.memory_space<vmem>>
      %dma_start3A_66 = tpu.memref_squeeze %dma_start3A_65 : memref<1x128xi32, #tpu.memory_space<vmem>> -> memref<128xi32, #tpu.memory_space<vmem>>
      %dma_start3A_67 = arith.constant 0 : i32
      %dma_start3A_68 = arith.constant 0 : i32
      %dma_start3A_69 = tpu.memref_slice %arg3[%dma_start3A_67, %dma_start3A_68] : memref<10000x128xf32, #tpu.memory_space<hbm>> -> memref<10000x128xf32, #tpu.memory_space<hbm>>
      tpu.enqueue_indirect_dma source(%dma_start3A_69 : memref<10000x128xf32, #tpu.memory_space<hbm>>) target(%arg10 : memref<128x128xf32, #tpu.memory_space<vmem>>) offsets(%dma_start3A_66 : memref<128xi32, #tpu.memory_space<vmem>>) semaphore(%arg13 : memref<!tpu.dma_semaphore, #tpu.memory_space<semaphore_mem>>)
      %dma_start3A_70 = arith.constant 1 : i32
      %dma_start3A_71 = arith.constant 0 : i32
      %dma_start3A_72 = tpu.memref_slice %arg8[%dma_start3A_70, %dma_start3A_71] : memref<40x128xi32, #tpu.memory_space<vmem>> -> memref<1x128xi32, #tpu.memory_space<vmem>>
      %dma_start3A_73 = tpu.memref_squeeze %dma_start3A_72 : memref<1x128xi32, #tpu.memory_space<vmem>> -> memref<128xi32, #tpu.memory_space<vmem>>
      %dma_start3A_74 = arith.constant 0 : i32
      %dma_start3A_75 = arith.constant 0 : i32
      %dma_start3A_76 = tpu.memref_slice %arg3[%dma_start3A_74, %dma_start3A_75] : memref<10000x128xf32, #tpu.memory_space<hbm>> -> memref<10000x128xf32, #tpu.memory_space<hbm>>
      tpu.enqueue_indirect_dma source(%dma_start3A_76 : memref<10000x128xf32, #tpu.memory_space<hbm>>) target(%arg11 : memref<128x128xf32, #tpu.memory_space<vmem>>) offsets(%dma_start3A_73 : memref<128xi32, #tpu.memory_space<vmem>>) semaphore(%arg14 : memref<!tpu.dma_semaphore, #tpu.memory_space<semaphore_mem>>)
      %scan3A_77 = arith.constant 0 : i32
      %scan3A_78 = arith.constant 0 : i32
      %scan3A_79 = arith.constant 19 : i32
      %scan3A_80 = arith.addi %scan3A_78, %scan3A_79 : i32
      %scan3A_81 = arith.constant 1 : i32
      scf.for %scan3A_99 = %scan3A_78 to %scan3A_80 step %scan3A_81  : i32 {
        %mul3A_100 = arith.constant 2 : i32
        %mul3A_101 = arith.muli %mul3A_100, %scan3A_99 : i32
        %dma_wait3A_102 = arith.constant 0 : i32
        %dma_wait3A_103 = tpu.memref_slice %arg8[%mul3A_101, %dma_wait3A_102] : memref<40x128xi32, #tpu.memory_space<vmem>> -> memref<1x128xi32, #tpu.memory_space<vmem>>
        %dma_wait3A_104 = tpu.memref_squeeze %dma_wait3A_103 : memref<1x128xi32, #tpu.memory_space<vmem>> -> memref<128xi32, #tpu.memory_space<vmem>>
        %dma_wait3A_105 = arith.constant 0 : i32
        %dma_wait3A_106 = arith.constant 0 : i32
        %dma_wait3A_107 = tpu.memref_slice %arg3[%dma_wait3A_105, %dma_wait3A_106] : memref<10000x128xf32, #tpu.memory_space<hbm>> -> memref<10000x128xf32, #tpu.memory_space<hbm>>
        tpu.wait_indirect_dma semaphore(%arg13 : memref<!tpu.dma_semaphore, #tpu.memory_space<semaphore_mem>>) src(%dma_wait3A_107 : memref<10000x128xf32, #tpu.memory_space<hbm>>) dst(%arg10 : memref<128x128xf32, #tpu.memory_space<vmem>>)
        "tpu.region"() ({
          %run_scoped3A_134 = tpu.sem_alloc : memref<!tpu.dma_semaphore, #tpu.memory_space<semaphore_mem>>
          %dma_start3A_135 = arith.constant 0 : i32
          %dma_start3A_136 = tpu.memref_slice %arg9[%mul3A_101, %dma_start3A_135] : memref<40x128xi32, #tpu.memory_space<vmem>> -> memref<1x128xi32, #tpu.memory_space<vmem>>
          %dma_start3A_137 = tpu.memref_squeeze %dma_start3A_136 : memref<1x128xi32, #tpu.memory_space<vmem>> -> memref<128xi32, #tpu.memory_space<vmem>>
          %dma_start3A_138 = arith.constant 0 : i32
          %dma_start3A_139 = arith.constant 0 : i32
          %dma_start3A_140 = tpu.memref_slice %arg12[%dma_start3A_138, %dma_start3A_139] : memref<10240x128xf32, #tpu.memory_space<vmem_shared>> -> memref<10240x128xf32, #tpu.memory_space<vmem_shared>>
          tpu.enqueue_indirect_dma source(%arg10 : memref<128x128xf32, #tpu.memory_space<vmem>>) target(%dma_start3A_140 : memref<10240x128xf32, #tpu.memory_space<vmem_shared>>) offsets(%dma_start3A_137 : memref<128xi32, #tpu.memory_space<vmem>>) semaphore(%run_scoped3A_134 : memref<!tpu.dma_semaphore, #tpu.memory_space<semaphore_mem>>) {add = true}
          %dma_wait3A_141 = arith.constant 0 : i32
          %dma_wait3A_142 = tpu.memref_slice %arg9[%mul3A_101, %dma_wait3A_141] : memref<40x128xi32, #tpu.memory_space<vmem>> -> memref<1x128xi32, #tpu.memory_space<vmem>>
          %dma_wait3A_143 = tpu.memref_squeeze %dma_wait3A_142 : memref<1x128xi32, #tpu.memory_space<vmem>> -> memref<128xi32, #tpu.memory_space<vmem>>
          %dma_wait3A_144 = arith.constant 0 : i32
          %dma_wait3A_145 = arith.constant 0 : i32
          %dma_wait3A_146 = tpu.memref_slice %arg12[%dma_wait3A_144, %dma_wait3A_145] : memref<10240x128xf32, #tpu.memory_space<vmem_shared>> -> memref<10240x128xf32, #tpu.memory_space<vmem_shared>>
          tpu.wait_indirect_dma semaphore(%run_scoped3A_134 : memref<!tpu.dma_semaphore, #tpu.memory_space<semaphore_mem>>) src(%arg10 : memref<128x128xf32, #tpu.memory_space<vmem>>) dst(%dma_wait3A_146 : memref<10240x128xf32, #tpu.memory_space<vmem_shared>>)
          tpu.yield
        }) : () -> ()
        %add3A_108 = arith.constant 2 : i32
        %add3A_109 = arith.addi %mul3A_101, %add3A_108 : i32
        %dma_start3A_110 = arith.constant 0 : i32
        %dma_start3A_111 = tpu.memref_slice %arg8[%add3A_109, %dma_start3A_110] : memref<40x128xi32, #tpu.memory_space<vmem>> -> memref<1x128xi32, #tpu.memory_space<vmem>>
        %dma_start3A_112 = tpu.memref_squeeze %dma_start3A_111 : memref<1x128xi32, #tpu.memory_space<vmem>> -> memref<128xi32, #tpu.memory_space<vmem>>
        %dma_start3A_113 = arith.constant 0 : i32
        %dma_start3A_114 = arith.constant 0 : i32
        %dma_start3A_115 = tpu.memref_slice %arg3[%dma_start3A_113, %dma_start3A_114] : memref<10000x128xf32, #tpu.memory_space<hbm>> -> memref<10000x128xf32, #tpu.memory_space<hbm>>
        tpu.enqueue_indirect_dma source(%dma_start3A_115 : memref<10000x128xf32, #tpu.memory_space<hbm>>) target(%arg10 : memref<128x128xf32, #tpu.memory_space<vmem>>) offsets(%dma_start3A_112 : memref<128xi32, #tpu.memory_space<vmem>>) semaphore(%arg13 : memref<!tpu.dma_semaphore, #tpu.memory_space<semaphore_mem>>)
        %add3A_116 = arith.constant 1 : i32
        %add3A_117 = arith.addi %mul3A_101, %add3A_116 : i32
        %dma_wait3A_118 = arith.constant 0 : i32
        %dma_wait3A_119 = tpu.memref_slice %arg8[%add3A_117, %dma_wait3A_118] : memref<40x128xi32, #tpu.memory_space<vmem>> -> memref<1x128xi32, #tpu.memory_space<vmem>>
        %dma_wait3A_120 = tpu.memref_squeeze %dma_wait3A_119 : memref<1x128xi32, #tpu.memory_space<vmem>> -> memref<128xi32, #tpu.memory_space<vmem>>
        %dma_wait3A_121 = arith.constant 0 : i32
        %dma_wait3A_122 = arith.constant 0 : i32
        %dma_wait3A_123 = tpu.memref_slice %arg3[%dma_wait3A_121, %dma_wait3A_122] : memref<10000x128xf32, #tpu.memory_space<hbm>> -> memref<10000x128xf32, #tpu.memory_space<hbm>>
        tpu.wait_indirect_dma semaphore(%arg14 : memref<!tpu.dma_semaphore, #tpu.memory_space<semaphore_mem>>) src(%dma_wait3A_123 : memref<10000x128xf32, #tpu.memory_space<hbm>>) dst(%arg11 : memref<128x128xf32, #tpu.memory_space<vmem>>)
        %add3A_124 = arith.constant 1 : i32
        %add3A_125 = arith.addi %mul3A_101, %add3A_124 : i32
        "tpu.region"() ({
          %run_scoped3A_134 = tpu.sem_alloc : memref<!tpu.dma_semaphore, #tpu.memory_space<semaphore_mem>>
          %dma_start3A_135 = arith.constant 0 : i32
          %dma_start3A_136 = tpu.memref_slice %arg9[%add3A_125, %dma_start3A_135] : memref<40x128xi32, #tpu.memory_space<vmem>> -> memref<1x128xi32, #tpu.memory_space<vmem>>
          %dma_start3A_137 = tpu.memref_squeeze %dma_start3A_136 : memref<1x128xi32, #tpu.memory_space<vmem>> -> memref<128xi32, #tpu.memory_space<vmem>>
          %dma_start3A_138 = arith.constant 0 : i32
          %dma_start3A_139 = arith.constant 0 : i32
          %dma_start3A_140 = tpu.memref_slice %arg12[%dma_start3A_138, %dma_start3A_139] : memref<10240x128xf32, #tpu.memory_space<vmem_shared>> -> memref<10240x128xf32, #tpu.memory_space<vmem_shared>>
          tpu.enqueue_indirect_dma source(%arg11 : memref<128x128xf32, #tpu.memory_space<vmem>>) target(%dma_start3A_140 : memref<10240x128xf32, #tpu.memory_space<vmem_shared>>) offsets(%dma_start3A_137 : memref<128xi32, #tpu.memory_space<vmem>>) semaphore(%run_scoped3A_134 : memref<!tpu.dma_semaphore, #tpu.memory_space<semaphore_mem>>) {add = true}
          %dma_wait3A_141 = arith.constant 0 : i32
          %dma_wait3A_142 = tpu.memref_slice %arg9[%add3A_125, %dma_wait3A_141] : memref<40x128xi32, #tpu.memory_space<vmem>> -> memref<1x128xi32, #tpu.memory_space<vmem>>
          %dma_wait3A_143 = tpu.memref_squeeze %dma_wait3A_142 : memref<1x128xi32, #tpu.memory_space<vmem>> -> memref<128xi32, #tpu.memory_space<vmem>>
          %dma_wait3A_144 = arith.constant 0 : i32
          %dma_wait3A_145 = arith.constant 0 : i32
          %dma_wait3A_146 = tpu.memref_slice %arg12[%dma_wait3A_144, %dma_wait3A_145] : memref<10240x128xf32, #tpu.memory_space<vmem_shared>> -> memref<10240x128xf32, #tpu.memory_space<vmem_shared>>
          tpu.wait_indirect_dma semaphore(%run_scoped3A_134 : memref<!tpu.dma_semaphore, #tpu.memory_space<semaphore_mem>>) src(%arg11 : memref<128x128xf32, #tpu.memory_space<vmem>>) dst(%dma_wait3A_146 : memref<10240x128xf32, #tpu.memory_space<vmem_shared>>)
          tpu.yield
        }) : () -> ()
        %add3A_126 = arith.constant 3 : i32
        %add3A_127 = arith.addi %mul3A_101, %add3A_126 : i32
        %dma_start3A_128 = arith.constant 0 : i32
        %dma_start3A_129 = tpu.memref_slice %arg8[%add3A_127, %dma_start3A_128] : memref<40x128xi32, #tpu.memory_space<vmem>> -> memref<1x128xi32, #tpu.memory_space<vmem>>
        %dma_start3A_130 = tpu.memref_squeeze %dma_start3A_129 : memref<1x128xi32, #tpu.memory_space<vmem>> -> memref<128xi32, #tpu.memory_space<vmem>>
        %dma_start3A_131 = arith.constant 0 : i32
        %dma_start3A_132 = arith.constant 0 : i32
        %dma_start3A_133 = tpu.memref_slice %arg3[%dma_start3A_131, %dma_start3A_132] : memref<10000x128xf32, #tpu.memory_space<hbm>> -> memref<10000x128xf32, #tpu.memory_space<hbm>>
        tpu.enqueue_indirect_dma source(%dma_start3A_133 : memref<10000x128xf32, #tpu.memory_space<hbm>>) target(%arg11 : memref<128x128xf32, #tpu.memory_space<vmem>>) offsets(%dma_start3A_130 : memref<128xi32, #tpu.memory_space<vmem>>) semaphore(%arg14 : memref<!tpu.dma_semaphore, #tpu.memory_space<semaphore_mem>>)
      }
      %scan3A_82 = arith.constant 19 : i32
      %dma_wait3A_83 = arith.constant 38 : i32
      %dma_wait3A_84 = arith.constant 0 : i32
      %dma_wait3A_85 = tpu.memref_slice %arg8[%dma_wait3A_83, %dma_wait3A_84] : memref<40x128xi32, #tpu.memory_space<vmem>> -> memref<1x128xi32, #tpu.memory_space<vmem>>
      %dma_wait3A_86 = tpu.memref_squeeze %dma_wait3A_85 : memref<1x128xi32, #tpu.memory_space<vmem>> -> memref<128xi32, #tpu.memory_space<vmem>>
      %dma_wait3A_87 = arith.constant 0 : i32
      %dma_wait3A_88 = arith.constant 0 : i32
      %dma_wait3A_89 = tpu.memref_slice %arg3[%dma_wait3A_87, %dma_wait3A_88] : memref<10000x128xf32, #tpu.memory_space<hbm>> -> memref<10000x128xf32, #tpu.memory_space<hbm>>
      tpu.wait_indirect_dma semaphore(%arg13 : memref<!tpu.dma_semaphore, #tpu.memory_space<semaphore_mem>>) src(%dma_wait3A_89 : memref<10000x128xf32, #tpu.memory_space<hbm>>) dst(%arg10 : memref<128x128xf32, #tpu.memory_space<vmem>>)
      %run_scoped3A_90 = arith.constant 38 : i32
      "tpu.region"() ({
        %run_scoped3A_99 = tpu.sem_alloc : memref<!tpu.dma_semaphore, #tpu.memory_space<semaphore_mem>>
        %dma_start3A_100 = arith.constant 0 : i32
        %dma_start3A_101 = tpu.memref_slice %arg9[%run_scoped3A_90, %dma_start3A_100] : memref<40x128xi32, #tpu.memory_space<vmem>> -> memref<1x128xi32, #tpu.memory_space<vmem>>
        %dma_start3A_102 = tpu.memref_squeeze %dma_start3A_101 : memref<1x128xi32, #tpu.memory_space<vmem>> -> memref<128xi32, #tpu.memory_space<vmem>>
        %dma_start3A_103 = arith.constant 0 : i32
        %dma_start3A_104 = arith.constant 0 : i32
        %dma_start3A_105 = tpu.memref_slice %arg12[%dma_start3A_103, %dma_start3A_104] : memref<10240x128xf32, #tpu.memory_space<vmem_shared>> -> memref<10240x128xf32, #tpu.memory_space<vmem_shared>>
        tpu.enqueue_indirect_dma source(%arg10 : memref<128x128xf32, #tpu.memory_space<vmem>>) target(%dma_start3A_105 : memref<10240x128xf32, #tpu.memory_space<vmem_shared>>) offsets(%dma_start3A_102 : memref<128xi32, #tpu.memory_space<vmem>>) semaphore(%run_scoped3A_99 : memref<!tpu.dma_semaphore, #tpu.memory_space<semaphore_mem>>) {add = true}
        %dma_wait3A_106 = arith.constant 0 : i32
        %dma_wait3A_107 = tpu.memref_slice %arg9[%run_scoped3A_90, %dma_wait3A_106] : memref<40x128xi32, #tpu.memory_space<vmem>> -> memref<1x128xi32, #tpu.memory_space<vmem>>
        %dma_wait3A_108 = tpu.memref_squeeze %dma_wait3A_107 : memref<1x128xi32, #tpu.memory_space<vmem>> -> memref<128xi32, #tpu.memory_space<vmem>>
        %dma_wait3A_109 = arith.constant 0 : i32
        %dma_wait3A_110 = arith.constant 0 : i32
        %dma_wait3A_111 = tpu.memref_slice %arg12[%dma_wait3A_109, %dma_wait3A_110] : memref<10240x128xf32, #tpu.memory_space<vmem_shared>> -> memref<10240x128xf32, #tpu.memory_space<vmem_shared>>
        tpu.wait_indirect_dma semaphore(%run_scoped3A_99 : memref<!tpu.dma_semaphore, #tpu.memory_space<semaphore_mem>>) src(%arg10 : memref<128x128xf32, #tpu.memory_space<vmem>>) dst(%dma_wait3A_111 : memref<10240x128xf32, #tpu.memory_space<vmem_shared>>)
        tpu.yield
      }) : () -> ()
      %dma_wait3A_91 = arith.constant 39 : i32
      %dma_wait3A_92 = arith.constant 0 : i32
      %dma_wait3A_93 = tpu.memref_slice %arg8[%dma_wait3A_91, %dma_wait3A_92] : memref<40x128xi32, #tpu.memory_space<vmem>> -> memref<1x128xi32, #tpu.memory_space<vmem>>
      %dma_wait3A_94 = tpu.memref_squeeze %dma_wait3A_93 : memref<1x128xi32, #tpu.memory_space<vmem>> -> memref<128xi32, #tpu.memory_space<vmem>>
      %dma_wait3A_95 = arith.constant 0 : i32
      %dma_wait3A_96 = arith.constant 0 : i32
      %dma_wait3A_97 = tpu.memref_slice %arg3[%dma_wait3A_95, %dma_wait3A_96] : memref<10000x128xf32, #tpu.memory_space<hbm>> -> memref<10000x128xf32, #tpu.memory_space<hbm>>
      tpu.wait_indirect_dma semaphore(%arg14 : memref<!tpu.dma_semaphore, #tpu.memory_space<semaphore_mem>>) src(%dma_wait3A_97 : memref<10000x128xf32, #tpu.memory_space<hbm>>) dst(%arg11 : memref<128x128xf32, #tpu.memory_space<vmem>>)
      %run_scoped3A_98 = arith.constant 39 : i32
      "tpu.region"() ({
        %run_scoped3A_99 = tpu.sem_alloc : memref<!tpu.dma_semaphore, #tpu.memory_space<semaphore_mem>>
        %dma_start3A_100 = arith.constant 0 : i32
        %dma_start3A_101 = tpu.memref_slice %arg9[%run_scoped3A_98, %dma_start3A_100] : memref<40x128xi32, #tpu.memory_space<vmem>> -> memref<1x128xi32, #tpu.memory_space<vmem>>
        %dma_start3A_102 = tpu.memref_squeeze %dma_start3A_101 : memref<1x128xi32, #tpu.memory_space<vmem>> -> memref<128xi32, #tpu.memory_space<vmem>>
        %dma_start3A_103 = arith.constant 0 : i32
        %dma_start3A_104 = arith.constant 0 : i32
        %dma_start3A_105 = tpu.memref_slice %arg12[%dma_start3A_103, %dma_start3A_104] : memref<10240x128xf32, #tpu.memory_space<vmem_shared>> -> memref<10240x128xf32, #tpu.memory_space<vmem_shared>>
        tpu.enqueue_indirect_dma source(%arg11 : memref<128x128xf32, #tpu.memory_space<vmem>>) target(%dma_start3A_105 : memref<10240x128xf32, #tpu.memory_space<vmem_shared>>) offsets(%dma_start3A_102 : memref<128xi32, #tpu.memory_space<vmem>>) semaphore(%run_scoped3A_99 : memref<!tpu.dma_semaphore, #tpu.memory_space<semaphore_mem>>) {add = true}
        %dma_wait3A_106 = arith.constant 0 : i32
        %dma_wait3A_107 = tpu.memref_slice %arg9[%run_scoped3A_98, %dma_wait3A_106] : memref<40x128xi32, #tpu.memory_space<vmem>> -> memref<1x128xi32, #tpu.memory_space<vmem>>
        %dma_wait3A_108 = tpu.memref_squeeze %dma_wait3A_107 : memref<1x128xi32, #tpu.memory_space<vmem>> -> memref<128xi32, #tpu.memory_space<vmem>>
        %dma_wait3A_109 = arith.constant 0 : i32
        %dma_wait3A_110 = arith.constant 0 : i32
        %dma_wait3A_111 = tpu.memref_slice %arg12[%dma_wait3A_109, %dma_wait3A_110] : memref<10240x128xf32, #tpu.memory_space<vmem_shared>> -> memref<10240x128xf32, #tpu.memory_space<vmem_shared>>
        tpu.wait_indirect_dma semaphore(%run_scoped3A_99 : memref<!tpu.dma_semaphore, #tpu.memory_space<semaphore_mem>>) src(%arg11 : memref<128x128xf32, #tpu.memory_space<vmem>>) dst(%dma_wait3A_111 : memref<10240x128xf32, #tpu.memory_space<vmem_shared>>)
        tpu.yield
      }) : () -> ()
    } else {
    }
    %barrier3A_8 = arith.constant 0 : index
    tpu.barrier barrier_id(%barrier3A_8)
    %mul3A_9 = arith.constant 640 : i32
    %mul3A_10 = arith.muli %arg1, %mul3A_9 : i32
    %mul3A_11 = arith.constant 11000 : i32
    %mul3A_12 = arith.muli %arg0, %mul3A_11 : i32
    %mul3A_13 = arith.constant 640 : i32
    %mul3A_14 = arith.muli %arg1, %mul3A_13 : i32
    %add3A = arith.addi %mul3A_12, %mul3A_14 : i32
    "tpu.region"() ({
      %run_scoped3A = tpu.sem_alloc : memref<!tpu.dma_semaphore, #tpu.memory_space<semaphore_mem>>
      %dma_start3A = arith.constant 0 : i32
      %dma_start3A_15 = tpu.memref_slice %arg7[%add3A, %dma_start3A] : memref<21240x128xf32, #tpu.memory_space<hbm>> -> memref<640x128xf32, #tpu.memory_space<hbm>>
      %dma_start3A_16 = arith.constant 0 : i32
      %dma_start3A_17 = tpu.memref_slice %arg12[%mul3A_10, %dma_start3A_16] : memref<10240x128xf32, #tpu.memory_space<vmem_shared>> -> memref<640x128xf32, #tpu.memory_space<vmem_shared>>
      tpu.enqueue_dma source(%dma_start3A_17 : memref<640x128xf32, #tpu.memory_space<vmem_shared>>) target(%dma_start3A_15 : memref<640x128xf32, #tpu.memory_space<hbm>>) target_semaphore(%run_scoped3A : memref<!tpu.dma_semaphore, #tpu.memory_space<semaphore_mem>>)
      %dma_wait3A = arith.constant 0 : i32
      %dma_wait3A_18 = tpu.memref_slice %arg7[%add3A, %dma_wait3A] : memref<21240x128xf32, #tpu.memory_space<hbm>> -> memref<640x128xf32, #tpu.memory_space<hbm>>
      %dma_wait3A_19 = arith.constant 0 : i32
      %dma_wait3A_20 = tpu.memref_slice %arg12[%mul3A_10, %dma_wait3A_19] : memref<10240x128xf32, #tpu.memory_space<vmem_shared>> -> memref<640x128xf32, #tpu.memory_space<vmem_shared>>
      tpu.wait_dma2 semaphore(%run_scoped3A : memref<!tpu.dma_semaphore, #tpu.memory_space<semaphore_mem>>) src(%dma_wait3A_20 : memref<640x128xf32, #tpu.memory_space<vmem_shared>>) dst(%dma_wait3A_18 : memref<640x128xf32, #tpu.memory_space<hbm>>)
      tpu.yield
    }) : () -> ()
    return
  }
}

#map = affine_map<(d0, d1) -> (0, 0)>
module attributes {stable_mosaic.version = 14 : i64} {
  func.func @_agg2_k(%arg0: i32, %arg1: i32, %arg2: memref<10000x128xf32, #tpu.memory_space<hbm>>, %arg3: memref<1280x128xi32, #tpu.memory_space<hbm>>, %arg4: memref<1280x128xi32, #tpu.memory_space<hbm>>, %arg5: memref<640x128xf32, #tpu.memory_space<hbm>>, %arg6: memref<21240x128xf32, #tpu.memory_space<hbm>>, %arg7: memref<40x128xi32, #tpu.memory_space<vmem>>, %arg8: memref<40x128xi32, #tpu.memory_space<vmem>>, %arg9: memref<128x128xf32, #tpu.memory_space<vmem>>, %arg10: memref<128x128xf32, #tpu.memory_space<vmem>>, %arg11: memref<10240x128xf32, #tpu.memory_space<vmem_shared>>, %arg12: memref<!tpu.dma_semaphore, #tpu.memory_space<semaphore_mem>>, %arg13: memref<!tpu.dma_semaphore, #tpu.memory_space<semaphore_mem>>) attributes {dimension_semantics = [#tpu.dimension_semantics<core_parallel>, #tpu.dimension_semantics<subcore_parallel>], iteration_bounds = array<i64: 2, 16>, scalar_prefetch = 0 : i64, scratch_operands = 7 : i64, tpu.core_type = #tpu.core_type<sc_vector_subcore>, window_params = [{transform_indices = #map}, {transform_indices = #map}, {transform_indices = #map}, {transform_indices = #map}, {transform_indices = #map}]} {
    %mul3A = arith.constant 640 : i32
    %mul3A_0 = arith.muli %arg1, %mul3A : i32
    "tpu.region"() ({
      %run_scoped3A_45 = tpu.sem_alloc : memref<!tpu.dma_semaphore, #tpu.memory_space<semaphore_mem>>
      %dma_start3A_46 = arith.constant 0 : i32
      %dma_start3A_47 = tpu.memref_slice %arg11[%mul3A_0, %dma_start3A_46] : memref<10240x128xf32, #tpu.memory_space<vmem_shared>> -> memref<640x128xf32, #tpu.memory_space<vmem_shared>>
      tpu.enqueue_dma source(%arg5 : memref<640x128xf32, #tpu.memory_space<hbm>>) target(%dma_start3A_47 : memref<640x128xf32, #tpu.memory_space<vmem_shared>>) target_semaphore(%run_scoped3A_45 : memref<!tpu.dma_semaphore, #tpu.memory_space<semaphore_mem>>)
      %dma_wait3A_48 = arith.constant 0 : i32
      %dma_wait3A_49 = tpu.memref_slice %arg11[%mul3A_0, %dma_wait3A_48] : memref<10240x128xf32, #tpu.memory_space<vmem_shared>> -> memref<640x128xf32, #tpu.memory_space<vmem_shared>>
      tpu.wait_dma2 semaphore(%run_scoped3A_45 : memref<!tpu.dma_semaphore, #tpu.memory_space<semaphore_mem>>) src(%arg5 : memref<640x128xf32, #tpu.memory_space<hbm>>) dst(%dma_wait3A_49 : memref<640x128xf32, #tpu.memory_space<vmem_shared>>)
      tpu.yield
    }) : () -> ()
    %mul3A_1 = arith.constant 16 : i32
    %mul3A_2 = arith.muli %arg0, %mul3A_1 : i32
    %add3A = arith.addi %mul3A_2, %arg1 : i32
    %mul3A_3 = arith.constant 40 : i32
    %mul3A_4 = arith.muli %add3A, %mul3A_3 : i32
    "tpu.region"() ({
      %run_scoped3A_45 = tpu.sem_alloc : memref<!tpu.dma_semaphore, #tpu.memory_space<semaphore_mem>>
      %dma_start3A_46 = arith.constant 0 : i32
      %dma_start3A_47 = tpu.memref_slice %arg3[%mul3A_4, %dma_start3A_46] : memref<1280x128xi32, #tpu.memory_space<hbm>> -> memref<40x128xi32, #tpu.memory_space<hbm>>
      %dma_start3A_48 = arith.constant 0 : i32
      %dma_start3A_49 = tpu.memref_slice %arg3[%mul3A_4, %dma_start3A_48] : memref<1280x128xi32, #tpu.memory_space<hbm>> -> memref<40x128xi32, #tpu.memory_space<hbm>>
      tpu.enqueue_dma source(%dma_start3A_49 : memref<40x128xi32, #tpu.memory_space<hbm>>) target(%arg7 : memref<40x128xi32, #tpu.memory_space<vmem>>) target_semaphore(%run_scoped3A_45 : memref<!tpu.dma_semaphore, #tpu.memory_space<semaphore_mem>>)
      %dma_wait3A_50 = arith.constant 0 : i32
      %dma_wait3A_51 = tpu.memref_slice %arg3[%mul3A_4, %dma_wait3A_50] : memref<1280x128xi32, #tpu.memory_space<hbm>> -> memref<40x128xi32, #tpu.memory_space<hbm>>
      %dma_wait3A_52 = arith.constant 0 : i32
      %dma_wait3A_53 = tpu.memref_slice %arg3[%mul3A_4, %dma_wait3A_52] : memref<1280x128xi32, #tpu.memory_space<hbm>> -> memref<40x128xi32, #tpu.memory_space<hbm>>
      tpu.wait_dma2 semaphore(%run_scoped3A_45 : memref<!tpu.dma_semaphore, #tpu.memory_space<semaphore_mem>>) src(%dma_wait3A_53 : memref<40x128xi32, #tpu.memory_space<hbm>>) dst(%arg7 : memref<40x128xi32, #tpu.memory_space<vmem>>)
      tpu.yield
    }) : () -> ()
    "tpu.region"() ({
      %run_scoped3A_45 = tpu.sem_alloc : memref<!tpu.dma_semaphore, #tpu.memory_space<semaphore_mem>>
      %dma_start3A_46 = arith.constant 0 : i32
      %dma_start3A_47 = tpu.memref_slice %arg4[%mul3A_4, %dma_start3A_46] : memref<1280x128xi32, #tpu.memory_space<hbm>> -> memref<40x128xi32, #tpu.memory_space<hbm>>
      %dma_start3A_48 = arith.constant 0 : i32
      %dma_start3A_49 = tpu.memref_slice %arg4[%mul3A_4, %dma_start3A_48] : memref<1280x128xi32, #tpu.memory_space<hbm>> -> memref<40x128xi32, #tpu.memory_space<hbm>>
      tpu.enqueue_dma source(%dma_start3A_49 : memref<40x128xi32, #tpu.memory_space<hbm>>) target(%arg8 : memref<40x128xi32, #tpu.memory_space<vmem>>) target_semaphore(%run_scoped3A_45 : memref<!tpu.dma_semaphore, #tpu.memory_space<semaphore_mem>>)
      %dma_wait3A_50 = arith.constant 0 : i32
      %dma_wait3A_51 = tpu.memref_slice %arg4[%mul3A_4, %dma_wait3A_50] : memref<1280x128xi32, #tpu.memory_space<hbm>> -> memref<40x128xi32, #tpu.memory_space<hbm>>
      %dma_wait3A_52 = arith.constant 0 : i32
      %dma_wait3A_53 = tpu.memref_slice %arg4[%mul3A_4, %dma_wait3A_52] : memref<1280x128xi32, #tpu.memory_space<hbm>> -> memref<40x128xi32, #tpu.memory_space<hbm>>
      tpu.wait_dma2 semaphore(%run_scoped3A_45 : memref<!tpu.dma_semaphore, #tpu.memory_space<semaphore_mem>>) src(%dma_wait3A_53 : memref<40x128xi32, #tpu.memory_space<hbm>>) dst(%arg8 : memref<40x128xi32, #tpu.memory_space<vmem>>)
      tpu.yield
    }) : () -> ()
    %barrier3A = arith.constant 0 : index
    tpu.barrier barrier_id(%barrier3A)
    %dma_start3A = arith.constant 0 : i32
    %dma_start3A_5 = arith.constant 0 : i32
    %dma_start3A_6 = tpu.memref_slice %arg7[%dma_start3A, %dma_start3A_5] : memref<40x128xi32, #tpu.memory_space<vmem>> -> memref<1x128xi32, #tpu.memory_space<vmem>>
    %dma_start3A_7 = tpu.memref_squeeze %dma_start3A_6 : memref<1x128xi32, #tpu.memory_space<vmem>> -> memref<128xi32, #tpu.memory_space<vmem>>
    %dma_start3A_8 = arith.constant 0 : i32
    %dma_start3A_9 = arith.constant 0 : i32
    %dma_start3A_10 = tpu.memref_slice %arg2[%dma_start3A_8, %dma_start3A_9] : memref<10000x128xf32, #tpu.memory_space<hbm>> -> memref<10000x128xf32, #tpu.memory_space<hbm>>
    tpu.enqueue_indirect_dma source(%dma_start3A_10 : memref<10000x128xf32, #tpu.memory_space<hbm>>) target(%arg9 : memref<128x128xf32, #tpu.memory_space<vmem>>) offsets(%dma_start3A_7 : memref<128xi32, #tpu.memory_space<vmem>>) semaphore(%arg12 : memref<!tpu.dma_semaphore, #tpu.memory_space<semaphore_mem>>)
    %dma_start3A_11 = arith.constant 1 : i32
    %dma_start3A_12 = arith.constant 0 : i32
    %dma_start3A_13 = tpu.memref_slice %arg7[%dma_start3A_11, %dma_start3A_12] : memref<40x128xi32, #tpu.memory_space<vmem>> -> memref<1x128xi32, #tpu.memory_space<vmem>>
    %dma_start3A_14 = tpu.memref_squeeze %dma_start3A_13 : memref<1x128xi32, #tpu.memory_space<vmem>> -> memref<128xi32, #tpu.memory_space<vmem>>
    %dma_start3A_15 = arith.constant 0 : i32
    %dma_start3A_16 = arith.constant 0 : i32
    %dma_start3A_17 = tpu.memref_slice %arg2[%dma_start3A_15, %dma_start3A_16] : memref<10000x128xf32, #tpu.memory_space<hbm>> -> memref<10000x128xf32, #tpu.memory_space<hbm>>
    tpu.enqueue_indirect_dma source(%dma_start3A_17 : memref<10000x128xf32, #tpu.memory_space<hbm>>) target(%arg10 : memref<128x128xf32, #tpu.memory_space<vmem>>) offsets(%dma_start3A_14 : memref<128xi32, #tpu.memory_space<vmem>>) semaphore(%arg13 : memref<!tpu.dma_semaphore, #tpu.memory_space<semaphore_mem>>)
    %scan3A = arith.constant 0 : i32
    %scan3A_18 = arith.constant 0 : i32
    %scan3A_19 = arith.constant 19 : i32
    %scan3A_20 = arith.addi %scan3A_18, %scan3A_19 : i32
    %scan3A_21 = arith.constant 1 : i32
    scf.for %scan3A_45 = %scan3A_18 to %scan3A_20 step %scan3A_21  : i32 {
      %mul3A_46 = arith.constant 2 : i32
      %mul3A_47 = arith.muli %mul3A_46, %scan3A_45 : i32
      %dma_wait3A_48 = arith.constant 0 : i32
      %dma_wait3A_49 = tpu.memref_slice %arg7[%mul3A_47, %dma_wait3A_48] : memref<40x128xi32, #tpu.memory_space<vmem>> -> memref<1x128xi32, #tpu.memory_space<vmem>>
      %dma_wait3A_50 = tpu.memref_squeeze %dma_wait3A_49 : memref<1x128xi32, #tpu.memory_space<vmem>> -> memref<128xi32, #tpu.memory_space<vmem>>
      %dma_wait3A_51 = arith.constant 0 : i32
      %dma_wait3A_52 = arith.constant 0 : i32
      %dma_wait3A_53 = tpu.memref_slice %arg2[%dma_wait3A_51, %dma_wait3A_52] : memref<10000x128xf32, #tpu.memory_space<hbm>> -> memref<10000x128xf32, #tpu.memory_space<hbm>>
      tpu.wait_indirect_dma semaphore(%arg12 : memref<!tpu.dma_semaphore, #tpu.memory_space<semaphore_mem>>) src(%dma_wait3A_53 : memref<10000x128xf32, #tpu.memory_space<hbm>>) dst(%arg9 : memref<128x128xf32, #tpu.memory_space<vmem>>)
      "tpu.region"() ({
        %run_scoped3A_80 = tpu.sem_alloc : memref<!tpu.dma_semaphore, #tpu.memory_space<semaphore_mem>>
        %dma_start3A_81 = arith.constant 0 : i32
        %dma_start3A_82 = tpu.memref_slice %arg8[%mul3A_47, %dma_start3A_81] : memref<40x128xi32, #tpu.memory_space<vmem>> -> memref<1x128xi32, #tpu.memory_space<vmem>>
        %dma_start3A_83 = tpu.memref_squeeze %dma_start3A_82 : memref<1x128xi32, #tpu.memory_space<vmem>> -> memref<128xi32, #tpu.memory_space<vmem>>
        %dma_start3A_84 = arith.constant 0 : i32
        %dma_start3A_85 = arith.constant 0 : i32
        %dma_start3A_86 = tpu.memref_slice %arg11[%dma_start3A_84, %dma_start3A_85] : memref<10240x128xf32, #tpu.memory_space<vmem_shared>> -> memref<10240x128xf32, #tpu.memory_space<vmem_shared>>
        tpu.enqueue_indirect_dma source(%arg9 : memref<128x128xf32, #tpu.memory_space<vmem>>) target(%dma_start3A_86 : memref<10240x128xf32, #tpu.memory_space<vmem_shared>>) offsets(%dma_start3A_83 : memref<128xi32, #tpu.memory_space<vmem>>) semaphore(%run_scoped3A_80 : memref<!tpu.dma_semaphore, #tpu.memory_space<semaphore_mem>>) {add = true}
        %dma_wait3A_87 = arith.constant 0 : i32
        %dma_wait3A_88 = tpu.memref_slice %arg8[%mul3A_47, %dma_wait3A_87] : memref<40x128xi32, #tpu.memory_space<vmem>> -> memref<1x128xi32, #tpu.memory_space<vmem>>
        %dma_wait3A_89 = tpu.memref_squeeze %dma_wait3A_88 : memref<1x128xi32, #tpu.memory_space<vmem>> -> memref<128xi32, #tpu.memory_space<vmem>>
        %dma_wait3A_90 = arith.constant 0 : i32
        %dma_wait3A_91 = arith.constant 0 : i32
        %dma_wait3A_92 = tpu.memref_slice %arg11[%dma_wait3A_90, %dma_wait3A_91] : memref<10240x128xf32, #tpu.memory_space<vmem_shared>> -> memref<10240x128xf32, #tpu.memory_space<vmem_shared>>
        tpu.wait_indirect_dma semaphore(%run_scoped3A_80 : memref<!tpu.dma_semaphore, #tpu.memory_space<semaphore_mem>>) src(%arg9 : memref<128x128xf32, #tpu.memory_space<vmem>>) dst(%dma_wait3A_92 : memref<10240x128xf32, #tpu.memory_space<vmem_shared>>)
        tpu.yield
      }) : () -> ()
      %add3A_54 = arith.constant 2 : i32
      %add3A_55 = arith.addi %mul3A_47, %add3A_54 : i32
      %dma_start3A_56 = arith.constant 0 : i32
      %dma_start3A_57 = tpu.memref_slice %arg7[%add3A_55, %dma_start3A_56] : memref<40x128xi32, #tpu.memory_space<vmem>> -> memref<1x128xi32, #tpu.memory_space<vmem>>
      %dma_start3A_58 = tpu.memref_squeeze %dma_start3A_57 : memref<1x128xi32, #tpu.memory_space<vmem>> -> memref<128xi32, #tpu.memory_space<vmem>>
      %dma_start3A_59 = arith.constant 0 : i32
      %dma_start3A_60 = arith.constant 0 : i32
      %dma_start3A_61 = tpu.memref_slice %arg2[%dma_start3A_59, %dma_start3A_60] : memref<10000x128xf32, #tpu.memory_space<hbm>> -> memref<10000x128xf32, #tpu.memory_space<hbm>>
      tpu.enqueue_indirect_dma source(%dma_start3A_61 : memref<10000x128xf32, #tpu.memory_space<hbm>>) target(%arg9 : memref<128x128xf32, #tpu.memory_space<vmem>>) offsets(%dma_start3A_58 : memref<128xi32, #tpu.memory_space<vmem>>) semaphore(%arg12 : memref<!tpu.dma_semaphore, #tpu.memory_space<semaphore_mem>>)
      %add3A_62 = arith.constant 1 : i32
      %add3A_63 = arith.addi %mul3A_47, %add3A_62 : i32
      %dma_wait3A_64 = arith.constant 0 : i32
      %dma_wait3A_65 = tpu.memref_slice %arg7[%add3A_63, %dma_wait3A_64] : memref<40x128xi32, #tpu.memory_space<vmem>> -> memref<1x128xi32, #tpu.memory_space<vmem>>
      %dma_wait3A_66 = tpu.memref_squeeze %dma_wait3A_65 : memref<1x128xi32, #tpu.memory_space<vmem>> -> memref<128xi32, #tpu.memory_space<vmem>>
      %dma_wait3A_67 = arith.constant 0 : i32
      %dma_wait3A_68 = arith.constant 0 : i32
      %dma_wait3A_69 = tpu.memref_slice %arg2[%dma_wait3A_67, %dma_wait3A_68] : memref<10000x128xf32, #tpu.memory_space<hbm>> -> memref<10000x128xf32, #tpu.memory_space<hbm>>
      tpu.wait_indirect_dma semaphore(%arg13 : memref<!tpu.dma_semaphore, #tpu.memory_space<semaphore_mem>>) src(%dma_wait3A_69 : memref<10000x128xf32, #tpu.memory_space<hbm>>) dst(%arg10 : memref<128x128xf32, #tpu.memory_space<vmem>>)
      %add3A_70 = arith.constant 1 : i32
      %add3A_71 = arith.addi %mul3A_47, %add3A_70 : i32
      "tpu.region"() ({
        %run_scoped3A_80 = tpu.sem_alloc : memref<!tpu.dma_semaphore, #tpu.memory_space<semaphore_mem>>
        %dma_start3A_81 = arith.constant 0 : i32
        %dma_start3A_82 = tpu.memref_slice %arg8[%add3A_71, %dma_start3A_81] : memref<40x128xi32, #tpu.memory_space<vmem>> -> memref<1x128xi32, #tpu.memory_space<vmem>>
        %dma_start3A_83 = tpu.memref_squeeze %dma_start3A_82 : memref<1x128xi32, #tpu.memory_space<vmem>> -> memref<128xi32, #tpu.memory_space<vmem>>
        %dma_start3A_84 = arith.constant 0 : i32
        %dma_start3A_85 = arith.constant 0 : i32
        %dma_start3A_86 = tpu.memref_slice %arg11[%dma_start3A_84, %dma_start3A_85] : memref<10240x128xf32, #tpu.memory_space<vmem_shared>> -> memref<10240x128xf32, #tpu.memory_space<vmem_shared>>
        tpu.enqueue_indirect_dma source(%arg10 : memref<128x128xf32, #tpu.memory_space<vmem>>) target(%dma_start3A_86 : memref<10240x128xf32, #tpu.memory_space<vmem_shared>>) offsets(%dma_start3A_83 : memref<128xi32, #tpu.memory_space<vmem>>) semaphore(%run_scoped3A_80 : memref<!tpu.dma_semaphore, #tpu.memory_space<semaphore_mem>>) {add = true}
        %dma_wait3A_87 = arith.constant 0 : i32
        %dma_wait3A_88 = tpu.memref_slice %arg8[%add3A_71, %dma_wait3A_87] : memref<40x128xi32, #tpu.memory_space<vmem>> -> memref<1x128xi32, #tpu.memory_space<vmem>>
        %dma_wait3A_89 = tpu.memref_squeeze %dma_wait3A_88 : memref<1x128xi32, #tpu.memory_space<vmem>> -> memref<128xi32, #tpu.memory_space<vmem>>
        %dma_wait3A_90 = arith.constant 0 : i32
        %dma_wait3A_91 = arith.constant 0 : i32
        %dma_wait3A_92 = tpu.memref_slice %arg11[%dma_wait3A_90, %dma_wait3A_91] : memref<10240x128xf32, #tpu.memory_space<vmem_shared>> -> memref<10240x128xf32, #tpu.memory_space<vmem_shared>>
        tpu.wait_indirect_dma semaphore(%run_scoped3A_80 : memref<!tpu.dma_semaphore, #tpu.memory_space<semaphore_mem>>) src(%arg10 : memref<128x128xf32, #tpu.memory_space<vmem>>) dst(%dma_wait3A_92 : memref<10240x128xf32, #tpu.memory_space<vmem_shared>>)
        tpu.yield
      }) : () -> ()
      %add3A_72 = arith.constant 3 : i32
      %add3A_73 = arith.addi %mul3A_47, %add3A_72 : i32
      %dma_start3A_74 = arith.constant 0 : i32
      %dma_start3A_75 = tpu.memref_slice %arg7[%add3A_73, %dma_start3A_74] : memref<40x128xi32, #tpu.memory_space<vmem>> -> memref<1x128xi32, #tpu.memory_space<vmem>>
      %dma_start3A_76 = tpu.memref_squeeze %dma_start3A_75 : memref<1x128xi32, #tpu.memory_space<vmem>> -> memref<128xi32, #tpu.memory_space<vmem>>
      %dma_start3A_77 = arith.constant 0 : i32
      %dma_start3A_78 = arith.constant 0 : i32
      %dma_start3A_79 = tpu.memref_slice %arg2[%dma_start3A_77, %dma_start3A_78] : memref<10000x128xf32, #tpu.memory_space<hbm>> -> memref<10000x128xf32, #tpu.memory_space<hbm>>
      tpu.enqueue_indirect_dma source(%dma_start3A_79 : memref<10000x128xf32, #tpu.memory_space<hbm>>) target(%arg10 : memref<128x128xf32, #tpu.memory_space<vmem>>) offsets(%dma_start3A_76 : memref<128xi32, #tpu.memory_space<vmem>>) semaphore(%arg13 : memref<!tpu.dma_semaphore, #tpu.memory_space<semaphore_mem>>)
    }
    %scan3A_22 = arith.constant 19 : i32
    %dma_wait3A = arith.constant 38 : i32
    %dma_wait3A_23 = arith.constant 0 : i32
    %dma_wait3A_24 = tpu.memref_slice %arg7[%dma_wait3A, %dma_wait3A_23] : memref<40x128xi32, #tpu.memory_space<vmem>> -> memref<1x128xi32, #tpu.memory_space<vmem>>
    %dma_wait3A_25 = tpu.memref_squeeze %dma_wait3A_24 : memref<1x128xi32, #tpu.memory_space<vmem>> -> memref<128xi32, #tpu.memory_space<vmem>>
    %dma_wait3A_26 = arith.constant 0 : i32
    %dma_wait3A_27 = arith.constant 0 : i32
    %dma_wait3A_28 = tpu.memref_slice %arg2[%dma_wait3A_26, %dma_wait3A_27] : memref<10000x128xf32, #tpu.memory_space<hbm>> -> memref<10000x128xf32, #tpu.memory_space<hbm>>
    tpu.wait_indirect_dma semaphore(%arg12 : memref<!tpu.dma_semaphore, #tpu.memory_space<semaphore_mem>>) src(%dma_wait3A_28 : memref<10000x128xf32, #tpu.memory_space<hbm>>) dst(%arg9 : memref<128x128xf32, #tpu.memory_space<vmem>>)
    %run_scoped3A = arith.constant 38 : i32
    "tpu.region"() ({
      %run_scoped3A_45 = tpu.sem_alloc : memref<!tpu.dma_semaphore, #tpu.memory_space<semaphore_mem>>
      %dma_start3A_46 = arith.constant 0 : i32
      %dma_start3A_47 = tpu.memref_slice %arg8[%run_scoped3A, %dma_start3A_46] : memref<40x128xi32, #tpu.memory_space<vmem>> -> memref<1x128xi32, #tpu.memory_space<vmem>>
      %dma_start3A_48 = tpu.memref_squeeze %dma_start3A_47 : memref<1x128xi32, #tpu.memory_space<vmem>> -> memref<128xi32, #tpu.memory_space<vmem>>
      %dma_start3A_49 = arith.constant 0 : i32
      %dma_start3A_50 = arith.constant 0 : i32
      %dma_start3A_51 = tpu.memref_slice %arg11[%dma_start3A_49, %dma_start3A_50] : memref<10240x128xf32, #tpu.memory_space<vmem_shared>> -> memref<10240x128xf32, #tpu.memory_space<vmem_shared>>
      tpu.enqueue_indirect_dma source(%arg9 : memref<128x128xf32, #tpu.memory_space<vmem>>) target(%dma_start3A_51 : memref<10240x128xf32, #tpu.memory_space<vmem_shared>>) offsets(%dma_start3A_48 : memref<128xi32, #tpu.memory_space<vmem>>) semaphore(%run_scoped3A_45 : memref<!tpu.dma_semaphore, #tpu.memory_space<semaphore_mem>>) {add = true}
      %dma_wait3A_52 = arith.constant 0 : i32
      %dma_wait3A_53 = tpu.memref_slice %arg8[%run_scoped3A, %dma_wait3A_52] : memref<40x128xi32, #tpu.memory_space<vmem>> -> memref<1x128xi32, #tpu.memory_space<vmem>>
      %dma_wait3A_54 = tpu.memref_squeeze %dma_wait3A_53 : memref<1x128xi32, #tpu.memory_space<vmem>> -> memref<128xi32, #tpu.memory_space<vmem>>
      %dma_wait3A_55 = arith.constant 0 : i32
      %dma_wait3A_56 = arith.constant 0 : i32
      %dma_wait3A_57 = tpu.memref_slice %arg11[%dma_wait3A_55, %dma_wait3A_56] : memref<10240x128xf32, #tpu.memory_space<vmem_shared>> -> memref<10240x128xf32, #tpu.memory_space<vmem_shared>>
      tpu.wait_indirect_dma semaphore(%run_scoped3A_45 : memref<!tpu.dma_semaphore, #tpu.memory_space<semaphore_mem>>) src(%arg9 : memref<128x128xf32, #tpu.memory_space<vmem>>) dst(%dma_wait3A_57 : memref<10240x128xf32, #tpu.memory_space<vmem_shared>>)
      tpu.yield
    }) : () -> ()
    %dma_wait3A_29 = arith.constant 39 : i32
    %dma_wait3A_30 = arith.constant 0 : i32
    %dma_wait3A_31 = tpu.memref_slice %arg7[%dma_wait3A_29, %dma_wait3A_30] : memref<40x128xi32, #tpu.memory_space<vmem>> -> memref<1x128xi32, #tpu.memory_space<vmem>>
    %dma_wait3A_32 = tpu.memref_squeeze %dma_wait3A_31 : memref<1x128xi32, #tpu.memory_space<vmem>> -> memref<128xi32, #tpu.memory_space<vmem>>
    %dma_wait3A_33 = arith.constant 0 : i32
    %dma_wait3A_34 = arith.constant 0 : i32
    %dma_wait3A_35 = tpu.memref_slice %arg2[%dma_wait3A_33, %dma_wait3A_34] : memref<10000x128xf32, #tpu.memory_space<hbm>> -> memref<10000x128xf32, #tpu.memory_space<hbm>>
    tpu.wait_indirect_dma semaphore(%arg13 : memref<!tpu.dma_semaphore, #tpu.memory_space<semaphore_mem>>) src(%dma_wait3A_35 : memref<10000x128xf32, #tpu.memory_space<hbm>>) dst(%arg10 : memref<128x128xf32, #tpu.memory_space<vmem>>)
    %run_scoped3A_36 = arith.constant 39 : i32
    "tpu.region"() ({
      %run_scoped3A_45 = tpu.sem_alloc : memref<!tpu.dma_semaphore, #tpu.memory_space<semaphore_mem>>
      %dma_start3A_46 = arith.constant 0 : i32
      %dma_start3A_47 = tpu.memref_slice %arg8[%run_scoped3A_36, %dma_start3A_46] : memref<40x128xi32, #tpu.memory_space<vmem>> -> memref<1x128xi32, #tpu.memory_space<vmem>>
      %dma_start3A_48 = tpu.memref_squeeze %dma_start3A_47 : memref<1x128xi32, #tpu.memory_space<vmem>> -> memref<128xi32, #tpu.memory_space<vmem>>
      %dma_start3A_49 = arith.constant 0 : i32
      %dma_start3A_50 = arith.constant 0 : i32
      %dma_start3A_51 = tpu.memref_slice %arg11[%dma_start3A_49, %dma_start3A_50] : memref<10240x128xf32, #tpu.memory_space<vmem_shared>> -> memref<10240x128xf32, #tpu.memory_space<vmem_shared>>
      tpu.enqueue_indirect_dma source(%arg10 : memref<128x128xf32, #tpu.memory_space<vmem>>) target(%dma_start3A_51 : memref<10240x128xf32, #tpu.memory_space<vmem_shared>>) offsets(%dma_start3A_48 : memref<128xi32, #tpu.memory_space<vmem>>) semaphore(%run_scoped3A_45 : memref<!tpu.dma_semaphore, #tpu.memory_space<semaphore_mem>>) {add = true}
      %dma_wait3A_52 = arith.constant 0 : i32
      %dma_wait3A_53 = tpu.memref_slice %arg8[%run_scoped3A_36, %dma_wait3A_52] : memref<40x128xi32, #tpu.memory_space<vmem>> -> memref<1x128xi32, #tpu.memory_space<vmem>>
      %dma_wait3A_54 = tpu.memref_squeeze %dma_wait3A_53 : memref<1x128xi32, #tpu.memory_space<vmem>> -> memref<128xi32, #tpu.memory_space<vmem>>
      %dma_wait3A_55 = arith.constant 0 : i32
      %dma_wait3A_56 = arith.constant 0 : i32
      %dma_wait3A_57 = tpu.memref_slice %arg11[%dma_wait3A_55, %dma_wait3A_56] : memref<10240x128xf32, #tpu.memory_space<vmem_shared>> -> memref<10240x128xf32, #tpu.memory_space<vmem_shared>>
      tpu.wait_indirect_dma semaphore(%run_scoped3A_45 : memref<!tpu.dma_semaphore, #tpu.memory_space<semaphore_mem>>) src(%arg10 : memref<128x128xf32, #tpu.memory_space<vmem>>) dst(%dma_wait3A_57 : memref<10240x128xf32, #tpu.memory_space<vmem_shared>>)
      tpu.yield
    }) : () -> ()
    %barrier3A_37 = arith.constant 0 : index
    tpu.barrier barrier_id(%barrier3A_37)
    %mul3A_38 = arith.constant 640 : i32
    %mul3A_39 = arith.muli %arg1, %mul3A_38 : i32
    %mul3A_40 = arith.constant 11000 : i32
    %mul3A_41 = arith.muli %arg0, %mul3A_40 : i32
    %mul3A_42 = arith.constant 640 : i32
    %mul3A_43 = arith.muli %arg1, %mul3A_42 : i32
    %add3A_44 = arith.addi %mul3A_41, %mul3A_43 : i32
    "tpu.region"() ({
      %run_scoped3A_45 = tpu.sem_alloc : memref<!tpu.dma_semaphore, #tpu.memory_space<semaphore_mem>>
      %dma_start3A_46 = arith.constant 0 : i32
      %dma_start3A_47 = tpu.memref_slice %arg6[%add3A_44, %dma_start3A_46] : memref<21240x128xf32, #tpu.memory_space<hbm>> -> memref<640x128xf32, #tpu.memory_space<hbm>>
      %dma_start3A_48 = arith.constant 0 : i32
      %dma_start3A_49 = tpu.memref_slice %arg11[%mul3A_39, %dma_start3A_48] : memref<10240x128xf32, #tpu.memory_space<vmem_shared>> -> memref<640x128xf32, #tpu.memory_space<vmem_shared>>
      tpu.enqueue_dma source(%dma_start3A_49 : memref<640x128xf32, #tpu.memory_space<vmem_shared>>) target(%dma_start3A_47 : memref<640x128xf32, #tpu.memory_space<hbm>>) target_semaphore(%run_scoped3A_45 : memref<!tpu.dma_semaphore, #tpu.memory_space<semaphore_mem>>)
      %dma_wait3A_50 = arith.constant 0 : i32
      %dma_wait3A_51 = tpu.memref_slice %arg6[%add3A_44, %dma_wait3A_50] : memref<21240x128xf32, #tpu.memory_space<hbm>> -> memref<640x128xf32, #tpu.memory_space<hbm>>
      %dma_wait3A_52 = arith.constant 0 : i32
      %dma_wait3A_53 = tpu.memref_slice %arg11[%mul3A_39, %dma_wait3A_52] : memref<10240x128xf32, #tpu.memory_space<vmem_shared>> -> memref<640x128xf32, #tpu.memory_space<vmem_shared>>
      tpu.wait_dma2 semaphore(%run_scoped3A_45 : memref<!tpu.dma_semaphore, #tpu.memory_space<semaphore_mem>>) src(%dma_wait3A_53 : memref<640x128xf32, #tpu.memory_space<vmem_shared>>) dst(%dma_wait3A_51 : memref<640x128xf32, #tpu.memory_space<hbm>>)
      tpu.yield
    }) : () -> ()
    return
  }
}

module attributes {stable_mosaic.version = 14 : i64} {
  func.func @_scale_body(%arg0: memref<10000x256xf32, #tpu.memory_space<vmem>>, %arg1: memref<21240x128xf32, #tpu.memory_space<vmem>>, %arg2: memref<10000x128xf32, #tpu.memory_space<vmem>>, %arg3: memref<10000x128xf32, #tpu.memory_space<vmem>>, %arg4: memref<10000x1xf32, #tpu.memory_space<vmem>>, %arg5: memref<10000x1xf32, #tpu.memory_space<vmem>>) attributes {dimension_semantics = [], scalar_prefetch = 0 : i64, scratch_operands = 0 : i64, tpu.core_type = #tpu.core_type<tc>} {
    %get3A = arith.constant 0 : index
    %get3A_0 = arith.constant 0 : index
    %get3A_1 = vector.load %arg1[%get3A, %get3A_0] : memref<21240x128xf32, #tpu.memory_space<vmem>>, vector<21240x128xf32>
    %slice3A = vector.extract_strided_slice %get3A_1 {offsets = [0, 0], sizes = [10000, 1], strides = [1, 1]} : vector<21240x128xf32> to vector<10000x1xf32>
    %slice3A_2 = vector.extract_strided_slice %get3A_1 {offsets = [11000, 0], sizes = [10000, 1], strides = [1, 1]} : vector<21240x128xf32> to vector<10000x1xf32>
    %add3A = arith.addf %slice3A, %slice3A_2 : vector<10000x1xf32>
    %add3A_3 = arith.constant 1.000000e+00 : f32
    %add3A_4 = vector.broadcast %add3A_3 : f32 to vector<10000x1xf32>
    %add3A_5 = arith.addf %add3A, %add3A_4 : vector<10000x1xf32>
    %rsqrt3A = math.rsqrt %add3A_5 : vector<10000x1xf32>
    %div3A = arith.constant 1.000000e+00 : f32
    %div3A_6 = vector.broadcast %div3A : f32 to vector<10000x1xf32>
    %div3A_7 = arith.divf %div3A_6, %add3A_5 : vector<10000x1xf32>
    %get3A_8 = arith.constant 0 : index
    %get3A_9 = arith.constant 0 : index
    %get3A_10 = vector.load %arg0[%get3A_8, %get3A_9] : memref<10000x256xf32, #tpu.memory_space<vmem>>, vector<10000x256xf32>
    %mul3A = vector.broadcast %rsqrt3A : vector<10000x1xf32> to vector<10000x256xf32>
    %mul3A_11 = arith.mulf %get3A_10, %mul3A : vector<10000x256xf32>
    %slice3A_12 = vector.extract_strided_slice %mul3A_11 {offsets = [0, 0], sizes = [10000, 128], strides = [1, 1]} : vector<10000x256xf32> to vector<10000x128xf32>
    %swap3A = arith.constant 0 : index
    %swap3A_13 = arith.constant 0 : index
    %swap3A_14 = vector.load %arg2[%swap3A, %swap3A_13] : memref<10000x128xf32, #tpu.memory_space<vmem>>, vector<10000x128xf32>
    tpu.vector_store %arg2[%swap3A, %swap3A_13], %slice3A_12 {strides = array<i32>} : memref<10000x128xf32, #tpu.memory_space<vmem>>, vector<10000x128xf32>,
    %slice3A_15 = vector.extract_strided_slice %mul3A_11 {offsets = [0, 128], sizes = [10000, 128], strides = [1, 1]} : vector<10000x256xf32> to vector<10000x128xf32>
    %swap3A_16 = arith.constant 0 : index
    %swap3A_17 = arith.constant 0 : index
    %swap3A_18 = vector.load %arg3[%swap3A_16, %swap3A_17] : memref<10000x128xf32, #tpu.memory_space<vmem>>, vector<10000x128xf32>
    tpu.vector_store %arg3[%swap3A_16, %swap3A_17], %slice3A_15 {strides = array<i32>} : memref<10000x128xf32, #tpu.memory_space<vmem>>, vector<10000x128xf32>,
    %swap3A_19 = arith.constant 0 : index
    %swap3A_20 = arith.constant 0 : index
    %swap3A_21 = vector.load %arg4[%swap3A_19, %swap3A_20] : memref<10000x1xf32, #tpu.memory_space<vmem>>, vector<10000x1xf32>
    tpu.vector_store %arg4[%swap3A_19, %swap3A_20], %rsqrt3A {strides = array<i32>} : memref<10000x1xf32, #tpu.memory_space<vmem>>, vector<10000x1xf32>,
    %swap3A_22 = arith.constant 0 : index
    %swap3A_23 = arith.constant 0 : index
    %swap3A_24 = vector.load %arg5[%swap3A_22, %swap3A_23] : memref<10000x1xf32, #tpu.memory_space<vmem>>, vector<10000x1xf32>
    tpu.vector_store %arg5[%swap3A_22, %swap3A_23], %div3A_7 {strides = array<i32>} : memref<10000x1xf32, #tpu.memory_space<vmem>>, vector<10000x1xf32>,
    return
  }
}

module attributes {stable_mosaic.version = 14 : i64} {
  func.func @_pairnorm_body(%arg0: memref<10000x256xf32, #tpu.memory_space<vmem>>, %arg1: memref<10000x256xf32, #tpu.memory_space<vmem>>) attributes {dimension_semantics = [], scalar_prefetch = 0 : i64, scratch_operands = 0 : i64, tpu.core_type = #tpu.core_type<tc>} {
    %get3A = arith.constant 0 : index
    %get3A_0 = arith.constant 0 : index
    %get3A_1 = vector.load %arg0[%get3A, %get3A_0] : memref<10000x256xf32, #tpu.memory_space<vmem>>, vector<10000x256xf32>
    %reduce_sum3A = arith.constant dense<0.000000e+00> : vector<256xf32>
    %reduce_sum3A_2 = vector.multi_reduction <add>, %get3A_1, %reduce_sum3A [0] : vector<10000x256xf32> to vector<256xf32>
    %broadcast_in_dim3A = vector.shape_cast %reduce_sum3A_2 : vector<256xf32> to vector<1x256xf32>
    %div3A = arith.constant 1.000000e+04 : f32
    %div3A_3 = vector.broadcast %div3A : f32 to vector<1x256xf32>
    %div3A_4 = arith.divf %broadcast_in_dim3A, %div3A_3 : vector<1x256xf32>
    %sub3A = vector.broadcast %div3A_4 : vector<1x256xf32> to vector<10000x256xf32>
    %sub3A_5 = arith.subf %get3A_1, %sub3A : vector<10000x256xf32>
    %mul3A = arith.mulf %sub3A_5, %sub3A_5 : vector<10000x256xf32>
    %reduce_sum3A_6 = vector.shape_cast %mul3A : vector<10000x256xf32> to vector<1x10000x256xf32>
    %reduce_sum3A_7 = arith.constant dense<0.000000e+00> : vector<1xf32>
    %reduce_sum3A_8 = vector.multi_reduction <add>, %reduce_sum3A_6, %reduce_sum3A_7 [1, 2] : vector<1x10000x256xf32> to vector<1xf32>
    %reduce_sum3A_9 = vector.shape_cast %reduce_sum3A_8 : vector<1xf32> to vector<1x1x1xf32>
    %reduce_sum3A_10 = vector.extract %reduce_sum3A_9[0, 0, 0] : f32 from vector<1x1x1xf32>
    %div3A_11 = arith.constant 1.000000e+04 : f32
    %div3A_12 = arith.divf %reduce_sum3A_10, %div3A_11 : f32
    %add3A = arith.constant 9.99999974E-6 : f32
    %add3A_13 = arith.addf %add3A, %div3A_12 : f32
    %sqrt3A = math.sqrt %add3A_13 : f32
    %div3A_14 = vector.broadcast %sqrt3A : f32 to vector<10000x256xf32>
    %div3A_15 = arith.divf %sub3A_5, %div3A_14 : vector<10000x256xf32>
    %swap3A = arith.constant 0 : index
    %swap3A_16 = arith.constant 0 : index
    %swap3A_17 = vector.load %arg1[%swap3A, %swap3A_16] : memref<10000x256xf32, #tpu.memory_space<vmem>>, vector<10000x256xf32>
    tpu.vector_store %arg1[%swap3A, %swap3A_16], %div3A_15 {strides = array<i32>} : memref<10000x256xf32, #tpu.memory_space<vmem>>, vector<10000x256xf32>,
    return
  }
}

module attributes {stable_mosaic.version = 14 : i64} {
  func.func @_edgeprep_body(%arg0: memref<1250x128xi32, #tpu.memory_space<vmem>>, %arg1: memref<1250x128xi32, #tpu.memory_space<vmem>>, %arg2: memref<1280x128xi32, #tpu.memory_space<vmem>>, %arg3: memref<1280x128xi32, #tpu.memory_space<vmem>>) attributes {dimension_semantics = [], scalar_prefetch = 0 : i64, scratch_operands = 0 : i64, tpu.core_type = #tpu.core_type<tc>} {
    %get3A = arith.constant 0 : index
    %get3A_0 = arith.constant 0 : index
    %get3A_1 = vector.load %arg0[%get3A, %get3A_0] : memref<1250x128xi32, #tpu.memory_space<vmem>>, vector<1250x128xi32>
    %get3A_2 = arith.constant 0 : index
    %get3A_3 = arith.constant 0 : index
    %get3A_4 = vector.load %arg1[%get3A_2, %get3A_3] : memref<1250x128xi32, #tpu.memory_space<vmem>>, vector<1250x128xi32>
    %eq3A = arith.cmpi eq, %get3A_1, %get3A_4 : vector<1250x128xi32>
    %jit3A = arith.constant 10000 : i32
    %broadcast_in_dim3A = vector.broadcast %jit3A : i32 to vector<1250x128xi32>
    %select_n3A = arith.select %eq3A, %broadcast_in_dim3A, %get3A_4 : vector<1250x128xi1>, vector<1250x128xi32>
    %iota3A = tpu.iota {dimensions = array<i32: 0>} : vector<30x128xi32>
    %mul3A = arith.constant 128 : i32
    %mul3A_5 = vector.broadcast %mul3A : i32 to vector<30x128xi32>
    %mul3A_6 = arith.muli %iota3A, %mul3A_5 : vector<30x128xi32>
    %iota3A_7 = tpu.iota {dimensions = array<i32: 1>} : vector<30x128xi32>
    %add3A = arith.addi %mul3A_6, %iota3A_7 : vector<30x128xi32>
    %jit3A_8 = arith.constant 10000 : i32
    %eq3A_9 = arith.constant 0 : i32
    %eq3A_10 = arith.cmpi eq, %jit3A_8, %eq3A_9 : i32
    %jit3A_11 = arith.constant 1 : i32
    %select_n3A_12 = arith.select %eq3A_10, %jit3A_11, %jit3A_8 : i32
    %rem3A = vector.broadcast %select_n3A_12 : i32 to vector<30x128xi32>
    %rem3A_13 = arith.remsi %add3A, %rem3A : vector<30x128xi32>
    %ne3A = arith.constant 0 : i32
    %ne3A_14 = vector.broadcast %ne3A : i32 to vector<30x128xi32>
    %ne3A_15 = arith.cmpi ne, %rem3A_13, %ne3A_14 : vector<30x128xi32>
    %lt3A = arith.constant 0 : i32
    %lt3A_16 = vector.broadcast %lt3A : i32 to vector<30x128xi32>
    %lt3A_17 = arith.cmpi slt, %rem3A_13, %lt3A_16 : vector<30x128xi32>
    %lt3A_18 = arith.constant 0 : i32
    %lt3A_19 = arith.cmpi slt, %select_n3A_12, %lt3A_18 : i32
    %ne3A_20 = vector.broadcast %lt3A_19 : i1 to vector<30x128xi1>
    %ne3A_21 = vector.broadcast %ne3A_20 : vector<30x128xi1> to vector<30x128xi1>
    %ne3A_22 = arith.xori %lt3A_17, %ne3A_21 : vector<30x128xi1>
    %and3A = arith.andi %ne3A_22, %ne3A_15 : vector<30x128xi1>
    %add3A_23 = vector.broadcast %select_n3A_12 : i32 to vector<30x128xi32>
    %add3A_24 = arith.addi %rem3A_13, %add3A_23 : vector<30x128xi32>
    %select_n3A_25 = arith.select %and3A, %add3A_24, %rem3A_13 : vector<30x128xi1>, vector<30x128xi32>
    %concatenate3A = tpu.concatenate %get3A_1, %select_n3A_25 in 0 : vector<1250x128xi32>, vector<30x128xi32> -> vector<1280x128xi32>
    %swap3A = arith.constant 0 : index
    %swap3A_26 = arith.constant 0 : index
    %swap3A_27 = vector.load %arg2[%swap3A, %swap3A_26] : memref<1280x128xi32, #tpu.memory_space<vmem>>, vector<1280x128xi32>
    tpu.vector_store %arg2[%swap3A, %swap3A_26], %concatenate3A {strides = array<i32>} : memref<1280x128xi32, #tpu.memory_space<vmem>>, vector<1280x128xi32>,
    %jit3A_28 = arith.constant 239 : i32
    %eq3A_29 = arith.constant 0 : i32
    %eq3A_30 = arith.cmpi eq, %jit3A_28, %eq3A_29 : i32
    %jit3A_31 = arith.constant 1 : i32
    %select_n3A_32 = arith.select %eq3A_30, %jit3A_31, %jit3A_28 : i32
    %rem3A_33 = vector.broadcast %select_n3A_32 : i32 to vector<30x128xi32>
    %rem3A_34 = arith.remsi %add3A, %rem3A_33 : vector<30x128xi32>
    %ne3A_35 = arith.constant 0 : i32
    %ne3A_36 = vector.broadcast %ne3A_35 : i32 to vector<30x128xi32>
    %ne3A_37 = arith.cmpi ne, %rem3A_34, %ne3A_36 : vector<30x128xi32>
    %lt3A_38 = arith.constant 0 : i32
    %lt3A_39 = vector.broadcast %lt3A_38 : i32 to vector<30x128xi32>
    %lt3A_40 = arith.cmpi slt, %rem3A_34, %lt3A_39 : vector<30x128xi32>
    %lt3A_41 = arith.constant 0 : i32
    %lt3A_42 = arith.cmpi slt, %select_n3A_32, %lt3A_41 : i32
    %ne3A_43 = vector.broadcast %lt3A_42 : i1 to vector<30x128xi1>
    %ne3A_44 = vector.broadcast %ne3A_43 : vector<30x128xi1> to vector<30x128xi1>
    %ne3A_45 = arith.xori %lt3A_40, %ne3A_44 : vector<30x128xi1>
    %and3A_46 = arith.andi %ne3A_45, %ne3A_37 : vector<30x128xi1>
    %add3A_47 = vector.broadcast %select_n3A_32 : i32 to vector<30x128xi32>
    %add3A_48 = arith.addi %rem3A_34, %add3A_47 : vector<30x128xi32>
    %select_n3A_49 = arith.select %and3A_46, %add3A_48, %rem3A_34 : vector<30x128xi1>, vector<30x128xi32>
    %add3A_50 = arith.constant 10001 : i32
    %add3A_51 = vector.broadcast %add3A_50 : i32 to vector<30x128xi32>
    %add3A_52 = arith.addi %add3A_51, %select_n3A_49 : vector<30x128xi32>
    %concatenate3A_53 = tpu.concatenate %select_n3A, %add3A_52 in 0 : vector<1250x128xi32>, vector<30x128xi32> -> vector<1280x128xi32>
    %swap3A_54 = arith.constant 0 : index
    %swap3A_55 = arith.constant 0 : index
    %swap3A_56 = vector.load %arg3[%swap3A_54, %swap3A_55] : memref<1280x128xi32, #tpu.memory_space<vmem>>, vector<1280x128xi32>
    tpu.vector_store %arg3[%swap3A_54, %swap3A_55], %concatenate3A_53 {strides = array<i32>} : memref<1280x128xi32, #tpu.memory_space<vmem>>, vector<1280x128xi32>,
    return
  }
}

module attributes {stable_mosaic.version = 14 : i64} {
  func.func @_mlp_body(%arg0: i32, %arg1: memref<1000x128xf32, #tpu.memory_space<vmem>>, %arg2: memref<1000x128xf32, #tpu.memory_space<vmem>>, %arg3: memref<1000x256xf32, #tpu.memory_space<vmem>>, %arg4: memref<1000x1xf32, #tpu.memory_space<vmem>>, %arg5: memref<1000x1xf32, #tpu.memory_space<vmem>>, %arg6: memref<256x512xf32, #tpu.memory_space<vmem>>, %arg7: memref<1x512xf32, #tpu.memory_space<vmem>>, %arg8: memref<512x128xf32, #tpu.memory_space<vmem>>, %arg9: memref<1x128xf32, #tpu.memory_space<vmem>>, %arg10: memref<1000x128xf32, #tpu.memory_space<vmem>>, %arg11: memref<1000x128xf32, #tpu.memory_space<vmem>>) attributes {dimension_semantics = [#tpu.dimension_semantics<arbitrary>], iteration_bounds = array<i64: 10>, scalar_prefetch = 0 : i64, scratch_operands = 0 : i64, tpu.core_type = #tpu.core_type<tc>, window_params = [{transform_indices = @transform_0, window_bounds = array<i64: 1000, 128>}, {transform_indices = @transform_1, window_bounds = array<i64: 1000, 128>}, {transform_indices = @transform_2, window_bounds = array<i64: 1000, 256>}, {transform_indices = @transform_3, window_bounds = array<i64: 1000, 1>}, {transform_indices = @transform_4, window_bounds = array<i64: 1000, 1>}, {pipeline_mode = #tpu.pipeline_mode<synchronous>, transform_indices = @transform_5, window_bounds = array<i64: 256, 512>}, {pipeline_mode = #tpu.pipeline_mode<synchronous>, transform_indices = @transform_6, window_bounds = array<i64: 1, 512>}, {pipeline_mode = #tpu.pipeline_mode<synchronous>, transform_indices = @transform_7, window_bounds = array<i64: 512, 128>}, {pipeline_mode = #tpu.pipeline_mode<synchronous>, transform_indices = @transform_8, window_bounds = array<i64: 1, 128>}, {transform_indices = @transform_9, window_bounds = array<i64: 1000, 128>}, {transform_indices = @transform_10, window_bounds = array<i64: 1000, 128>}]} {
    %get3A = arith.constant 0 : index
    %get3A_0 = arith.constant 0 : index
    %get3A_1 = vector.load %arg1[%get3A, %get3A_0] : memref<1000x128xf32, #tpu.memory_space<vmem>>, vector<1000x128xf32>
    %get3A_2 = arith.constant 0 : index
    %get3A_3 = arith.constant 0 : index
    %get3A_4 = vector.load %arg2[%get3A_2, %get3A_3] : memref<1000x128xf32, #tpu.memory_space<vmem>>, vector<1000x128xf32>
    %concatenate3A = tpu.concatenate %get3A_1, %get3A_4 in 1 : vector<1000x128xf32>, vector<1000x128xf32> -> vector<1000x256xf32>
    %get3A_5 = arith.constant 0 : index
    %get3A_6 = arith.constant 0 : index
    %get3A_7 = vector.load %arg4[%get3A_5, %get3A_6] : memref<1000x1xf32, #tpu.memory_space<vmem>>, vector<1000x1xf32>
    %mul3A = vector.broadcast %get3A_7 : vector<1000x1xf32> to vector<1000x256xf32>
    %mul3A_8 = arith.mulf %mul3A, %concatenate3A : vector<1000x256xf32>
    %get3A_9 = arith.constant 0 : index
    %get3A_10 = arith.constant 0 : index
    %get3A_11 = vector.load %arg5[%get3A_9, %get3A_10] : memref<1000x1xf32, #tpu.memory_space<vmem>>, vector<1000x1xf32>
    %get3A_12 = arith.constant 0 : index
    %get3A_13 = arith.constant 0 : index
    %get3A_14 = vector.load %arg3[%get3A_12, %get3A_13] : memref<1000x256xf32, #tpu.memory_space<vmem>>, vector<1000x256xf32>
    %mul3A_15 = vector.broadcast %get3A_11 : vector<1000x1xf32> to vector<1000x256xf32>
    %mul3A_16 = arith.mulf %mul3A_15, %get3A_14 : vector<1000x256xf32>
    %add3A = arith.addf %mul3A_8, %mul3A_16 : vector<1000x256xf32>
    %get3A_17 = arith.constant 0 : index
    %get3A_18 = arith.constant 0 : index
    %get3A_19 = vector.load %arg6[%get3A_17, %get3A_18] : memref<256x512xf32, #tpu.memory_space<vmem>>, vector<256x512xf32>
    %dot_general3A = arith.constant dense<0.000000e+00> : vector<1000x512xf32>
    %dot_general3A_20 = tpu.matmul %add3A, %get3A_19, %dot_general3A {dimension_numbers = #tpu.dot_dimension_numbers<[1], [0], [0], [1], [0, 0, 1, 1], [], []>, transpose_lhs_hint = false} : vector<1000x256xf32>, vector<256x512xf32>, vector<1000x512xf32> -> vector<1000x512xf32>
    %get3A_21 = arith.constant 0 : index
    %get3A_22 = arith.constant 0 : index
    %get3A_23 = vector.load %arg7[%get3A_21, %get3A_22] : memref<1x512xf32, #tpu.memory_space<vmem>>, vector<1x512xf32>
    %add3A_24 = vector.broadcast %get3A_23 : vector<1x512xf32> to vector<1000x512xf32>
    %add3A_25 = arith.addf %dot_general3A_20, %add3A_24 : vector<1000x512xf32>
    %gt3A = arith.constant 0.000000e+00 : f32
    %gt3A_26 = vector.broadcast %gt3A : f32 to vector<1000x512xf32>
    %gt3A_27 = arith.cmpf ogt, %add3A_25, %gt3A_26 : vector<1000x512xf32>
    %mul3A_28 = arith.constant 0.00999999977 : f32
    %mul3A_29 = vector.broadcast %mul3A_28 : f32 to vector<1000x512xf32>
    %mul3A_30 = arith.mulf %mul3A_29, %add3A_25 : vector<1000x512xf32>
    %select_n3A = arith.select %gt3A_27, %add3A_25, %mul3A_30 : vector<1000x512xi1>, vector<1000x512xf32>
    %get3A_31 = arith.constant 0 : index
    %get3A_32 = arith.constant 0 : index
    %get3A_33 = vector.load %arg8[%get3A_31, %get3A_32] : memref<512x128xf32, #tpu.memory_space<vmem>>, vector<512x128xf32>
    %dot_general3A_34 = arith.constant dense<0.000000e+00> : vector<1000x128xf32>
    %dot_general3A_35 = tpu.matmul %select_n3A, %get3A_33, %dot_general3A_34 {dimension_numbers = #tpu.dot_dimension_numbers<[1], [0], [0], [1], [0, 0, 1, 1], [], []>, transpose_lhs_hint = false} : vector<1000x512xf32>, vector<512x128xf32>, vector<1000x128xf32> -> vector<1000x128xf32>
    %get3A_36 = arith.constant 0 : index
    %get3A_37 = arith.constant 0 : index
    %get3A_38 = vector.load %arg4[%get3A_36, %get3A_37] : memref<1000x1xf32, #tpu.memory_space<vmem>>, vector<1000x1xf32>
    %mul3A_39 = vector.broadcast %get3A_38 : vector<1000x1xf32> to vector<1000x128xf32>
    %mul3A_40 = arith.mulf %mul3A_39, %dot_general3A_35 : vector<1000x128xf32>
    %swap3A = arith.constant 0 : index
    %swap3A_41 = arith.constant 0 : index
    %swap3A_42 = vector.load %arg10[%swap3A, %swap3A_41] : memref<1000x128xf32, #tpu.memory_space<vmem>>, vector<1000x128xf32>
    tpu.vector_store %arg10[%swap3A, %swap3A_41], %mul3A_40 {strides = array<i32>} : memref<1000x128xf32, #tpu.memory_space<vmem>>, vector<1000x128xf32>,
    %get3A_43 = arith.constant 0 : index
    %get3A_44 = arith.constant 0 : index
    %get3A_45 = vector.load %arg5[%get3A_43, %get3A_44] : memref<1000x1xf32, #tpu.memory_space<vmem>>, vector<1000x1xf32>
    %mul3A_46 = vector.broadcast %get3A_45 : vector<1000x1xf32> to vector<1000x128xf32>
    %mul3A_47 = arith.mulf %mul3A_46, %dot_general3A_35 : vector<1000x128xf32>
    %get3A_48 = arith.constant 0 : index
    %get3A_49 = arith.constant 0 : index
    %get3A_50 = vector.load %arg9[%get3A_48, %get3A_49] : memref<1x128xf32, #tpu.memory_space<vmem>>, vector<1x128xf32>
    %add3A_51 = vector.broadcast %get3A_50 : vector<1x128xf32> to vector<1000x128xf32>
    %add3A_52 = arith.addf %mul3A_47, %add3A_51 : vector<1000x128xf32>
    %swap3A_53 = arith.constant 0 : index
    %swap3A_54 = arith.constant 0 : index
    %swap3A_55 = vector.load %arg11[%swap3A_53, %swap3A_54] : memref<1000x128xf32, #tpu.memory_space<vmem>>, vector<1000x128xf32>
    tpu.vector_store %arg11[%swap3A_53, %swap3A_54], %add3A_52 {strides = array<i32>} : memref<1000x128xf32, #tpu.memory_space<vmem>>, vector<1000x128xf32>,
    return
  }
  func.func @transform_0(%arg0: i32) -> (i32, i32) {
    %c0_i32 = arith.constant 0 : i32
    %c0_i32_0 = arith.constant 0 : i32
    return %arg0, %c0_i32 : i32, i32
  }
  func.func @transform_1(%arg0: i32) -> (i32, i32) {
    %add3A = arith.constant 11 : i32
    %add3A_0 = arith.addi %add3A, %arg0 : i32
    %c0_i32 = arith.constant 0 : i32
    %c0_i32_1 = arith.constant 0 : i32
    return %add3A_0, %c0_i32 : i32, i32
  }
  func.func @transform_2(%arg0: i32) -> (i32, i32) {
    %c0_i32 = arith.constant 0 : i32
    %c0_i32_0 = arith.constant 0 : i32
    return %arg0, %c0_i32 : i32, i32
  }
  func.func @transform_3(%arg0: i32) -> (i32, i32) {
    %c0_i32 = arith.constant 0 : i32
    %c0_i32_0 = arith.constant 0 : i32
    return %arg0, %c0_i32 : i32, i32
  }
  func.func @transform_4(%arg0: i32) -> (i32, i32) {
    %c0_i32 = arith.constant 0 : i32
    %c0_i32_0 = arith.constant 0 : i32
    return %arg0, %c0_i32 : i32, i32
  }
  func.func @transform_5(%arg0: i32) -> (i32, i32) {
    %c0_i32 = arith.constant 0 : i32
    %c0_i32_0 = arith.constant 0 : i32
    %c0_i32_1 = arith.constant 0 : i32
    return %c0_i32, %c0_i32_0 : i32, i32
  }
  func.func @transform_6(%arg0: i32) -> (i32, i32) {
    %c0_i32 = arith.constant 0 : i32
    %c0_i32_0 = arith.constant 0 : i32
    %c0_i32_1 = arith.constant 0 : i32
    return %c0_i32, %c0_i32_0 : i32, i32
  }
  func.func @transform_7(%arg0: i32) -> (i32, i32) {
    %c0_i32 = arith.constant 0 : i32
    %c0_i32_0 = arith.constant 0 : i32
    %c0_i32_1 = arith.constant 0 : i32
    return %c0_i32, %c0_i32_0 : i32, i32
  }
  func.func @transform_8(%arg0: i32) -> (i32, i32) {
    %c0_i32 = arith.constant 0 : i32
    %c0_i32_0 = arith.constant 0 : i32
    %c0_i32_1 = arith.constant 0 : i32
    return %c0_i32, %c0_i32_0 : i32, i32
  }
  func.func @transform_9(%arg0: i32) -> (i32, i32) {
    %c0_i32 = arith.constant 0 : i32
    %c0_i32_0 = arith.constant 0 : i32
    return %arg0, %c0_i32 : i32, i32
  }
  func.func @transform_10(%arg0: i32) -> (i32, i32) {
    %c0_i32 = arith.constant 0 : i32
    %c0_i32_0 = arith.constant 0 : i32
    return %arg0, %c0_i32 : i32, i32
  }
}

module attributes {stable_mosaic.version = 14 : i64} {
  func.func @_final_body(%arg0: i32, %arg1: memref<1000x128xf32, #tpu.memory_space<vmem>>, %arg2: memref<1000x128xf32, #tpu.memory_space<vmem>>, %arg3: memref<1000x1xf32, #tpu.memory_space<vmem>>, %arg4: memref<1000x128xf32, #tpu.memory_space<vmem>>, %arg5: memref<1000x128xf32, #tpu.memory_space<vmem>>) attributes {dimension_semantics = [#tpu.dimension_semantics<arbitrary>], iteration_bounds = array<i64: 10>, scalar_prefetch = 0 : i64, scratch_operands = 0 : i64, tpu.core_type = #tpu.core_type<tc>, window_params = [{transform_indices = @transform_0, window_bounds = array<i64: 1000, 128>}, {transform_indices = @transform_1, window_bounds = array<i64: 1000, 128>}, {transform_indices = @transform_2, window_bounds = array<i64: 1000, 1>}, {transform_indices = @transform_3, window_bounds = array<i64: 1000, 128>}, {transform_indices = @transform_4, window_bounds = array<i64: 1000, 128>}]} {
    %get3A = arith.constant 0 : index
    %get3A_0 = arith.constant 0 : index
    %get3A_1 = vector.load %arg3[%get3A, %get3A_0] : memref<1000x1xf32, #tpu.memory_space<vmem>>, vector<1000x1xf32>
    %get3A_2 = arith.constant 0 : index
    %get3A_3 = arith.constant 0 : index
    %get3A_4 = vector.load %arg1[%get3A_2, %get3A_3] : memref<1000x128xf32, #tpu.memory_space<vmem>>, vector<1000x128xf32>
    %get3A_5 = arith.constant 0 : index
    %get3A_6 = arith.constant 0 : index
    %get3A_7 = vector.load %arg2[%get3A_5, %get3A_6] : memref<1000x128xf32, #tpu.memory_space<vmem>>, vector<1000x128xf32>
    %add3A = arith.addf %get3A_4, %get3A_7 : vector<1000x128xf32>
    %mul3A = vector.broadcast %get3A_1 : vector<1000x1xf32> to vector<1000x128xf32>
    %mul3A_8 = arith.mulf %mul3A, %add3A : vector<1000x128xf32>
    %get3A_9 = arith.constant 0 : index
    %get3A_10 = arith.constant 0 : index
    %get3A_11 = vector.load %arg4[%get3A_9, %get3A_10] : memref<1000x128xf32, #tpu.memory_space<vmem>>, vector<1000x128xf32>
    %add3A_12 = arith.addf %mul3A_8, %get3A_11 : vector<1000x128xf32>
    %swap3A = arith.constant 0 : index
    %swap3A_13 = arith.constant 0 : index
    %swap3A_14 = vector.load %arg5[%swap3A, %swap3A_13] : memref<1000x128xf32, #tpu.memory_space<vmem>>, vector<1000x128xf32>
    tpu.vector_store %arg5[%swap3A, %swap3A_13], %add3A_12 {strides = array<i32>} : memref<1000x128xf32, #tpu.memory_space<vmem>>, vector<1000x128xf32>,
    return
  }
  func.func @transform_0(%arg0: i32) -> (i32, i32) {
    %c0_i32 = arith.constant 0 : i32
    %c0_i32_0 = arith.constant 0 : i32
    return %arg0, %c0_i32 : i32, i32
  }
  func.func @transform_1(%arg0: i32) -> (i32, i32) {
    %add3A = arith.constant 11 : i32
    %add3A_0 = arith.addi %add3A, %arg0 : i32
    %c0_i32 = arith.constant 0 : i32
    %c0_i32_1 = arith.constant 0 : i32
    return %add3A_0, %c0_i32 : i32, i32
  }
  func.func @transform_2(%arg0: i32) -> (i32, i32) {
    %c0_i32 = arith.constant 0 : i32
    %c0_i32_0 = arith.constant 0 : i32
    return %arg0, %c0_i32 : i32, i32
  }
  func.func @transform_3(%arg0: i32) -> (i32, i32) {
    %c0_i32 = arith.constant 0 : i32
    %c0_i32_0 = arith.constant 0 : i32
    return %arg0, %c0_i32 : i32, i32
  }
  func.func @transform_4(%arg0: i32) -> (i32, i32) {
    %c0_i32 = arith.constant 0 : i32
    %c0_i32_0 = arith.constant 0 : i32
    return %arg0, %c0_i32 : i32, i32
  }
}

</mosaic_0001>

<sc_bundles>
// kernel: kernel.10.cloned.1.call-start
scs
__scs_entry_jumppad:
0x0: {  	(pc) =	sbr.rel $0x88, $3  }
0x1: {  	(tag) =	ssettag $0x0;
	lr =	simm.s32 $0x1  }
0x2: {  	[smem:$0x3F9B] =	sst lr;
	_ =	strace $0xD0000000  }
0x3: {  	_ = 	snop  }
0x4: {  	_ = 	snop  }
0x5: {  	_ = 	snop  }
0x6: {  	_ = 	snop  }
0x7: {  	_ = 	snop  }
__scs_overlays_trampoline_lowered:
0x8: {  	[smem:$0x3FAA] =	sst s0  }
0x9: {  	[smem:$0x3FAB] =	sst s1  }
0xa: {  	[smem:$0x3FAC] =	sst s2  }
0xb: {  	[smem:$0x3FAD] =	sst s3  }
0xc: {  	[smem:$0x3FAE] =	sst s4  }
0xd: {  	[smem:$0x3FAF] =	sst s5  }
0xe: {  	[smem:$0x3FB0] =	sst s6  }
0xf: {  	[smem:$0x3FB1] =	sst s7  }
0x10: {  	[smem:$0x3FB2] =	sst s8  }
0x11: {  	[smem:$0x3FB3] =	sst s9;
	s0 =	simm.s32 @!p0 $0x0  }
0x12: {  	s1 =	sld [smem:$0x3F99];
	s0 =	simm.s32 @p0 $0x1  }
0x13: {  	[smem:$0x3FB4] =	sst s0;
	s0 =	simm.s32 @!p1 $0x0  }
0x14: {  	s2 =	sld [smem:$0x3F98];
	s0 =	simm.s32 @p1 $0x1  }
0x15: {  	[smem:$0x3FB5] =	sst s0;
	s0 =	simm.s32 @!p2 $0x0  }
0x16: {  	s3 =	sld [smem:$0x3FDB];
	s0 =	simm.s32 @p2 $0x1  }
0x17: {  	s4 =	simm.s32 $0x1BF5;
	[smem:$0x3FB7] =	sst s0  }
0x18: {  	s0 =	sld [smem:$0x3F9A];
	_ =	swait.ge [sflag:s4], $0x0  }
0x19: {  	s7 =	sld [smem:$0x3F9B]  }
0x1a: {  	s8 =	sadd.s32 $0xFFFFE003, lr  }
0x1b: {  	s9 =	sadd.s32 $0xFFFFFEF7, lr;
	s5 =	simm.s32 $0xFFFFFFFF;
	p2 =	slt.u32 s8, $0xFFFFF086  }
0x1c: {  	p1 =	slt.u32 s9, $0xF7A;
	s5 =	simm.s32 @!p2 $0x0  }
0x1d: {  	s5 =	simm.s32 @p1 $0x1;
	p0 =	seq.s32 s7, s2  }
0x1e: {  	s7 =	smul.u32 @!p0 $0xF7A, s2;
	p2 =	seq.s32 @!p0 s5, $0x0  }
0x1f: {  	s9 =	smul.u32 $0xF7A, s1;
	s8 =	simm.s32 @!p0 $0x1BF5;
	p2 =	por !p2, p0  }
0x20: {  	[sflag:s8] =	ssyncset.s32 @!p0 $0xFFFFF086;
	s6 =	sadd.s32 @!p0 s3, s7;
	s7 =	simm.s32 @!p0 $0x108  }
0x21: {  	s3 =	sadd.s32 s3, s9;
	s6 =	sadd.s32 @!p0 $0x88, s6;
	s7 =	simm.s32 @p2 $0x1082  }
0x22: {  	[simem:s7], [sflag:s8] =	dma.local @!p0 [hbm:s6], $0xF7A  }
0x23: {  	s9 =	sor.u32 $0xD0000000, s2;
	s6 =	simm.s32 $0x108;
	_ =	swait.ge @!p0 [sflag:s8], $0x0  }
0x24: {  	s3 =	sadd.s32 $0x88, s3;
	s6 =	simm.s32 @!p1 $0x1082;
	[sflag:s4] =	ssyncset.s32 $0xFFFFF086  }
0x25: {  	[simem:s6], [sflag:s4] =	dma.local [hbm:s3], $0xF7A  }
0x26: {  	[smem:$0x3F9B] =	sst s1;
	(tag) =	ssettag s2;
	_ =	strace s9  }
0x27: {  	s1 =	sld [smem:$0x3FAB]  }
0x28: {  	s2 =	sld [smem:$0x3FAC]  }
0x29: {  	s4 =	sld [smem:$0x3FAE]  }
0x2a: {  	p0 =	seq.s32 s5, $0x0;
	s5 =	sld [smem:$0x3FAF]  }
0x2b: {  	s6 =	sld [smem:$0x3FB0]  }
0x2c: {  	s7 =	sld [smem:$0x3FB1]  }
0x2d: {  	s3 =	simm.s32 $0x108;
	s8 =	sld [smem:$0x3FB2]  }
0x2e: {  	s3 =	simm.s32 @!p0 $0x1082;
	s9 =	sld [smem:$0x3FB3]  }
0x2f: {  	lr =	sadd.s32 s0, s3;
	s0 =	sld [smem:$0x3FAA]  }
0x30: {  	s3 =	sld [smem:$0x3FAD]  }
0x31: {  	[smem:$0x3FB6] =	sst s10  }
0x32: {  	s10 =	sld [smem:$0x3FB4];
	_ =	sdelay $0x3  }
0x33: {  	p0 =	seq.s32 s10, $0x1;
	s10 =	sld [smem:$0x3FB6];
	_ =	sdelay $0x3  }
0x34: {  	[smem:$0x3FB6] =	sst s10  }
0x35: {  	s10 =	sld [smem:$0x3FB5];
	_ =	sdelay $0x3  }
0x36: {  	p1 =	seq.s32 s10, $0x1;
	s10 =	sld [smem:$0x3FB6];
	_ =	sdelay $0x3  }
0x37: {  	[smem:$0x3FB6] =	sst s10  }
0x38: {  	s10 =	sld [smem:$0x3FB7]  }
0x39: {  	_ = 	snop;
	(pc) =	sbr.ind lr, $3  }
0x3a: {  	_ = 	snop  }
0x3b: {  	_ = 	snop  }
0x3c: {  	p2 =	seq.s32 s10, $0x1;
	s10 =	sld [smem:$0x3FB6]  }
0x3d: {  	_ =	shalt  }
0x3e: {  	_ =	shalt  }
0x3f: {  	_ =	shalt  }
0x40: {  	_ =	shalt  }
0x41: {  	_ =	shalt  }
0x42: {  	_ =	shalt  }
0x43: {  	_ =	shalt  }
0x44: {  	_ =	shalt  }
0x45: {  	_ =	shalt  }
0x46: {  	_ =	shalt  }
0x47: {  	_ =	shalt  }
0x48: {  	_ =	shalt  }
0x49: {  	_ =	shalt  }
0x4a: {  	_ =	shalt  }
0x4b: {  	_ =	shalt  }
0x4c: {  	_ =	shalt  }
0x4d: {  	_ =	shalt  }
0x4e: {  	_ =	shalt  }
0x4f: {  	_ =	shalt  }
0x50: {  	_ =	shalt  }
0x51: {  	_ =	shalt  }
0x52: {  	_ =	shalt  }
0x53: {  	_ =	shalt  }
0x54: {  	_ =	shalt  }
0x55: {  	_ =	shalt  }
0x56: {  	_ =	shalt  }
0x57: {  	_ =	shalt  }
0x58: {  	_ =	shalt  }
0x59: {  	_ =	shalt  }
0x5a: {  	_ =	shalt  }
0x5b: {  	_ =	shalt  }
0x5c: {  	_ =	shalt  }
0x5d: {  	_ =	shalt  }
0x5e: {  	_ =	shalt  }
0x5f: {  	_ =	shalt  }
0x60: {  	_ =	shalt  }
0x61: {  	_ =	shalt  }
0x62: {  	_ =	shalt  }
0x63: {  	_ =	shalt  }
0x64: {  	_ =	shalt  }
0x65: {  	_ =	shalt  }
0x66: {  	_ =	shalt  }
0x67: {  	_ =	shalt  }
0x68: {  	_ =	shalt  }
0x69: {  	_ =	shalt  }
0x6a: {  	_ =	shalt  }
0x6b: {  	_ =	shalt  }
0x6c: {  	_ =	shalt  }
0x6d: {  	_ =	shalt  }
0x6e: {  	_ =	shalt  }
0x6f: {  	_ =	shalt  }
0x70: {  	_ =	shalt  }
0x71: {  	_ =	shalt  }
0x72: {  	_ =	shalt  }
0x73: {  	_ =	shalt  }
0x74: {  	_ =	shalt  }
0x75: {  	_ =	shalt  }
0x76: {  	_ =	shalt  }
0x77: {  	_ =	shalt  }
0x78: {  	_ =	shalt  }
0x79: {  	_ =	shalt  }
0x7a: {  	_ =	shalt  }
0x7b: {  	_ =	shalt  }
0x7c: {  	_ =	shalt  }
0x7d: {  	_ =	shalt  }
0x7e: {  	_ =	shalt  }
0x7f: {  	_ =	shalt  }
0x80: {  	_ =	shalt  }
0x81: {  	_ =	shalt  }
0x82: {  	_ =	shalt  }
0x83: {  	_ =	shalt  }
0x84: {  	_ =	shalt  }
0x85: {  	_ =	shalt  }
0x86: {  	_ =	shalt  }
0x87: {  	_ =	shalt  }
.Lfunc_end0:
.L_simem_size_0:
called_computation_lowered:
.L_overlay_start_0:
0x88: {  	s2 =	sld [smem:$0x3FD9]  }
0x89: {  	s3 =	sld [smem:$0x3FFE];
	_ =	sdelay $0x1  }
0x8a: {  	s1 =	srdreg.scid  }
0x8b: {  	s0 =	sand.u32 $0x1, s1  }
0x8c: {  	s17 =	sshll.u32 s0, $0xA;
	s2 =	sadd.s32 s3, s2  }
0x8d: {  	s2 =	sadd.s32 s2, s17  }
0x8e: {  	[smem:$0x3FC2] =	sst s2  }
0x8f: {  	_ = 	snop  }
0x90: {  	s2 =	sld [smem:$0x3FD0];
	(tm) =	ssettm $0x1  }
0x91: {  	s18 =	sld [smem:$0x3FFB];
	_ =	sdelay $0x3  }
0x92: {  	_ =	strace s18  }
0x93: {  	s3 =	sld [smem:$0x3FFC];
	_ =	sdelay $0x3  }
0x94: {  	_ =	strace s3  }
0x95: {  	s3 =	sld [smem:$0x3FFD];
	_ =	sdelay $0x3  }
0x96: {  	_ =	strace s3  }
0x97: {  	_ =	strace $0x8FFFFFFF  }
0x98: {  	s19 =	sld [smem:$0x3FDB];
	_ =	sdelay $0x1  }
0x99: {  	s4 =	simm.s32 $_scs_section_size  }
0x9a: {  	s5 =	simm.s32 $_size__tile_overlayer_lowered;
	s6 =	simm.s32 $_tile_overlayer_lowered  }
0x9b: {  	s22 =	simm.s32 $0x1BFF;
	s21 =	sshll.u32 s6, $0x1;
	s3 =	sadd.s32 s4, s19  }
0x9c: {  	s7 =	simm.s32 $0x0;
	s20 =	sshll.u32 s5, $0x1;
	s5 =	sadd.s32 s21, s3  }
0x9d: {  	[timem:s7], [sflag:s22] =	dma.local [hbm:s5], s20  }
0x9e: {  	_ =	swait.ge [sflag:s22], s20  }
0x9f: {  	s4 =	ssub.s32 $0x0, s20;
	[sflag:s22] =	ssyncset.done $0x0  }
0xa0: {  	[sflag:s22] =	ssyncadd.s32 s4;
	_ =	sdelay $0x1  }
0xa1: {  	s23 =	simm.s32 $0x1B8B  }
0xa2: {  	_ =	swait.ge [sflag:s23], $0x1  }
0xa3: {  	[sflag:s23] =	ssyncset.done $0x0  }
0xa4: {  	s25 =	simm.s32 $0x1B8E;
	s24 =	sld [smem:$0x3FFE];
	[sflag:s23] =	ssyncadd.s32 $0xFFFFFFFF  }
0xa5: {  	s26 =	simm.s32 $execute0_lowered;
	[smem:$0x3FD2] =	sst s25  }
0xa6: {  	s5 =	sshll.u32 s26, $0x1;
	_ =	strace $0x80000046;
	[dreg:$0x1] =	wrdreg $0xFFFFFFFF  }
0xa7: {  	s28 =	simm.s32 $_size_execute0_lowered;
	s3 =	sadd.s32 s3, s5;
	[dreg:$0x0] =	wrdreg $0x0  }
0xa8: {  	s5 =	sshll.u32 s28, $0x1;
	[dreg:$0x2] =	wrdreg s3  }
0xa9: {  	[dreg:$0x3] =	wrdreg s5  }
0xaa: {  	[dreg:$0x4] =	wrdreg $0xC0  }
0xab: {  	_ =	task [dreg:s7], $0x5FFFF  }
0xac: {  	[dreg:$0x1] =	wrdreg $0xFFFFFFFF  }
0xad: {  	[dreg:$0x0] =	wrdreg $0x60  }
0xae: {  	[dreg:$0x2] =	wrdreg s24  }
0xaf: {  	[dreg:$0x3] =	wrdreg s2  }
0xb0: {  	[dreg:$0x4] =	wrdreg $0x54000  }
0xb1: {  	[dreg:$0x5] =	wrdreg $0x9  }
0xb2: {  	_ =	task.clear_ibuf [dreg:s7], $0x6FFFF;
	_ =	strace $0x90000046  }
0xb3: {  	s29 =	simm.s32 $0x9;
	_ =	strace $0x80000048  }
0xb4: {  	_ =	swait.ge [sflag:s29], $0x1  }
0xb5: {  	[sflag:s29] =	ssyncadd.s32 $0xFFFFFFFF  }
0xb6: {  	_ =	strace $0x90000048  }
0xb7: {  	_ =	sfence  }
0xb8: {  	s30 =	sld [smem:$0x0];
	_ =	sdelay $0x2  }
0xb9: {  	s31 =	sshll.u32 s1, $0xD;
	s1 =	sshrl.u32 s1, $0x2  }
0xba: {  	s3 =	sand.u32 $0x4000, s31;
	s1 =	sadd.s32 s1, s30  }
0xbb: {  	s0 =	sor.u32 s3, s0;
	s1 =	sshll.u32 s1, $0x11  }
0xbc: {  	s0 =	sor.u32 s1, s0  }
0xbd: {  	s0 =	sadd.s32 $0x8F2B, s0  }
0xbe: {  	[sflag:s0] =	ssyncadd.remote.s32 $0x1  }
0xbf: {  	_ =	sfence.sel $0xFFFF  }
0xc0: {  	[dreg:$0x0] =	wrdreg $0xFFFFFFFF;
	(pc) =	sbr.abs _section_cstart, $3  }
0xc1: {  	[dreg:$0x1] =	wrdreg $0xFFFFFFFF  }
0xc2: {  	_ =	task.clear_ibuf [dreg:s7], $0x2FFFF;
	_ =	strace $0x9FFFFFFF  }
0xc3: {  	(tm) =	ssettm $0x7FFFFFFF  }
tec
execute0_lowered:
.L_overlay_start_1:
0x0: {  	(tag) =	ssettag $0x1  }
0x1: {  	s0 =	srdreg.scid;
	s7 =	rddreg [dreg:$0x0]  }
0x2: {  	s2 =	rddreg [dreg:$0x1];
	s6 =	sand.u32 $0x1, s0;
	s0 =	stileid.u32  }
0x3: {  	s3 =	rddreg [dreg:$0x2];
	s4 =	simm.s32 $0x0;
	s8 =	smul.u32 $0x2800, s0  }
0x4: {  	s13 =	simm.s32 $0x80;
	s14 =	simm.s32 $0x0;
	s9 =	smul.u32 $0x2AF80, s6  }
0x5: {  	[smem:$0x7FF] =	sst s4;
	s1 =	sshll.u32 s6, $0x4;
	s11 =	smul.u32 $0x50000, s0  }
0x6: {  	s6 =	ssub.s32 $0x2, s6;
	s31 =	sshll.u32 s0, $0x6;
	s1 =	sor.u32 s0, s1  }
0x7: {  	s28 =	sshrl.u32 s6, $0x1;
	s5 =	smul.u32 $0x280, s1;
	s1 =	rddreg [dreg:$0x3]  }
0x8: {  	_ =	strace $0x80000047;
	s8 =	sadd.s32 s8, s9;
	s29 =	sshrl.u32 s11, $0x2  }
0x9: {  	s30 =	ssub.s32 s6, s28;
	s6 =	sor.u32 $0x1C01, s31;
	s11 =	simm.s32 $0x1  }
0xa: {  	s8 =	sadd.s32 s8, s7;
	s12 =	sadd.s32 s29, s3;
	s9 =	smax.u32 s30, $0x1  }
0xb: {  	s10 =	sadd.s32 s5, s7;
	s5 =	sadd.s32 $0xCC00, s7;
	s8 =	sadd.s32 $0xF400, s8  }
0xc: {  	s7 =	sadd.s32 $0x2C00, s10;
	s10 =	sshrl.u32 s12, $0x3;
	s12 =	simm.s32 $0x4000  }
.LBB2_1:
0xd: {  	[spmem:s10], [sflag:s6] =	dma.local [hbm:s5], $0x2800  }
0xe: {  	_ =	swait.ge [sflag:s11], $0x2800  }
0xf: {  	[sflag:s11] =	ssyncset.done $0x0  }
0x10: {  	[sflag:s11] =	ssyncadd.s32 $0xFFFFD800  }
0x11: {  	[tilespmem:s4], [sflag:$0x1] =	stream.linear.gather [hbm4b:s2+s4], $0x4000, $0x38;
	[tilespmem:$0x19400] =	vst v63  }
0x12: {  	_ =	swait.ge [sflag:s11], $0x4000  }
0x13: {  	[sflag:s11] =	ssyncset.done $0x0  }
0x14: {  	[sflag:s11] =	ssyncadd.s32 $0xFFFFC000  }
0x15: {  	[tilespmem:s12], [sflag:$0x1] =	stream.linear.gather [hbm4b:s7+s4], $0x1400, $0x38;
	[tilespmem:$0x19400] =	vst v63  }
0x16: {  	_ =	swait.ge [sflag:s11], $0x1400  }
0x17: {  	[sflag:s11] =	ssyncset.done $0x0  }
0x18: {  	[sflag:s11] =	ssyncadd.s32 $0xFFFFEC00  }
0x19: {  	s15 =	simm.s32 $0x4000;
	[bflag:$0x0] =	sbarrier.arrive $0xFFFF  }
0x1a: {  	[spmem:s3] =	stream.indirect.scatter.add.f32 [tilespmem:s4], [sflag:$0x1], $0x80, s15, s13, $0xb8;
	[tilespmem:$0x19400] =	vst v63  }
0x1b: {  	s15 =	simm.s32 $0x200;
	_ =	swait.ge [sflag:s11], $0x4000  }
.LBB2_2:
0x1c: {  	s16 =	sshra.s32 s15, $0x2;
	[sflag:s11] =	ssyncset.done $0x0;
	p0 =	sne.s32 s15, $0x4E00  }
.Ltmp0:
0x1d: {  	s16 =	sadd.s32 $0x4000, s16;
	[sflag:s11] =	ssyncadd.s32 $0xFFFFC000;
	(pc) =	sbr.rel @p0 .LBB2_2-.Ltmp0, $3  }
0x1e: {  	[spmem:s3] =	stream.indirect.scatter.add.f32 [tilespmem:s4], [sflag:$0x1], $0x80, s16, s13, $0xb8;
	[tilespmem:$0x19400] =	vst v63  }
0x1f: {  	s15 =	sadd.s32 $0x200, s15;
	_ =	sdelay $0x1  }
0x20: {  	_ =	swait.ge [sflag:s11], $0x4000  }
0x21: {  	[sflag:s11] =	ssyncset.done $0x0;
	s14 =	sadd.s32 $0x1, s14  }
0x22: {  	[sflag:s11] =	ssyncadd.s32 $0xFFFFC000;
	p0 =	sne.s32 s14, s9  }
.Ltmp1:
0x23: {  	[bflag:$0x0] =	sbarrier.arrive $0xFFFF;
	(pc) =	sbr.rel @p0 .LBB2_1-.Ltmp1, $4  }
0x24: {  	[hbm:s8], [sflag:s6] =	dma.local [spmem:s10], $0x2800  }
0x25: {  	_ =	swait.ge [sflag:s11], $0x2800  }
0x26: {  	[sflag:s11] =	ssyncset.done $0x0  }
0x27: {  	[sflag:s11] =	ssyncadd.s32 $0xFFFFD800  }
0x28: {  	_ =	sfence.sel $0x180000  }
0x29: {  	[bflag:$0x0] =	sbarrier.arrive $0xFFFF  }
0x2a: {  	p0 =	sne.s32 s0, $0x0;
	_ =	strace $0x90000047  }
0x2b: {  	s0 =	sadd.s32 @!p0 $0x100000, s1;
	[bflag:$0x2] =	sbarrier.arrive $0xFFFF  }
0x2c: {  	[sflag:s0] =	ssyncadd.tile.s32 @!p0 $0x1;
	_ =	shalt  }
.Lfunc_end2:
_tile_overlayer_lowered:
.L_overlay_start_2:
0x2d: {  	(tag) =	ssettag $0x2  }
0x2e: {  	s0 =	rddreg [dreg:$0x0];
	s2 =	stileid.u32  }
0x2f: {  	s1 =	rddreg [dreg:$0x1];
	p0 =	sne.s32 s2, $0x0  }
0x30: {  	s3 =	rddreg [dreg:$0x2];
	[bflag:$0x3] =	sbarrier.arrive $0xFFFF;
	s2 =	simm.s32 @!p0 $0x1C01  }
0x31: {  	[timem:s3], [sflag:s2] =	dma.local @!p0 [hbm:s0], s1  }
0x32: {  	s0 =	simm.s32 @!p0 $0x1  }
0x33: {  	_ =	swait.ge @!p0 [sflag:s0], s1  }
0x34: {  	s1 =	ssub.s32 @!p0 $0x0, s1;
	[sflag:s0] =	ssyncset.done @!p0 $0x0  }
0x35: {  	[sflag:s0] =	ssyncadd.s32 @!p0 s1  }
0x36: {  	[bflag:$0x3] =	sbarrier.arrive $0xFFFF  }
0x37: {  	_ =	shalt  }

// kernel: kernel.13.cloned.1.call-start
scs
__scs_entry_jumppad:
0x0: {  	(pc) =	sbr.rel $0x88, $3  }
0x1: {  	(tag) =	ssettag $0x0;
	lr =	simm.s32 $0x1  }
0x2: {  	[smem:$0x3F9B] =	sst lr;
	_ =	strace $0xD0000000  }
0x3: {  	_ = 	snop  }
0x4: {  	_ = 	snop  }
0x5: {  	_ = 	snop  }
0x6: {  	_ = 	snop  }
0x7: {  	_ = 	snop  }
__scs_overlays_trampoline_lowered:
0x8: {  	[smem:$0x3FAA] =	sst s0  }
0x9: {  	[smem:$0x3FAB] =	sst s1  }
0xa: {  	[smem:$0x3FAC] =	sst s2  }
0xb: {  	[smem:$0x3FAD] =	sst s3  }
0xc: {  	[smem:$0x3FAE] =	sst s4  }
0xd: {  	[smem:$0x3FAF] =	sst s5  }
0xe: {  	[smem:$0x3FB0] =	sst s6  }
0xf: {  	[smem:$0x3FB1] =	sst s7  }
0x10: {  	[smem:$0x3FB2] =	sst s8  }
0x11: {  	[smem:$0x3FB3] =	sst s9;
	s0 =	simm.s32 @!p0 $0x0  }
0x12: {  	s1 =	sld [smem:$0x3F99];
	s0 =	simm.s32 @p0 $0x1  }
0x13: {  	[smem:$0x3FB4] =	sst s0;
	s0 =	simm.s32 @!p1 $0x0  }
0x14: {  	s2 =	sld [smem:$0x3F98];
	s0 =	simm.s32 @p1 $0x1  }
0x15: {  	[smem:$0x3FB5] =	sst s0;
	s0 =	simm.s32 @!p2 $0x0  }
0x16: {  	s3 =	sld [smem:$0x3FDB];
	s0 =	simm.s32 @p2 $0x1  }
0x17: {  	s4 =	simm.s32 $0x1BF5;
	[smem:$0x3FB7] =	sst s0  }
0x18: {  	s0 =	sld [smem:$0x3F9A];
	_ =	swait.ge [sflag:s4], $0x0  }
0x19: {  	s7 =	sld [smem:$0x3F9B]  }
0x1a: {  	s8 =	sadd.s32 $0xFFFFE003, lr  }
0x1b: {  	s9 =	sadd.s32 $0xFFFFFEF7, lr;
	s5 =	simm.s32 $0xFFFFFFFF;
	p2 =	slt.u32 s8, $0xFFFFF086  }
0x1c: {  	p1 =	slt.u32 s9, $0xF7A;
	s5 =	simm.s32 @!p2 $0x0  }
0x1d: {  	s5 =	simm.s32 @p1 $0x1;
	p0 =	seq.s32 s7, s2  }
0x1e: {  	s7 =	smul.u32 @!p0 $0xF7A, s2;
	p2 =	seq.s32 @!p0 s5, $0x0  }
0x1f: {  	s9 =	smul.u32 $0xF7A, s1;
	s8 =	simm.s32 @!p0 $0x1BF5;
	p2 =	por !p2, p0  }
0x20: {  	[sflag:s8] =	ssyncset.s32 @!p0 $0xFFFFF086;
	s6 =	sadd.s32 @!p0 s3, s7;
	s7 =	simm.s32 @!p0 $0x108  }
0x21: {  	s3 =	sadd.s32 s3, s9;
	s6 =	sadd.s32 @!p0 $0x88, s6;
	s7 =	simm.s32 @p2 $0x1082  }
0x22: {  	[simem:s7], [sflag:s8] =	dma.local @!p0 [hbm:s6], $0xF7A  }
0x23: {  	s9 =	sor.u32 $0xD0000000, s2;
	s6 =	simm.s32 $0x108;
	_ =	swait.ge @!p0 [sflag:s8], $0x0  }
0x24: {  	s3 =	sadd.s32 $0x88, s3;
	s6 =	simm.s32 @!p1 $0x1082;
	[sflag:s4] =	ssyncset.s32 $0xFFFFF086  }
0x25: {  	[simem:s6], [sflag:s4] =	dma.local [hbm:s3], $0xF7A  }
0x26: {  	[smem:$0x3F9B] =	sst s1;
	(tag) =	ssettag s2;
	_ =	strace s9  }
0x27: {  	s1 =	sld [smem:$0x3FAB]  }
0x28: {  	s2 =	sld [smem:$0x3FAC]  }
0x29: {  	s4 =	sld [smem:$0x3FAE]  }
0x2a: {  	p0 =	seq.s32 s5, $0x0;
	s5 =	sld [smem:$0x3FAF]  }
0x2b: {  	s6 =	sld [smem:$0x3FB0]  }
0x2c: {  	s7 =	sld [smem:$0x3FB1]  }
0x2d: {  	s3 =	simm.s32 $0x108;
	s8 =	sld [smem:$0x3FB2]  }
0x2e: {  	s3 =	simm.s32 @!p0 $0x1082;
	s9 =	sld [smem:$0x3FB3]  }
0x2f: {  	lr =	sadd.s32 s0, s3;
	s0 =	sld [smem:$0x3FAA]  }
0x30: {  	s3 =	sld [smem:$0x3FAD]  }
0x31: {  	[smem:$0x3FB6] =	sst s10  }
0x32: {  	s10 =	sld [smem:$0x3FB4];
	_ =	sdelay $0x3  }
0x33: {  	p0 =	seq.s32 s10, $0x1;
	s10 =	sld [smem:$0x3FB6];
	_ =	sdelay $0x3  }
0x34: {  	[smem:$0x3FB6] =	sst s10  }
0x35: {  	s10 =	sld [smem:$0x3FB5];
	_ =	sdelay $0x3  }
0x36: {  	p1 =	seq.s32 s10, $0x1;
	s10 =	sld [smem:$0x3FB6];
	_ =	sdelay $0x3  }
0x37: {  	[smem:$0x3FB6] =	sst s10  }
0x38: {  	s10 =	sld [smem:$0x3FB7]  }
0x39: {  	_ = 	snop;
	(pc) =	sbr.ind lr, $3  }
0x3a: {  	_ = 	snop  }
0x3b: {  	_ = 	snop  }
0x3c: {  	p2 =	seq.s32 s10, $0x1;
	s10 =	sld [smem:$0x3FB6]  }
0x3d: {  	_ =	shalt  }
0x3e: {  	_ =	shalt  }
0x3f: {  	_ =	shalt  }
0x40: {  	_ =	shalt  }
0x41: {  	_ =	shalt  }
0x42: {  	_ =	shalt  }
0x43: {  	_ =	shalt  }
0x44: {  	_ =	shalt  }
0x45: {  	_ =	shalt  }
0x46: {  	_ =	shalt  }
0x47: {  	_ =	shalt  }
0x48: {  	_ =	shalt  }
0x49: {  	_ =	shalt  }
0x4a: {  	_ =	shalt  }
0x4b: {  	_ =	shalt  }
0x4c: {  	_ =	shalt  }
0x4d: {  	_ =	shalt  }
0x4e: {  	_ =	shalt  }
0x4f: {  	_ =	shalt  }
0x50: {  	_ =	shalt  }
0x51: {  	_ =	shalt  }
0x52: {  	_ =	shalt  }
0x53: {  	_ =	shalt  }
0x54: {  	_ =	shalt  }
0x55: {  	_ =	shalt  }
0x56: {  	_ =	shalt  }
0x57: {  	_ =	shalt  }
0x58: {  	_ =	shalt  }
0x59: {  	_ =	shalt  }
0x5a: {  	_ =	shalt  }
0x5b: {  	_ =	shalt  }
0x5c: {  	_ =	shalt  }
0x5d: {  	_ =	shalt  }
0x5e: {  	_ =	shalt  }
0x5f: {  	_ =	shalt  }
0x60: {  	_ =	shalt  }
0x61: {  	_ =	shalt  }
0x62: {  	_ =	shalt  }
0x63: {  	_ =	shalt  }
0x64: {  	_ =	shalt  }
0x65: {  	_ =	shalt  }
0x66: {  	_ =	shalt  }
0x67: {  	_ =	shalt  }
0x68: {  	_ =	shalt  }
0x69: {  	_ =	shalt  }
0x6a: {  	_ =	shalt  }
0x6b: {  	_ =	shalt  }
0x6c: {  	_ =	shalt  }
0x6d: {  	_ =	shalt  }
0x6e: {  	_ =	shalt  }
0x6f: {  	_ =	shalt  }
0x70: {  	_ =	shalt  }
0x71: {  	_ =	shalt  }
0x72: {  	_ =	shalt  }
0x73: {  	_ =	shalt  }
0x74: {  	_ =	shalt  }
0x75: {  	_ =	shalt  }
0x76: {  	_ =	shalt  }
0x77: {  	_ =	shalt  }
0x78: {  	_ =	shalt  }
0x79: {  	_ =	shalt  }
0x7a: {  	_ =	shalt  }
0x7b: {  	_ =	shalt  }
0x7c: {  	_ =	shalt  }
0x7d: {  	_ =	shalt  }
0x7e: {  	_ =	shalt  }
0x7f: {  	_ =	shalt  }
0x80: {  	_ =	shalt  }
0x81: {  	_ =	shalt  }
0x82: {  	_ =	shalt  }
0x83: {  	_ =	shalt  }
0x84: {  	_ =	shalt  }
0x85: {  	_ =	shalt  }
0x86: {  	_ =	shalt  }
0x87: {  	_ =	shalt  }
.Lfunc_end0:
.L_simem_size_0:
called_computation.1_lowered:
.L_overlay_start_0:
0x88: {  	s2 =	sld [smem:$0x3FD9]  }
0x89: {  	s3 =	sld [smem:$0x3FFE];
	_ =	sdelay $0x1  }
0x8a: {  	s1 =	srdreg.scid  }
0x8b: {  	s0 =	sand.u32 $0x1, s1  }
0x8c: {  	s17 =	sshll.u32 s0, $0xA;
	s2 =	sadd.s32 s3, s2  }
0x8d: {  	s2 =	sadd.s32 s2, s17  }
0x8e: {  	[smem:$0x3FC2] =	sst s2  }
0x8f: {  	_ = 	snop  }
0x90: {  	s2 =	sld [smem:$0x3FD0];
	(tm) =	ssettm $0x1  }
0x91: {  	s18 =	sld [smem:$0x3FFB];
	_ =	sdelay $0x3  }
0x92: {  	_ =	strace s18  }
0x93: {  	s3 =	sld [smem:$0x3FFC];
	_ =	sdelay $0x3  }
0x94: {  	_ =	strace s3  }
0x95: {  	s3 =	sld [smem:$0x3FFD];
	_ =	sdelay $0x3  }
0x96: {  	_ =	strace s3  }
0x97: {  	_ =	strace $0x8FFFFFFF  }
0x98: {  	s19 =	sld [smem:$0x3FDB];
	_ =	sdelay $0x1  }
0x99: {  	s4 =	simm.s32 $_scs_section_size  }
0x9a: {  	s5 =	simm.s32 $_size__tile_overlayer_lowered;
	s6 =	simm.s32 $_tile_overlayer_lowered  }
0x9b: {  	s22 =	simm.s32 $0x1BFF;
	s21 =	sshll.u32 s6, $0x1;
	s3 =	sadd.s32 s4, s19  }
0x9c: {  	s7 =	simm.s32 $0x0;
	s20 =	sshll.u32 s5, $0x1;
	s5 =	sadd.s32 s21, s3  }
0x9d: {  	[timem:s7], [sflag:s22] =	dma.local [hbm:s5], s20  }
0x9e: {  	_ =	swait.ge [sflag:s22], s20  }
0x9f: {  	s4 =	ssub.s32 $0x0, s20;
	[sflag:s22] =	ssyncset.done $0x0  }
0xa0: {  	[sflag:s22] =	ssyncadd.s32 s4;
	_ =	sdelay $0x1  }
0xa1: {  	s23 =	simm.s32 $0x1B8B  }
0xa2: {  	_ =	swait.ge [sflag:s23], $0x1  }
0xa3: {  	[sflag:s23] =	ssyncset.done $0x0  }
0xa4: {  	s25 =	simm.s32 $0x1B8E;
	s24 =	sld [smem:$0x3FFE];
	[sflag:s23] =	ssyncadd.s32 $0xFFFFFFFF  }
0xa5: {  	s26 =	simm.s32 $execute0_lowered;
	[smem:$0x3FD2] =	sst s25  }
0xa6: {  	s5 =	sshll.u32 s26, $0x1;
	_ =	strace $0x80000049;
	[dreg:$0x1] =	wrdreg $0xFFFFFFFF  }
0xa7: {  	s28 =	simm.s32 $_size_execute0_lowered;
	s3 =	sadd.s32 s3, s5;
	[dreg:$0x0] =	wrdreg $0x0  }
0xa8: {  	s5 =	sshll.u32 s28, $0x1;
	[dreg:$0x2] =	wrdreg s3  }
0xa9: {  	[dreg:$0x3] =	wrdreg s5  }
0xaa: {  	[dreg:$0x4] =	wrdreg $0xC0  }
0xab: {  	_ =	task [dreg:s7], $0x5FFFF  }
0xac: {  	[dreg:$0x1] =	wrdreg $0xFFFFFFFF  }
0xad: {  	[dreg:$0x0] =	wrdreg $0x60  }
0xae: {  	[dreg:$0x2] =	wrdreg s2  }
0xaf: {  	[dreg:$0x3] =	wrdreg s24  }
0xb0: {  	[dreg:$0x4] =	wrdreg $0xA8000  }
0xb1: {  	[dreg:$0x5] =	wrdreg $0x9  }
0xb2: {  	_ =	task.clear_ibuf [dreg:s7], $0x6FFFF;
	_ =	strace $0x90000049  }
0xb3: {  	s29 =	simm.s32 $0x9;
	_ =	strace $0x8000004B  }
0xb4: {  	_ =	swait.ge [sflag:s29], $0x1  }
0xb5: {  	[sflag:s29] =	ssyncadd.s32 $0xFFFFFFFF  }
0xb6: {  	_ =	strace $0x9000004B  }
0xb7: {  	_ =	sfence  }
0xb8: {  	s30 =	sld [smem:$0x0];
	_ =	sdelay $0x2  }
0xb9: {  	s31 =	sshll.u32 s1, $0xD;
	s1 =	sshrl.u32 s1, $0x2  }
0xba: {  	s3 =	sand.u32 $0x4000, s31;
	s1 =	sadd.s32 s1, s30  }
0xbb: {  	s0 =	sor.u32 s3, s0;
	s1 =	sshll.u32 s1, $0x11  }
0xbc: {  	s0 =	sor.u32 s1, s0  }
0xbd: {  	s0 =	sadd.s32 $0x8F2B, s0  }
0xbe: {  	[sflag:s0] =	ssyncadd.remote.s32 $0x1  }
0xbf: {  	_ =	sfence.sel $0xFFFF  }
0xc0: {  	[dreg:$0x0] =	wrdreg $0xFFFFFFFF;
	(pc) =	sbr.abs _section_cstart, $3  }
0xc1: {  	[dreg:$0x1] =	wrdreg $0xFFFFFFFF  }
0xc2: {  	_ =	task.clear_ibuf [dreg:s7], $0x2FFFF;
	_ =	strace $0x9FFFFFFF  }
0xc3: {  	(tm) =	ssettm $0x7FFFFFFF  }
tec
execute0_lowered:
.L_overlay_start_1:
0x0: {  	(tag) =	ssettag $0x1  }
0x1: {  	s1 =	rddreg [dreg:$0x0]  }
0x2: {  	s7 =	rddreg [dreg:$0x1]  }
0x3: {  	s2 =	rddreg [dreg:$0x2]  }
0x4: {  	s0 =	rddreg [dreg:$0x3];
	s4 =	simm.s32 $0x0;
	s5 =	srdreg.scid  }
0x5: {  	s3 =	stileid.u32;
	s17 =	simm.s32 $0x80;
	s18 =	simm.s32 $0x2800  }
0x6: {  	s19 =	simm.s32 $0x6800;
	s20 =	simm.s32 $0x1;
	s21 =	simm.s32 $0x2  }
0x7: {  	s22 =	simm.s32 $0x2700;
	s23 =	simm.s32 $0x2780;
	s24 =	simm.s32 $0x0  }
0x8: {  	[smem:$0x7FF] =	sst s4;
	s8 =	sand.u32 $0x1, s5;
	s9 =	smul.u32 $0x2800, s3  }
0x9: {  	s5 =	sadd.s32 $0xF400, s7;
	s10 =	sadd.s32 $0x7C00, s7;
	s12 =	sadd.s32 $0x2C00, s7  }
0xa: {  	s14 =	smul.u32 $0x50000, s3;
	s6 =	sadd.s32 $0xCC00, s7;
	s28 =	sshll.u32 s3, $0x6  }
0xb: {  	s29 =	smul.u32 $0x500, s3;
	_ =	strace $0x8000004A;
	s13 =	ssub.s32 $0x2, s8  }
0xc: {  	s11 =	smul.u32 $0x2AF80, s8;
	p0 =	seq.s32 s8, $0x1;
	s15 =	sshrl.u32 s13, $0x1  }
0xd: {  	s26 =	sshrl.u32 s14, $0x2;
	s30 =	sshrl.u32 s9, $0x3;
	s8 =	sadd.s32 s10, s29  }
.Ltmp0:
0xe: {  	s11 =	sadd.s32 s9, s11;
	s13 =	ssub.s32 s13, s15;
	(pc) =	sbr.rel .LBB2_1-.Ltmp0, $4  }
0xf: {  	s14 =	sadd.s32 s26, s2;
	s9 =	sadd.s32 s12, s29;
	s31 =	sadd.s32 $0x280, s30  }
0x10: {  	s15 =	simm.s32 $0x3;
	s16 =	sadd.s32 s11, s7;
	s7 =	sor.u32 $0x1C03, s28  }
0x11: {  	s10 =	sadd.s32 s10, s31;
	s11 =	sadd.s32 s12, s31;
	s13 =	smax.u32 s13, $0x1  }
0x12: {  	s14 =	sshrl.u32 s14, $0x3;
	s12 =	sadd.s32 $0xB0600, s16;
	s16 =	simm.s32 $0x1400  }
.LBB2_11:
0x13: {  	[tilespmem:s19], [sflag:$0x2] =	stream.indirect.gather [hbm4b:s5+s17], $0x80, s26, s17, $0xb8;
	[tilespmem:$0x1E800] =	vst v63  }
.LBB2_12:
0x14: {  	_ =	swait.ge [sflag:s20], $0x4000  }
0x15: {  	[sflag:s20] =	ssyncset.done $0x0  }
0x16: {  	[sflag:s20] =	ssyncadd.s32 $0xFFFFC000  }
0x17: {  	[spmem:s2] =	stream.indirect.scatter.add.f32 [tilespmem:s18], [sflag:$0x3], $0x80, s22, s17, $0xb8;
	[tilespmem:$0x1E800] =	vst v63  }
0x18: {  	_ =	swait.ge [sflag:s15], $0x4000  }
0x19: {  	[sflag:s15] =	ssyncset.done $0x0  }
0x1a: {  	[sflag:s15] =	ssyncadd.s32 $0xFFFFC000  }
0x1b: {  	_ =	swait.ge [sflag:s21], $0x4000  }
0x1c: {  	[sflag:s21] =	ssyncset.done $0x0  }
0x1d: {  	[sflag:s21] =	ssyncadd.s32 $0xFFFFC000  }
0x1e: {  	[spmem:s2] =	stream.indirect.scatter.add.f32 [tilespmem:s19], [sflag:$0x3], $0x80, s23, s17, $0xb8;
	[tilespmem:$0x1E800] =	vst v63  }
0x1f: {  	_ =	swait.ge [sflag:s15], $0x4000  }
0x20: {  	s24 =	sadd.s32 $0x1, s24;
	[sflag:s15] =	ssyncset.done $0x0  }
0x21: {  	p1 =	sne.s32 s24, s13;
	[sflag:s15] =	ssyncadd.s32 $0xFFFFC000  }
.Ltmp1:
0x22: {  	[bflag:$0x0] =	sbarrier.arrive $0xFFFF;
	(pc) =	sbr.rel @!p1 .LBB2_13-.Ltmp1, $4  }
0x23: {  	[hbm:s12], [sflag:s7] =	dma.local [spmem:s14], $0x2800  }
0x24: {  	_ =	swait.ge [sflag:s15], $0x2800  }
0x25: {  	[sflag:s15] =	ssyncset.done $0x0  }
0x26: {  	[sflag:s15] =	ssyncadd.s32 $0xFFFFD800  }
.LBB2_1:
0x27: {  	[spmem:s14], [sflag:s7] =	dma.local [hbm:s6], $0x2800  }
0x28: {  	_ =	swait.ge [sflag:s15], $0x2800  }
0x29: {  	[sflag:s15] =	ssyncset.done $0x0  }
0x2a: {  	[sflag:s15] =	ssyncadd.s32 $0xFFFFD800  }
0x2b: {  	[bflag:$0x0] =	sbarrier.arrive $0xFFFF  }
0x2c: {  	[tilespmem:s4], [sflag:$0x3] =	stream.linear.gather [hbm4b:s8+s4], $0x1400, $0x38;
	[tilespmem:$0x1E800] =	vst v63  }
0x2d: {  	_ =	swait.ge [sflag:s15], $0x1400  }
0x2e: {  	[sflag:s15] =	ssyncset.done $0x0  }
.Ltmp2:
0x2f: {  	[sflag:s15] =	ssyncadd.s32 $0xFFFFEC00;
	(pc) =	sbr.rel @!p0 .LBB2_2-.Ltmp2, $4  }
0x30: {  	[tilespmem:s16], [sflag:$0x3] =	stream.linear.gather [hbm4b:s9+s4], $0x1400, $0x38;
	[tilespmem:$0x1E800] =	vst v63  }
0x31: {  	_ =	swait.ge [sflag:s15], $0x1400  }
0x32: {  	[sflag:s15] =	ssyncset.done $0x0  }
0x33: {  	s25 =	simm.s32 $0x0;
	[sflag:s15] =	ssyncadd.s32 $0xFFFFEC00  }
0x34: {  	[tilespmem:s18], [sflag:$0x1] =	stream.indirect.gather [hbm4b:s5+s17], $0x80, s25, s17, $0xb8;
	[tilespmem:$0x1E800] =	vst v63  }
0x35: {  	_ = 	snop  }
0x36: {  	[tilespmem:s19], [sflag:$0x2] =	stream.indirect.gather [hbm4b:s5+s17], $0x80, s17, s17, $0xb8;
	[tilespmem:$0x1E800] =	vst v63  }
0x37: {  	_ =	swait.ge [sflag:s20], $0x4000  }
0x38: {  	[sflag:s20] =	ssyncset.done $0x0  }
0x39: {  	s29 =	simm.s32 $0x1400;
	[sflag:s20] =	ssyncadd.s32 $0xFFFFC000  }
0x3a: {  	[spmem:s2] =	stream.indirect.scatter.add.f32 [tilespmem:s18], [sflag:$0x3], $0x80, s29, s17, $0xb8;
	[tilespmem:$0x1E800] =	vst v63  }
0x3b: {  	_ =	swait.ge [sflag:s15], $0x4000  }
0x3c: {  	[sflag:s15] =	ssyncset.done $0x0  }
0x3d: {  	s30 =	simm.s32 $0x100;
	[sflag:s15] =	ssyncadd.s32 $0xFFFFC000  }
0x3e: {  	[tilespmem:s18], [sflag:$0x1] =	stream.indirect.gather [hbm4b:s5+s17], $0x80, s30, s17, $0xb8;
	[tilespmem:$0x1E800] =	vst v63  }
0x3f: {  	_ =	swait.ge [sflag:s21], $0x4000  }
0x40: {  	[sflag:s21] =	ssyncset.done $0x0  }
0x41: {  	s31 =	simm.s32 $0x1480;
	[sflag:s21] =	ssyncadd.s32 $0xFFFFC000  }
0x42: {  	[spmem:s2] =	stream.indirect.scatter.add.f32 [tilespmem:s19], [sflag:$0x3], $0x80, s31, s17, $0xb8;
	[tilespmem:$0x1E800] =	vst v63  }
0x43: {  	_ =	swait.ge [sflag:s15], $0x4000  }
0x44: {  	[sflag:s15] =	ssyncset.done $0x0  }
0x45: {  	s25 =	simm.s32 $0x400;
	s26 =	simm.s32 $0x180;
	[sflag:s15] =	ssyncadd.s32 $0xFFFFC000  }
.LBB2_8:
0x46: {  	[tilespmem:s19], [sflag:$0x2] =	stream.indirect.gather [hbm4b:s5+s17], $0x80, s26, s17, $0xb8;
	[tilespmem:$0x1E800] =	vst v63  }
0x47: {  	s26 =	smov.u32 s25  }
0x48: {  	p1 =	sne.s32 s25, $0x4800;
	s25 =	sadd.s32 $0x400, s25;
	_ =	swait.ge [sflag:s20], $0x4000  }
0x49: {  	s26 =	sshra.s32 s26, $0x2;
	[sflag:s20] =	ssyncset.done $0x0  }
0x4a: {  	s28 =	sadd.s32 $0x1400, s26;
	[sflag:s20] =	ssyncadd.s32 $0xFFFFC000  }
0x4b: {  	[spmem:s2] =	stream.indirect.scatter.add.f32 [tilespmem:s18], [sflag:$0x3], $0x80, s28, s17, $0xb8;
	[tilespmem:$0x1E800] =	vst v63  }
0x4c: {  	_ =	swait.ge [sflag:s15], $0x4000  }
0x4d: {  	[sflag:s15] =	ssyncset.done $0x0  }
0x4e: {  	s28 =	sadd.s32 $0x100, s26;
	[sflag:s15] =	ssyncadd.s32 $0xFFFFC000  }
0x4f: {  	[tilespmem:s18], [sflag:$0x1] =	stream.indirect.gather [hbm4b:s5+s17], $0x80, s28, s17, $0xb8;
	[tilespmem:$0x1E800] =	vst v63  }
0x50: {  	_ =	swait.ge [sflag:s21], $0x4000  }
0x51: {  	[sflag:s21] =	ssyncset.done $0x0  }
.Ltmp3:
0x52: {  	s28 =	sadd.s32 $0x1480, s26;
	[sflag:s21] =	ssyncadd.s32 $0xFFFFC000;
	(pc) =	sbr.rel @p1 .LBB2_8-.Ltmp3, $4  }
0x53: {  	[spmem:s2] =	stream.indirect.scatter.add.f32 [tilespmem:s19], [sflag:$0x3], $0x80, s28, s17, $0xb8;
	[tilespmem:$0x1E800] =	vst v63  }
0x54: {  	_ =	swait.ge [sflag:s15], $0x4000  }
0x55: {  	[sflag:s15] =	ssyncset.done $0x0  }
0x56: {  	s26 =	sadd.s32 $0x180, s26;
	[sflag:s15] =	ssyncadd.s32 $0xFFFFC000  }
0x57: {  	[tilespmem:s19], [sflag:$0x2] =	stream.indirect.gather [hbm4b:s5+s17], $0x80, s26, s17, $0xb8;
	[tilespmem:$0x1E800] =	vst v63  }
0x58: {  	_ =	swait.ge [sflag:s20], $0x4000  }
0x59: {  	[sflag:s20] =	ssyncset.done $0x0  }
0x5a: {  	[sflag:s20] =	ssyncadd.s32 $0xFFFFC000  }
0x5b: {  	[spmem:s2] =	stream.indirect.scatter.add.f32 [tilespmem:s18], [sflag:$0x3], $0x80, s22, s17, $0xb8;
	[tilespmem:$0x1E800] =	vst v63  }
0x5c: {  	_ =	swait.ge [sflag:s15], $0x4000  }
0x5d: {  	[sflag:s15] =	ssyncset.done $0x0  }
0x5e: {  	[sflag:s15] =	ssyncadd.s32 $0xFFFFC000  }
0x5f: {  	_ =	swait.ge [sflag:s21], $0x4000  }
0x60: {  	[sflag:s21] =	ssyncset.done $0x0  }
0x61: {  	[sflag:s21] =	ssyncadd.s32 $0xFFFFC000  }
0x62: {  	[spmem:s2] =	stream.indirect.scatter.add.f32 [tilespmem:s19], [sflag:$0x3], $0x80, s23, s17, $0xb8;
	[tilespmem:$0x1E800] =	vst v63  }
0x63: {  	_ =	swait.ge [sflag:s15], $0x4000  }
0x64: {  	[sflag:s15] =	ssyncset.done $0x0  }
0x65: {  	s25 =	simm.s32 $0x0;
	[sflag:s15] =	ssyncadd.s32 $0xFFFFC000  }
0x66: {  	[tilespmem:s25], [sflag:$0x3] =	stream.linear.gather [hbm4b:s10+s25], $0x1400, $0x38;
	[tilespmem:$0x1E800] =	vst v63  }
0x67: {  	_ =	swait.ge [sflag:s15], $0x1400  }
0x68: {  	[sflag:s15] =	ssyncset.done $0x0  }
0x69: {  	[sflag:s15] =	ssyncadd.s32 $0xFFFFEC00  }
0x6a: {  	[tilespmem:s16], [sflag:$0x3] =	stream.linear.gather [hbm4b:s11+s25], $0x1400, $0x38;
	[tilespmem:$0x1E800] =	vst v63  }
0x6b: {  	_ =	swait.ge [sflag:s15], $0x1400  }
0x6c: {  	[sflag:s15] =	ssyncset.done $0x0  }
0x6d: {  	[sflag:s15] =	ssyncadd.s32 $0xFFFFEC00  }
0x6e: {  	[tilespmem:s18], [sflag:$0x1] =	stream.indirect.gather [hbm4b:s5+s17], $0x80, s25, s17, $0xb8;
	[tilespmem:$0x1E800] =	vst v63  }
0x6f: {  	_ = 	snop  }
0x70: {  	[tilespmem:s19], [sflag:$0x2] =	stream.indirect.gather [hbm4b:s5+s17], $0x80, s17, s17, $0xb8;
	[tilespmem:$0x1E800] =	vst v63  }
0x71: {  	_ =	swait.ge [sflag:s20], $0x4000  }
0x72: {  	[sflag:s20] =	ssyncset.done $0x0  }
0x73: {  	s29 =	simm.s32 $0x1400;
	[sflag:s20] =	ssyncadd.s32 $0xFFFFC000  }
0x74: {  	[spmem:s2] =	stream.indirect.scatter.add.f32 [tilespmem:s18], [sflag:$0x3], $0x80, s29, s17, $0xb8;
	[tilespmem:$0x1E800] =	vst v63  }
0x75: {  	_ =	swait.ge [sflag:s15], $0x4000  }
0x76: {  	[sflag:s15] =	ssyncset.done $0x0  }
0x77: {  	s30 =	simm.s32 $0x100;
	[sflag:s15] =	ssyncadd.s32 $0xFFFFC000  }
0x78: {  	[tilespmem:s18], [sflag:$0x1] =	stream.indirect.gather [hbm4b:s5+s17], $0x80, s30, s17, $0xb8;
	[tilespmem:$0x1E800] =	vst v63  }
0x79: {  	_ =	swait.ge [sflag:s21], $0x4000  }
0x7a: {  	[sflag:s21] =	ssyncset.done $0x0  }
0x7b: {  	s31 =	simm.s32 $0x1480;
	[sflag:s21] =	ssyncadd.s32 $0xFFFFC000  }
0x7c: {  	[spmem:s2] =	stream.indirect.scatter.add.f32 [tilespmem:s19], [sflag:$0x3], $0x80, s31, s17, $0xb8;
	[tilespmem:$0x1E800] =	vst v63  }
0x7d: {  	_ =	swait.ge [sflag:s15], $0x4000  }
0x7e: {  	[sflag:s15] =	ssyncset.done $0x0  }
0x7f: {  	s26 =	simm.s32 $0x180;
	s25 =	simm.s32 $0x400;
	[sflag:s15] =	ssyncadd.s32 $0xFFFFC000  }
.LBB2_10:
0x80: {  	[tilespmem:s19], [sflag:$0x2] =	stream.indirect.gather [hbm4b:s5+s17], $0x80, s26, s17, $0xb8;
	[tilespmem:$0x1E800] =	vst v63  }
0x81: {  	s26 =	smov.u32 s25  }
0x82: {  	p1 =	sne.s32 s25, $0x4800;
	s25 =	sadd.s32 $0x400, s25;
	_ =	swait.ge [sflag:s20], $0x4000  }
0x83: {  	s26 =	sshra.s32 s26, $0x2;
	[sflag:s20] =	ssyncset.done $0x0  }
0x84: {  	s28 =	sadd.s32 $0x1400, s26;
	[sflag:s20] =	ssyncadd.s32 $0xFFFFC000  }
0x85: {  	[spmem:s2] =	stream.indirect.scatter.add.f32 [tilespmem:s18], [sflag:$0x3], $0x80, s28, s17, $0xb8;
	[tilespmem:$0x1E800] =	vst v63  }
0x86: {  	_ =	swait.ge [sflag:s15], $0x4000  }
0x87: {  	[sflag:s15] =	ssyncset.done $0x0  }
0x88: {  	s28 =	sadd.s32 $0x100, s26;
	[sflag:s15] =	ssyncadd.s32 $0xFFFFC000  }
0x89: {  	[tilespmem:s18], [sflag:$0x1] =	stream.indirect.gather [hbm4b:s5+s17], $0x80, s28, s17, $0xb8;
	[tilespmem:$0x1E800] =	vst v63  }
0x8a: {  	_ =	swait.ge [sflag:s21], $0x4000  }
0x8b: {  	[sflag:s21] =	ssyncset.done $0x0  }
.Ltmp4:
0x8c: {  	s28 =	sadd.s32 $0x1480, s26;
	[sflag:s21] =	ssyncadd.s32 $0xFFFFC000;
	(pc) =	sbr.rel @p1 .LBB2_10-.Ltmp4, $4  }
0x8d: {  	[spmem:s2] =	stream.indirect.scatter.add.f32 [tilespmem:s19], [sflag:$0x3], $0x80, s28, s17, $0xb8;
	[tilespmem:$0x1E800] =	vst v63  }
0x8e: {  	_ =	swait.ge [sflag:s15], $0x4000  }
0x8f: {  	[sflag:s15] =	ssyncset.done $0x0  }
0x90: {  	s26 =	sadd.s32 $0x180, s26;
	[sflag:s15] =	ssyncadd.s32 $0xFFFFC000  }
.Ltmp5:
0x91: {  	_ = 	snop;
	(pc) =	sbr.rel .LBB2_11-.Ltmp5, $1  }
0x92: {  	_ =	sdelay $0x3  }
.LBB2_2:
0x93: {  	[tilespmem:s18], [sflag:$0x1] =	stream.indirect.gather [hbm4b:s1+s17], $0x80, s25, s17, $0xb8;
	[tilespmem:$0x1E800] =	vst v63  }
0x94: {  	_ = 	snop  }
0x95: {  	[tilespmem:s19], [sflag:$0x2] =	stream.indirect.gather [hbm4b:s1+s17], $0x80, s17, s17, $0xb8;
	[tilespmem:$0x1E800] =	vst v63  }
0x96: {  	_ =	swait.ge [sflag:s20], $0x4000  }
0x97: {  	[sflag:s20] =	ssyncset.done $0x0  }
0x98: {  	s29 =	simm.s32 $0x1400;
	[sflag:s20] =	ssyncadd.s32 $0xFFFFC000  }
0x99: {  	[spmem:s2] =	stream.indirect.scatter.add.f32 [tilespmem:s18], [sflag:$0x3], $0x80, s29, s17, $0xb8;
	[tilespmem:$0x1E800] =	vst v63  }
0x9a: {  	_ =	swait.ge [sflag:s15], $0x4000  }
0x9b: {  	[sflag:s15] =	ssyncset.done $0x0  }
0x9c: {  	s30 =	simm.s32 $0x100;
	[sflag:s15] =	ssyncadd.s32 $0xFFFFC000  }
0x9d: {  	[tilespmem:s18], [sflag:$0x1] =	stream.indirect.gather [hbm4b:s1+s17], $0x80, s30, s17, $0xb8;
	[tilespmem:$0x1E800] =	vst v63  }
0x9e: {  	_ =	swait.ge [sflag:s21], $0x4000  }
0x9f: {  	[sflag:s21] =	ssyncset.done $0x0  }
0xa0: {  	s31 =	simm.s32 $0x1480;
	[sflag:s21] =	ssyncadd.s32 $0xFFFFC000  }
0xa1: {  	[spmem:s2] =	stream.indirect.scatter.add.f32 [tilespmem:s19], [sflag:$0x3], $0x80, s31, s17, $0xb8;
	[tilespmem:$0x1E800] =	vst v63  }
0xa2: {  	_ =	swait.ge [sflag:s15], $0x4000  }
0xa3: {  	[sflag:s15] =	ssyncset.done $0x0  }
0xa4: {  	s25 =	simm.s32 $0x400;
	s26 =	simm.s32 $0x180;
	[sflag:s15] =	ssyncadd.s32 $0xFFFFC000  }
.LBB2_3:
0xa5: {  	[tilespmem:s19], [sflag:$0x2] =	stream.indirect.gather [hbm4b:s1+s17], $0x80, s26, s17, $0xb8;
	[tilespmem:$0x1E800] =	vst v63  }
0xa6: {  	s26 =	smov.u32 s25  }
0xa7: {  	p1 =	sne.s32 s25, $0x4800;
	s25 =	sadd.s32 $0x400, s25;
	_ =	swait.ge [sflag:s20], $0x4000  }
0xa8: {  	s26 =	sshra.s32 s26, $0x2;
	[sflag:s20] =	ssyncset.done $0x0  }
0xa9: {  	s28 =	sadd.s32 $0x1400, s26;
	[sflag:s20] =	ssyncadd.s32 $0xFFFFC000  }
0xaa: {  	[spmem:s2] =	stream.indirect.scatter.add.f32 [tilespmem:s18], [sflag:$0x3], $0x80, s28, s17, $0xb8;
	[tilespmem:$0x1E800] =	vst v63  }
0xab: {  	_ =	swait.ge [sflag:s15], $0x4000  }
0xac: {  	[sflag:s15] =	ssyncset.done $0x0  }
0xad: {  	s28 =	sadd.s32 $0x100, s26;
	[sflag:s15] =	ssyncadd.s32 $0xFFFFC000  }
0xae: {  	[tilespmem:s18], [sflag:$0x1] =	stream.indirect.gather [hbm4b:s1+s17], $0x80, s28, s17, $0xb8;
	[tilespmem:$0x1E800] =	vst v63  }
0xaf: {  	_ =	swait.ge [sflag:s21], $0x4000  }
0xb0: {  	[sflag:s21] =	ssyncset.done $0x0  }
.Ltmp6:
0xb1: {  	s28 =	sadd.s32 $0x1480, s26;
	[sflag:s21] =	ssyncadd.s32 $0xFFFFC000;
	(pc) =	sbr.rel @p1 .LBB2_3-.Ltmp6, $4  }
0xb2: {  	[spmem:s2] =	stream.indirect.scatter.add.f32 [tilespmem:s19], [sflag:$0x3], $0x80, s28, s17, $0xb8;
	[tilespmem:$0x1E800] =	vst v63  }
0xb3: {  	_ =	swait.ge [sflag:s15], $0x4000  }
0xb4: {  	[sflag:s15] =	ssyncset.done $0x0  }
0xb5: {  	s26 =	sadd.s32 $0x180, s26;
	[sflag:s15] =	ssyncadd.s32 $0xFFFFC000  }
0xb6: {  	[tilespmem:s19], [sflag:$0x2] =	stream.indirect.gather [hbm4b:s1+s17], $0x80, s26, s17, $0xb8;
	[tilespmem:$0x1E800] =	vst v63  }
0xb7: {  	_ =	swait.ge [sflag:s20], $0x4000  }
0xb8: {  	[sflag:s20] =	ssyncset.done $0x0  }
0xb9: {  	[sflag:s20] =	ssyncadd.s32 $0xFFFFC000  }
0xba: {  	[spmem:s2] =	stream.indirect.scatter.add.f32 [tilespmem:s18], [sflag:$0x3], $0x80, s22, s17, $0xb8;
	[tilespmem:$0x1E800] =	vst v63  }
0xbb: {  	_ =	swait.ge [sflag:s15], $0x4000  }
0xbc: {  	[sflag:s15] =	ssyncset.done $0x0  }
0xbd: {  	[sflag:s15] =	ssyncadd.s32 $0xFFFFC000  }
0xbe: {  	_ =	swait.ge [sflag:s21], $0x4000  }
0xbf: {  	[sflag:s21] =	ssyncset.done $0x0  }
0xc0: {  	[sflag:s21] =	ssyncadd.s32 $0xFFFFC000  }
0xc1: {  	[spmem:s2] =	stream.indirect.scatter.add.f32 [tilespmem:s19], [sflag:$0x3], $0x80, s23, s17, $0xb8;
	[tilespmem:$0x1E800] =	vst v63  }
0xc2: {  	_ =	swait.ge [sflag:s15], $0x4000  }
0xc3: {  	[sflag:s15] =	ssyncset.done $0x0  }
0xc4: {  	s25 =	simm.s32 $0x0;
	[sflag:s15] =	ssyncadd.s32 $0xFFFFC000  }
0xc5: {  	[tilespmem:s25], [sflag:$0x3] =	stream.linear.gather [hbm4b:s10+s25], $0x1400, $0x38;
	[tilespmem:$0x1E800] =	vst v63  }
0xc6: {  	_ =	swait.ge [sflag:s15], $0x1400  }
0xc7: {  	[sflag:s15] =	ssyncset.done $0x0  }
0xc8: {  	[sflag:s15] =	ssyncadd.s32 $0xFFFFEC00  }
0xc9: {  	[tilespmem:s16], [sflag:$0x3] =	stream.linear.gather [hbm4b:s11+s25], $0x1400, $0x38;
	[tilespmem:$0x1E800] =	vst v63  }
0xca: {  	_ =	swait.ge [sflag:s15], $0x1400  }
0xcb: {  	[sflag:s15] =	ssyncset.done $0x0  }
0xcc: {  	[sflag:s15] =	ssyncadd.s32 $0xFFFFEC00  }
0xcd: {  	[tilespmem:s18], [sflag:$0x1] =	stream.indirect.gather [hbm4b:s1+s17], $0x80, s25, s17, $0xb8;
	[tilespmem:$0x1E800] =	vst v63  }
0xce: {  	_ = 	snop  }
0xcf: {  	[tilespmem:s19], [sflag:$0x2] =	stream.indirect.gather [hbm4b:s1+s17], $0x80, s17, s17, $0xb8;
	[tilespmem:$0x1E800] =	vst v63  }
0xd0: {  	_ =	swait.ge [sflag:s20], $0x4000  }
0xd1: {  	[sflag:s20] =	ssyncset.done $0x0  }
0xd2: {  	s29 =	simm.s32 $0x1400;
	[sflag:s20] =	ssyncadd.s32 $0xFFFFC000  }
0xd3: {  	[spmem:s2] =	stream.indirect.scatter.add.f32 [tilespmem:s18], [sflag:$0x3], $0x80, s29, s17, $0xb8;
	[tilespmem:$0x1E800] =	vst v63  }
0xd4: {  	_ =	swait.ge [sflag:s15], $0x4000  }
0xd5: {  	[sflag:s15] =	ssyncset.done $0x0  }
0xd6: {  	s30 =	simm.s32 $0x100;
	[sflag:s15] =	ssyncadd.s32 $0xFFFFC000  }
0xd7: {  	[tilespmem:s18], [sflag:$0x1] =	stream.indirect.gather [hbm4b:s1+s17], $0x80, s30, s17, $0xb8;
	[tilespmem:$0x1E800] =	vst v63  }
0xd8: {  	_ =	swait.ge [sflag:s21], $0x4000  }
0xd9: {  	[sflag:s21] =	ssyncset.done $0x0  }
0xda: {  	s31 =	simm.s32 $0x1480;
	[sflag:s21] =	ssyncadd.s32 $0xFFFFC000  }
0xdb: {  	[spmem:s2] =	stream.indirect.scatter.add.f32 [tilespmem:s19], [sflag:$0x3], $0x80, s31, s17, $0xb8;
	[tilespmem:$0x1E800] =	vst v63  }
0xdc: {  	_ =	swait.ge [sflag:s15], $0x4000  }
0xdd: {  	[sflag:s15] =	ssyncset.done $0x0  }
0xde: {  	s26 =	simm.s32 $0x180;
	s25 =	simm.s32 $0x400;
	[sflag:s15] =	ssyncadd.s32 $0xFFFFC000  }
.LBB2_5:
0xdf: {  	[tilespmem:s19], [sflag:$0x2] =	stream.indirect.gather [hbm4b:s1+s17], $0x80, s26, s17, $0xb8;
	[tilespmem:$0x1E800] =	vst v63  }
0xe0: {  	s26 =	smov.u32 s25  }
0xe1: {  	p1 =	seq.s32 s25, $0x4800;
	s25 =	sadd.s32 $0x400, s25;
	_ =	swait.ge [sflag:s20], $0x4000  }
0xe2: {  	s26 =	sshra.s32 s26, $0x2;
	[sflag:s20] =	ssyncset.done $0x0  }
0xe3: {  	s28 =	sadd.s32 $0x1400, s26;
	[sflag:s20] =	ssyncadd.s32 $0xFFFFC000  }
0xe4: {  	[spmem:s2] =	stream.indirect.scatter.add.f32 [tilespmem:s18], [sflag:$0x3], $0x80, s28, s17, $0xb8;
	[tilespmem:$0x1E800] =	vst v63  }
0xe5: {  	_ =	swait.ge [sflag:s15], $0x4000  }
0xe6: {  	[sflag:s15] =	ssyncset.done $0x0  }
0xe7: {  	s28 =	sadd.s32 $0x100, s26;
	[sflag:s15] =	ssyncadd.s32 $0xFFFFC000  }
0xe8: {  	[tilespmem:s18], [sflag:$0x1] =	stream.indirect.gather [hbm4b:s1+s17], $0x80, s28, s17, $0xb8;
	[tilespmem:$0x1E800] =	vst v63  }
0xe9: {  	_ =	swait.ge [sflag:s21], $0x4000  }
0xea: {  	[sflag:s21] =	ssyncset.done $0x0  }
.Ltmp7:
0xeb: {  	s28 =	sadd.s32 $0x1480, s26;
	[sflag:s21] =	ssyncadd.s32 $0xFFFFC000;
	(pc) =	sbr.rel @!p1 .LBB2_5-.Ltmp7, $4  }
0xec: {  	[spmem:s2] =	stream.indirect.scatter.add.f32 [tilespmem:s19], [sflag:$0x3], $0x80, s28, s17, $0xb8;
	[tilespmem:$0x1E800] =	vst v63  }
0xed: {  	_ =	swait.ge [sflag:s15], $0x4000  }
0xee: {  	[sflag:s15] =	ssyncset.done $0x0  }
0xef: {  	s26 =	sadd.s32 $0x180, s26;
	[sflag:s15] =	ssyncadd.s32 $0xFFFFC000  }
.Ltmp8:
0xf0: {  	(pc) =	sbr.rel .LBB2_12-.Ltmp8, $2  }
0xf1: {  	_ =	sdelay $0x2  }
0xf2: {  	[tilespmem:s19], [sflag:$0x2] =	stream.indirect.gather [hbm4b:s1+s17], $0x80, s26, s17, $0xb8;
	[tilespmem:$0x1E800] =	vst v63  }
.LBB2_13:
0xf3: {  	_ =	sfence.sel $0x180000  }
0xf4: {  	[bflag:$0x0] =	sbarrier.arrive $0xFFFF  }
0xf5: {  	p0 =	sne.s32 s3, $0x0;
	_ =	strace $0x9000004A  }
0xf6: {  	s0 =	sadd.s32 @!p0 $0x100000, s0;
	[bflag:$0x2] =	sbarrier.arrive $0xFFFF  }
0xf7: {  	[sflag:s0] =	ssyncadd.tile.s32 @!p0 $0x1;
	_ =	shalt  }
.Lfunc_end2:
_tile_overlayer_lowered:
.L_overlay_start_2:
0xf8: {  	(tag) =	ssettag $0x2  }
0xf9: {  	s0 =	rddreg [dreg:$0x0];
	s2 =	stileid.u32  }
0xfa: {  	s1 =	rddreg [dreg:$0x1];
	p0 =	sne.s32 s2, $0x0  }
0xfb: {  	s3 =	rddreg [dreg:$0x2];
	[bflag:$0x3] =	sbarrier.arrive $0xFFFF;
	s2 =	simm.s32 @!p0 $0x1C03  }
0xfc: {  	[timem:s3], [sflag:s2] =	dma.local @!p0 [hbm:s0], s1  }
0xfd: {  	s0 =	simm.s32 @!p0 $0x3  }
0xfe: {  	_ =	swait.ge @!p0 [sflag:s0], s1  }
0xff: {  	s1 =	ssub.s32 @!p0 $0x0, s1;
	[sflag:s0] =	ssyncset.done @!p0 $0x0  }
0x100: {  	[sflag:s0] =	ssyncadd.s32 @!p0 s1  }
0x101: {  	[bflag:$0x3] =	sbarrier.arrive $0xFFFF  }
0x102: {  	_ =	shalt  }

// kernel: kernel.16.cloned.1.call-start
scs
__scs_entry_jumppad:
0x0: {  	(pc) =	sbr.rel $0x88, $3  }
0x1: {  	(tag) =	ssettag $0x0;
	lr =	simm.s32 $0x1  }
0x2: {  	[smem:$0x3F9B] =	sst lr;
	_ =	strace $0xD0000000  }
0x3: {  	_ = 	snop  }
0x4: {  	_ = 	snop  }
0x5: {  	_ = 	snop  }
0x6: {  	_ = 	snop  }
0x7: {  	_ = 	snop  }
__scs_overlays_trampoline_lowered:
0x8: {  	[smem:$0x3FAA] =	sst s0  }
0x9: {  	[smem:$0x3FAB] =	sst s1  }
0xa: {  	[smem:$0x3FAC] =	sst s2  }
0xb: {  	[smem:$0x3FAD] =	sst s3  }
0xc: {  	[smem:$0x3FAE] =	sst s4  }
0xd: {  	[smem:$0x3FAF] =	sst s5  }
0xe: {  	[smem:$0x3FB0] =	sst s6  }
0xf: {  	[smem:$0x3FB1] =	sst s7  }
0x10: {  	[smem:$0x3FB2] =	sst s8  }
0x11: {  	[smem:$0x3FB3] =	sst s9;
	s0 =	simm.s32 @!p0 $0x0  }
0x12: {  	s1 =	sld [smem:$0x3F99];
	s0 =	simm.s32 @p0 $0x1  }
0x13: {  	[smem:$0x3FB4] =	sst s0;
	s0 =	simm.s32 @!p1 $0x0  }
0x14: {  	s2 =	sld [smem:$0x3F98];
	s0 =	simm.s32 @p1 $0x1  }
0x15: {  	[smem:$0x3FB5] =	sst s0;
	s0 =	simm.s32 @!p2 $0x0  }
0x16: {  	s3 =	sld [smem:$0x3FDB];
	s0 =	simm.s32 @p2 $0x1  }
0x17: {  	s4 =	simm.s32 $0x1BF5;
	[smem:$0x3FB7] =	sst s0  }
0x18: {  	s0 =	sld [smem:$0x3F9A];
	_ =	swait.ge [sflag:s4], $0x0  }
0x19: {  	s7 =	sld [smem:$0x3F9B]  }
0x1a: {  	s8 =	sadd.s32 $0xFFFFE003, lr  }
0x1b: {  	s9 =	sadd.s32 $0xFFFFFEF7, lr;
	s5 =	simm.s32 $0xFFFFFFFF;
	p2 =	slt.u32 s8, $0xFFFFF086  }
0x1c: {  	p1 =	slt.u32 s9, $0xF7A;
	s5 =	simm.s32 @!p2 $0x0  }
0x1d: {  	s5 =	simm.s32 @p1 $0x1;
	p0 =	seq.s32 s7, s2  }
0x1e: {  	s7 =	smul.u32 @!p0 $0xF7A, s2;
	p2 =	seq.s32 @!p0 s5, $0x0  }
0x1f: {  	s9 =	smul.u32 $0xF7A, s1;
	s8 =	simm.s32 @!p0 $0x1BF5;
	p2 =	por !p2, p0  }
0x20: {  	[sflag:s8] =	ssyncset.s32 @!p0 $0xFFFFF086;
	s6 =	sadd.s32 @!p0 s3, s7;
	s7 =	simm.s32 @!p0 $0x108  }
0x21: {  	s3 =	sadd.s32 s3, s9;
	s6 =	sadd.s32 @!p0 $0x88, s6;
	s7 =	simm.s32 @p2 $0x1082  }
0x22: {  	[simem:s7], [sflag:s8] =	dma.local @!p0 [hbm:s6], $0xF7A  }
0x23: {  	s9 =	sor.u32 $0xD0000000, s2;
	s6 =	simm.s32 $0x108;
	_ =	swait.ge @!p0 [sflag:s8], $0x0  }
0x24: {  	s3 =	sadd.s32 $0x88, s3;
	s6 =	simm.s32 @!p1 $0x1082;
	[sflag:s4] =	ssyncset.s32 $0xFFFFF086  }
0x25: {  	[simem:s6], [sflag:s4] =	dma.local [hbm:s3], $0xF7A  }
0x26: {  	[smem:$0x3F9B] =	sst s1;
	(tag) =	ssettag s2;
	_ =	strace s9  }
0x27: {  	s1 =	sld [smem:$0x3FAB]  }
0x28: {  	s2 =	sld [smem:$0x3FAC]  }
0x29: {  	s4 =	sld [smem:$0x3FAE]  }
0x2a: {  	p0 =	seq.s32 s5, $0x0;
	s5 =	sld [smem:$0x3FAF]  }
0x2b: {  	s6 =	sld [smem:$0x3FB0]  }
0x2c: {  	s7 =	sld [smem:$0x3FB1]  }
0x2d: {  	s3 =	simm.s32 $0x108;
	s8 =	sld [smem:$0x3FB2]  }
0x2e: {  	s3 =	simm.s32 @!p0 $0x1082;
	s9 =	sld [smem:$0x3FB3]  }
0x2f: {  	lr =	sadd.s32 s0, s3;
	s0 =	sld [smem:$0x3FAA]  }
0x30: {  	s3 =	sld [smem:$0x3FAD]  }
0x31: {  	[smem:$0x3FB6] =	sst s10  }
0x32: {  	s10 =	sld [smem:$0x3FB4];
	_ =	sdelay $0x3  }
0x33: {  	p0 =	seq.s32 s10, $0x1;
	s10 =	sld [smem:$0x3FB6];
	_ =	sdelay $0x3  }
0x34: {  	[smem:$0x3FB6] =	sst s10  }
0x35: {  	s10 =	sld [smem:$0x3FB5];
	_ =	sdelay $0x3  }
0x36: {  	p1 =	seq.s32 s10, $0x1;
	s10 =	sld [smem:$0x3FB6];
	_ =	sdelay $0x3  }
0x37: {  	[smem:$0x3FB6] =	sst s10  }
0x38: {  	s10 =	sld [smem:$0x3FB7]  }
0x39: {  	_ = 	snop;
	(pc) =	sbr.ind lr, $3  }
0x3a: {  	_ = 	snop  }
0x3b: {  	_ = 	snop  }
0x3c: {  	p2 =	seq.s32 s10, $0x1;
	s10 =	sld [smem:$0x3FB6]  }
0x3d: {  	_ =	shalt  }
0x3e: {  	_ =	shalt  }
0x3f: {  	_ =	shalt  }
0x40: {  	_ =	shalt  }
0x41: {  	_ =	shalt  }
0x42: {  	_ =	shalt  }
0x43: {  	_ =	shalt  }
0x44: {  	_ =	shalt  }
0x45: {  	_ =	shalt  }
0x46: {  	_ =	shalt  }
0x47: {  	_ =	shalt  }
0x48: {  	_ =	shalt  }
0x49: {  	_ =	shalt  }
0x4a: {  	_ =	shalt  }
0x4b: {  	_ =	shalt  }
0x4c: {  	_ =	shalt  }
0x4d: {  	_ =	shalt  }
0x4e: {  	_ =	shalt  }
0x4f: {  	_ =	shalt  }
0x50: {  	_ =	shalt  }
0x51: {  	_ =	shalt  }
0x52: {  	_ =	shalt  }
0x53: {  	_ =	shalt  }
0x54: {  	_ =	shalt  }
0x55: {  	_ =	shalt  }
0x56: {  	_ =	shalt  }
0x57: {  	_ =	shalt  }
0x58: {  	_ =	shalt  }
0x59: {  	_ =	shalt  }
0x5a: {  	_ =	shalt  }
0x5b: {  	_ =	shalt  }
0x5c: {  	_ =	shalt  }
0x5d: {  	_ =	shalt  }
0x5e: {  	_ =	shalt  }
0x5f: {  	_ =	shalt  }
0x60: {  	_ =	shalt  }
0x61: {  	_ =	shalt  }
0x62: {  	_ =	shalt  }
0x63: {  	_ =	shalt  }
0x64: {  	_ =	shalt  }
0x65: {  	_ =	shalt  }
0x66: {  	_ =	shalt  }
0x67: {  	_ =	shalt  }
0x68: {  	_ =	shalt  }
0x69: {  	_ =	shalt  }
0x6a: {  	_ =	shalt  }
0x6b: {  	_ =	shalt  }
0x6c: {  	_ =	shalt  }
0x6d: {  	_ =	shalt  }
0x6e: {  	_ =	shalt  }
0x6f: {  	_ =	shalt  }
0x70: {  	_ =	shalt  }
0x71: {  	_ =	shalt  }
0x72: {  	_ =	shalt  }
0x73: {  	_ =	shalt  }
0x74: {  	_ =	shalt  }
0x75: {  	_ =	shalt  }
0x76: {  	_ =	shalt  }
0x77: {  	_ =	shalt  }
0x78: {  	_ =	shalt  }
0x79: {  	_ =	shalt  }
0x7a: {  	_ =	shalt  }
0x7b: {  	_ =	shalt  }
0x7c: {  	_ =	shalt  }
0x7d: {  	_ =	shalt  }
0x7e: {  	_ =	shalt  }
0x7f: {  	_ =	shalt  }
0x80: {  	_ =	shalt  }
0x81: {  	_ =	shalt  }
0x82: {  	_ =	shalt  }
0x83: {  	_ =	shalt  }
0x84: {  	_ =	shalt  }
0x85: {  	_ =	shalt  }
0x86: {  	_ =	shalt  }
0x87: {  	_ =	shalt  }
.Lfunc_end0:
.L_simem_size_0:
called_computation.2_lowered:
.L_overlay_start_0:
0x88: {  	s2 =	sld [smem:$0x3FD9]  }
0x89: {  	s3 =	sld [smem:$0x3FFE];
	_ =	sdelay $0x1  }
0x8a: {  	s1 =	srdreg.scid  }
0x8b: {  	s0 =	sand.u32 $0x1, s1  }
0x8c: {  	s17 =	sshll.u32 s0, $0xA;
	s2 =	sadd.s32 s3, s2  }
0x8d: {  	s2 =	sadd.s32 s2, s17  }
0x8e: {  	[smem:$0x3FC2] =	sst s2  }
0x8f: {  	_ = 	snop  }
0x90: {  	s2 =	sld [smem:$0x3FD0];
	(tm) =	ssettm $0x1  }
0x91: {  	s18 =	sld [smem:$0x3FFB];
	_ =	sdelay $0x3  }
0x92: {  	_ =	strace s18  }
0x93: {  	s3 =	sld [smem:$0x3FFC];
	_ =	sdelay $0x3  }
0x94: {  	_ =	strace s3  }
0x95: {  	s3 =	sld [smem:$0x3FFD];
	_ =	sdelay $0x3  }
0x96: {  	_ =	strace s3  }
0x97: {  	_ =	strace $0x8FFFFFFF  }
0x98: {  	s19 =	sld [smem:$0x3FDB];
	_ =	sdelay $0x1  }
0x99: {  	s4 =	simm.s32 $_scs_section_size  }
0x9a: {  	s5 =	simm.s32 $_size__tile_overlayer_lowered;
	s6 =	simm.s32 $_tile_overlayer_lowered  }
0x9b: {  	s22 =	simm.s32 $0x1BFF;
	s21 =	sshll.u32 s6, $0x1;
	s3 =	sadd.s32 s4, s19  }
0x9c: {  	s7 =	simm.s32 $0x0;
	s20 =	sshll.u32 s5, $0x1;
	s5 =	sadd.s32 s21, s3  }
0x9d: {  	[timem:s7], [sflag:s22] =	dma.local [hbm:s5], s20  }
0x9e: {  	_ =	swait.ge [sflag:s22], s20  }
0x9f: {  	s4 =	ssub.s32 $0x0, s20;
	[sflag:s22] =	ssyncset.done $0x0  }
0xa0: {  	[sflag:s22] =	ssyncadd.s32 s4;
	_ =	sdelay $0x1  }
0xa1: {  	s23 =	simm.s32 $0x1B8B  }
0xa2: {  	_ =	swait.ge [sflag:s23], $0x1  }
0xa3: {  	[sflag:s23] =	ssyncset.done $0x0  }
0xa4: {  	s25 =	simm.s32 $0x1B8E;
	s24 =	sld [smem:$0x3FFE];
	[sflag:s23] =	ssyncadd.s32 $0xFFFFFFFF  }
0xa5: {  	s26 =	simm.s32 $execute0_lowered;
	[smem:$0x3FD2] =	sst s25  }
0xa6: {  	s5 =	sshll.u32 s26, $0x1;
	_ =	strace $0x8000004C;
	[dreg:$0x1] =	wrdreg $0xFFFFFFFF  }
0xa7: {  	s28 =	simm.s32 $_size_execute0_lowered;
	s3 =	sadd.s32 s3, s5;
	[dreg:$0x0] =	wrdreg $0x0  }
0xa8: {  	s5 =	sshll.u32 s28, $0x1;
	[dreg:$0x2] =	wrdreg s3  }
0xa9: {  	[dreg:$0x3] =	wrdreg s5  }
0xaa: {  	[dreg:$0x4] =	wrdreg $0xC0  }
0xab: {  	_ =	task [dreg:s7], $0x5FFFF  }
0xac: {  	[dreg:$0x1] =	wrdreg $0xFFFFFFFF  }
0xad: {  	[dreg:$0x0] =	wrdreg $0x60  }
0xae: {  	[dreg:$0x2] =	wrdreg s2  }
0xaf: {  	[dreg:$0x3] =	wrdreg s24  }
0xb0: {  	[dreg:$0x4] =	wrdreg $0xA8000  }
0xb1: {  	[dreg:$0x5] =	wrdreg $0x9  }
0xb2: {  	_ =	task.clear_ibuf [dreg:s7], $0x6FFFF;
	_ =	strace $0x9000004C  }
0xb3: {  	s29 =	simm.s32 $0x9;
	_ =	strace $0x8000004E  }
0xb4: {  	_ =	swait.ge [sflag:s29], $0x1  }
0xb5: {  	[sflag:s29] =	ssyncadd.s32 $0xFFFFFFFF  }
0xb6: {  	_ =	strace $0x9000004E  }
0xb7: {  	_ =	sfence  }
0xb8: {  	s30 =	sld [smem:$0x0];
	_ =	sdelay $0x2  }
0xb9: {  	s31 =	sshll.u32 s1, $0xD;
	s1 =	sshrl.u32 s1, $0x2  }
0xba: {  	s3 =	sand.u32 $0x4000, s31;
	s1 =	sadd.s32 s1, s30  }
0xbb: {  	s0 =	sor.u32 s3, s0;
	s1 =	sshll.u32 s1, $0x11  }
0xbc: {  	s0 =	sor.u32 s1, s0  }
0xbd: {  	s0 =	sadd.s32 $0x8F2B, s0  }
0xbe: {  	[sflag:s0] =	ssyncadd.remote.s32 $0x1  }
0xbf: {  	_ =	sfence.sel $0xFFFF  }
0xc0: {  	[dreg:$0x0] =	wrdreg $0xFFFFFFFF;
	(pc) =	sbr.abs _section_cstart, $3  }
0xc1: {  	[dreg:$0x1] =	wrdreg $0xFFFFFFFF  }
0xc2: {  	_ =	task.clear_ibuf [dreg:s7], $0x2FFFF;
	_ =	strace $0x9FFFFFFF  }
0xc3: {  	(tm) =	ssettm $0x7FFFFFFF  }
tec
execute0_lowered:
.L_overlay_start_1:
0x0: {  	(tag) =	ssettag $0x1  }
0x1: {  	s1 =	rddreg [dreg:$0x0]  }
0x2: {  	s0 =	srdreg.scid;
	s7 =	rddreg [dreg:$0x1]  }
0x3: {  	s3 =	rddreg [dreg:$0x2];
	s4 =	simm.s32 $0x0;
	s14 =	simm.s32 $0x80  }
0x4: {  	s15 =	simm.s32 $0x2800;
	s16 =	simm.s32 $0x6800;
	s17 =	simm.s32 $0x1  }
0x5: {  	s18 =	simm.s32 $0x2;
	s6 =	sand.u32 $0x1, s0;
	s0 =	stileid.u32  }
0x6: {  	s19 =	simm.s32 $0x2700;
	s20 =	simm.s32 $0x2780;
	s8 =	smul.u32 $0x2800, s0  }
0x7: {  	s21 =	simm.s32 $0x0;
	[smem:$0x7FF] =	sst s4;
	s9 =	smul.u32 $0x2AF80, s6  }
0x8: {  	s2 =	sshll.u32 s6, $0x4;
	s28 =	smul.u32 $0x50000, s0;
	s6 =	ssub.s32 $0x2, s6  }
0x9: {  	s31 =	sshll.u32 s0, $0x6;
	s2 =	sor.u32 s0, s2;
	s29 =	sshrl.u32 s6, $0x1  }
0xa: {  	s5 =	smul.u32 $0x280, s2;
	s2 =	rddreg [dreg:$0x3];
	_ =	strace $0x8000004D  }
0xb: {  	s8 =	sadd.s32 s8, s9;
	s30 =	sshrl.u32 s28, $0x2;
	s12 =	ssub.s32 s6, s29  }
0xc: {  	s6 =	sor.u32 $0x1C03, s31;
	s11 =	sadd.s32 s8, s7;
	s13 =	sadd.s32 s30, s3  }
0xd: {  	s10 =	sadd.s32 s5, s7;
	s5 =	sadd.s32 $0xCC00, s7;
	s9 =	sadd.s32 $0xF400, s11  }
0xe: {  	s11 =	sshrl.u32 s13, $0x3;
	s13 =	simm.s32 $0x1400;
	s7 =	sadd.s32 $0x7C00, s10  }
0xf: {  	s8 =	sadd.s32 $0x2C00, s10;
	s10 =	smax.u32 s12, $0x1;
	s12 =	simm.s32 $0x3  }
.LBB2_1:
0x10: {  	[spmem:s11], [sflag:s6] =	dma.local [hbm:s5], $0x2800  }
0x11: {  	_ =	swait.ge [sflag:s12], $0x2800  }
0x12: {  	[sflag:s12] =	ssyncset.done $0x0  }
0x13: {  	[sflag:s12] =	ssyncadd.s32 $0xFFFFD800  }
0x14: {  	[tilespmem:s4], [sflag:$0x3] =	stream.linear.gather [hbm4b:s7+s4], $0x1400, $0x38;
	[tilespmem:$0x1E800] =	vst v63  }
0x15: {  	_ =	swait.ge [sflag:s12], $0x1400  }
0x16: {  	[sflag:s12] =	ssyncset.done $0x0  }
0x17: {  	[sflag:s12] =	ssyncadd.s32 $0xFFFFEC00  }
0x18: {  	[tilespmem:s13], [sflag:$0x3] =	stream.linear.gather [hbm4b:s8+s4], $0x1400, $0x38;
	[tilespmem:$0x1E800] =	vst v63  }
0x19: {  	_ =	swait.ge [sflag:s12], $0x1400  }
0x1a: {  	[sflag:s12] =	ssyncset.done $0x0  }
0x1b: {  	[sflag:s12] =	ssyncadd.s32 $0xFFFFEC00  }
0x1c: {  	[bflag:$0x0] =	sbarrier.arrive $0xFFFF  }
0x1d: {  	[tilespmem:s15], [sflag:$0x1] =	stream.indirect.gather [hbm4b:s1+s14], $0x80, s4, s14, $0xb8;
	[tilespmem:$0x1E800] =	vst v63  }
0x1e: {  	_ = 	snop  }
0x1f: {  	[tilespmem:s16], [sflag:$0x2] =	stream.indirect.gather [hbm4b:s1+s14], $0x80, s14, s14, $0xb8;
	[tilespmem:$0x1E800] =	vst v63  }
0x20: {  	_ =	swait.ge [sflag:s17], $0x4000  }
0x21: {  	[sflag:s17] =	ssyncset.done $0x0  }
0x22: {  	s22 =	simm.s32 $0x1400;
	[sflag:s17] =	ssyncadd.s32 $0xFFFFC000  }
0x23: {  	[spmem:s3] =	stream.indirect.scatter.add.f32 [tilespmem:s15], [sflag:$0x3], $0x80, s22, s14, $0xb8;
	[tilespmem:$0x1E800] =	vst v63  }
0x24: {  	_ =	swait.ge [sflag:s12], $0x4000  }
0x25: {  	[sflag:s12] =	ssyncset.done $0x0  }
0x26: {  	s30 =	simm.s32 $0x100;
	[sflag:s12] =	ssyncadd.s32 $0xFFFFC000  }
0x27: {  	[tilespmem:s15], [sflag:$0x1] =	stream.indirect.gather [hbm4b:s1+s14], $0x80, s30, s14, $0xb8;
	[tilespmem:$0x1E800] =	vst v63  }
0x28: {  	_ =	swait.ge [sflag:s18], $0x4000  }
0x29: {  	[sflag:s18] =	ssyncset.done $0x0  }
0x2a: {  	s31 =	simm.s32 $0x1480;
	[sflag:s18] =	ssyncadd.s32 $0xFFFFC000  }
0x2b: {  	[spmem:s3] =	stream.indirect.scatter.add.f32 [tilespmem:s16], [sflag:$0x3], $0x80, s31, s14, $0xb8;
	[tilespmem:$0x1E800] =	vst v63  }
0x2c: {  	_ =	swait.ge [sflag:s12], $0x4000  }
0x2d: {  	[sflag:s12] =	ssyncset.done $0x0  }
0x2e: {  	s23 =	simm.s32 $0x180;
	s22 =	simm.s32 $0x400;
	[sflag:s12] =	ssyncadd.s32 $0xFFFFC000  }
.LBB2_2:
0x2f: {  	[tilespmem:s16], [sflag:$0x2] =	stream.indirect.gather [hbm4b:s1+s14], $0x80, s23, s14, $0xb8;
	[tilespmem:$0x1E800] =	vst v63  }
0x30: {  	s23 =	smov.u32 s22  }
0x31: {  	p0 =	sne.s32 s22, $0x4800;
	s22 =	sadd.s32 $0x400, s22;
	_ =	swait.ge [sflag:s17], $0x4000  }
0x32: {  	s23 =	sshra.s32 s23, $0x2;
	[sflag:s17] =	ssyncset.done $0x0  }
0x33: {  	s24 =	sadd.s32 $0x1400, s23;
	[sflag:s17] =	ssyncadd.s32 $0xFFFFC000  }
0x34: {  	[spmem:s3] =	stream.indirect.scatter.add.f32 [tilespmem:s15], [sflag:$0x3], $0x80, s24, s14, $0xb8;
	[tilespmem:$0x1E800] =	vst v63  }
0x35: {  	_ =	swait.ge [sflag:s12], $0x4000  }
0x36: {  	[sflag:s12] =	ssyncset.done $0x0  }
0x37: {  	s24 =	sadd.s32 $0x100, s23;
	[sflag:s12] =	ssyncadd.s32 $0xFFFFC000  }
0x38: {  	[tilespmem:s15], [sflag:$0x1] =	stream.indirect.gather [hbm4b:s1+s14], $0x80, s24, s14, $0xb8;
	[tilespmem:$0x1E800] =	vst v63  }
0x39: {  	_ =	swait.ge [sflag:s18], $0x4000  }
0x3a: {  	[sflag:s18] =	ssyncset.done $0x0  }
.Ltmp0:
0x3b: {  	s24 =	sadd.s32 $0x1480, s23;
	[sflag:s18] =	ssyncadd.s32 $0xFFFFC000;
	(pc) =	sbr.rel @p0 .LBB2_2-.Ltmp0, $4  }
0x3c: {  	[spmem:s3] =	stream.indirect.scatter.add.f32 [tilespmem:s16], [sflag:$0x3], $0x80, s24, s14, $0xb8;
	[tilespmem:$0x1E800] =	vst v63  }
0x3d: {  	_ =	swait.ge [sflag:s12], $0x4000  }
0x3e: {  	[sflag:s12] =	ssyncset.done $0x0  }
0x3f: {  	s23 =	sadd.s32 $0x180, s23;
	[sflag:s12] =	ssyncadd.s32 $0xFFFFC000  }
0x40: {  	[tilespmem:s16], [sflag:$0x2] =	stream.indirect.gather [hbm4b:s1+s14], $0x80, s23, s14, $0xb8;
	[tilespmem:$0x1E800] =	vst v63  }
0x41: {  	_ =	swait.ge [sflag:s17], $0x4000  }
0x42: {  	[sflag:s17] =	ssyncset.done $0x0  }
0x43: {  	[sflag:s17] =	ssyncadd.s32 $0xFFFFC000  }
0x44: {  	[spmem:s3] =	stream.indirect.scatter.add.f32 [tilespmem:s15], [sflag:$0x3], $0x80, s19, s14, $0xb8;
	[tilespmem:$0x1E800] =	vst v63  }
0x45: {  	_ =	swait.ge [sflag:s12], $0x4000  }
0x46: {  	[sflag:s12] =	ssyncset.done $0x0  }
0x47: {  	[sflag:s12] =	ssyncadd.s32 $0xFFFFC000  }
0x48: {  	_ =	swait.ge [sflag:s18], $0x4000  }
0x49: {  	[sflag:s18] =	ssyncset.done $0x0  }
0x4a: {  	[sflag:s18] =	ssyncadd.s32 $0xFFFFC000  }
0x4b: {  	[spmem:s3] =	stream.indirect.scatter.add.f32 [tilespmem:s16], [sflag:$0x3], $0x80, s20, s14, $0xb8;
	[tilespmem:$0x1E800] =	vst v63  }
0x4c: {  	_ =	swait.ge [sflag:s12], $0x4000  }
0x4d: {  	s21 =	sadd.s32 $0x1, s21;
	[sflag:s12] =	ssyncset.done $0x0  }
0x4e: {  	p0 =	sne.s32 s21, s10;
	[sflag:s12] =	ssyncadd.s32 $0xFFFFC000  }
.Ltmp1:
0x4f: {  	[bflag:$0x0] =	sbarrier.arrive $0xFFFF;
	(pc) =	sbr.rel @p0 .LBB2_1-.Ltmp1, $4  }
0x50: {  	[hbm:s9], [sflag:s6] =	dma.local [spmem:s11], $0x2800  }
0x51: {  	_ =	swait.ge [sflag:s12], $0x2800  }
0x52: {  	[sflag:s12] =	ssyncset.done $0x0  }
0x53: {  	[sflag:s12] =	ssyncadd.s32 $0xFFFFD800  }
0x54: {  	_ =	sfence.sel $0x180000  }
0x55: {  	[bflag:$0x0] =	sbarrier.arrive $0xFFFF  }
0x56: {  	p0 =	sne.s32 s0, $0x0;
	_ =	strace $0x9000004D  }
0x57: {  	s0 =	sadd.s32 @!p0 $0x100000, s2;
	[bflag:$0x2] =	sbarrier.arrive $0xFFFF  }
0x58: {  	[sflag:s0] =	ssyncadd.tile.s32 @!p0 $0x1;
	_ =	shalt  }
.Lfunc_end2:
_tile_overlayer_lowered:
.L_overlay_start_2:
0x59: {  	(tag) =	ssettag $0x2  }
0x5a: {  	s0 =	rddreg [dreg:$0x0];
	s2 =	stileid.u32  }
0x5b: {  	s1 =	rddreg [dreg:$0x1];
	p0 =	sne.s32 s2, $0x0  }
0x5c: {  	s3 =	rddreg [dreg:$0x2];
	[bflag:$0x3] =	sbarrier.arrive $0xFFFF;
	s2 =	simm.s32 @!p0 $0x1C03  }
0x5d: {  	[timem:s3], [sflag:s2] =	dma.local @!p0 [hbm:s0], s1  }
0x5e: {  	s0 =	simm.s32 @!p0 $0x3  }
0x5f: {  	_ =	swait.ge @!p0 [sflag:s0], s1  }
0x60: {  	s1 =	ssub.s32 @!p0 $0x0, s1;
	[sflag:s0] =	ssyncset.done @!p0 $0x0  }
0x61: {  	[sflag:s0] =	ssyncadd.s32 @!p0 s1  }
0x62: {  	[bflag:$0x3] =	sbarrier.arrive $0xFFFF  }
0x63: {  	_ =	shalt  }

</sc_bundles>
